<compile_context>
chip_gen: v7x
topology: tpu7x:2x2x1
jax: 0.10.2.dev20260603
libtpu: 0.0.44.dev20260713+nightly
codegen_flags: <defaults>
</compile_context>

<pallas_src>
import functools

import jax
import jax.numpy as jnp
from jax import lax
from jax.experimental import pallas as pl
from jax.experimental.pallas import tpu as pltpu
from jax.experimental.pallas import tpu_sc as plsc

N_NODES = 100000
NUM_SEGMENTS = 1024
HIDDEN = 128
LANES = 16
HV = HIDDEN // LANES
SEG_PER_W = 32
CHUNK = 256
NWIN = 784
CPAD = 896
NQ = 48
SENT = 1 << 20


def _splat(val, dtype=jnp.int32):
    return jnp.full((LANES,), val, dtype)


def _extract_i32(ref, idx_scalar):
    g = plsc.load_gather(ref, [_splat(idx_scalar)])
    return jnp.max(g)


@functools.partial(
    pl.kernel,
    mesh=plsc.VectorSubcoreMesh(core_axis_name="c", subcore_axis_name="s"),
    out_type=jax.ShapeDtypeStruct((NUM_SEGMENTS * HIDDEN,), jnp.float32),
    compiler_params=pltpu.CompilerParams(needs_layout_passes=False),
    scratch_types=[
        pltpu.VMEM((CHUNK * HIDDEN,), jnp.float32),
        pltpu.VMEM((CHUNK * HIDDEN,), jnp.float32),
        pltpu.VMEM((CPAD,), jnp.int32),
        pltpu.VMEM((NQ,), jnp.int32),
        pltpu.VMEM((NQ, 128), jnp.int32),
        pltpu.VMEM((128,), jnp.int32),
        pltpu.VMEM((128,), jnp.float32),
        pltpu.VMEM((SEG_PER_W * HIDDEN,), jnp.float32),
        pltpu.VMEM((SEG_PER_W * HIDDEN,), jnp.float32),
        pltpu.VMEM((SEG_PER_W * HIDDEN,), jnp.float32),
        pltpu.SMEM((40,), jnp.int32),
        pltpu.SemaphoreType.DMA,
        pltpu.SemaphoreType.DMA,
        pltpu.SemaphoreType.DMA,
    ],
)
def _readout_kernel(x_hbm, b2d_hbm, coarse_hbm, w_hbm, out_hbm,
                    xbuf0, xbuf1, cv, widx, wins, jwbuf, wv, asum, amax,
                    obuf, bsm, sem, sem0, sem1):
    wid = lax.axis_index("c") * 16 + lax.axis_index("s")
    iota = jnp.arange(LANES, dtype=jnp.int32)
    zeros = jnp.zeros((LANES,), jnp.float32)
    neginf = jnp.full((LANES,), -jnp.inf, jnp.float32)
    seg_base = wid * SEG_PER_W

    pltpu.sync_copy(coarse_hbm, cv)
    pltpu.sync_copy(w_hbm, wv)

    def init_body(i, _):
        asum[pl.ds(i * LANES, LANES)] = zeros
        amax[pl.ds(i * LANES, LANES)] = neginf
        return 0

    lax.fori_loop(0, SEG_PER_W * HV, init_body, 0)

    for g in range(NQ // LANES):
        qv = seg_base + g * LANES + iota

        def bs_step(_, lh):
            lo, hi = lh
            mid = lax.div(lo + hi, 2)
            val = plsc.load_gather(cv, [mid])
            less = val < qv
            return (jnp.where(less, mid + 1, lo), jnp.where(less, hi, mid))

        lo0 = jnp.zeros((LANES,), jnp.int32)
        hi0 = jnp.full((LANES,), CPAD, jnp.int32)
        _, jq = lax.fori_loop(0, 10, bs_step, (lo0, hi0))
        jw = jnp.maximum(jq - 1, 0)
        widx[pl.ds(g * LANES, LANES)] = jw
        jwbuf[pl.ds(g * LANES, LANES)] = jw

    pltpu.async_copy(b2d_hbm.at[widx], wins, sem).wait()

    def refine_body(i, _):
        jw_i = _extract_i32(jwbuf, i)
        s_i = seg_base + i
        cacc = jnp.zeros((LANES,), jnp.int32)
        for h in range(HV):
            wvv = wins[i, pl.ds(h * LANES, LANES)]
            cacc = cacc + plsc.all_reduce_population_count(wvv < s_i)
        bsm[i] = jw_i * 128 + jnp.max(cacc)
        return 0

    lax.fori_loop(0, SEG_PER_W + 1, refine_body, 0)

    start = bsm[0]
    end = bsm[SEG_PER_W]
    nchunks = (end - start + (CHUNK - 1)) // CHUNK
    nch2 = 2 * ((nchunks + 1) // 2)

    def dma_start(k, buf, dsem):
        base = jnp.minimum(start + k * CHUNK, N_NODES - CHUNK)
        pltpu.async_copy(
            x_hbm.at[pl.ds(base * HIDDEN, CHUNK * HIDDEN)], buf, dsem)

    def dma_wait(buf, dsem):
        pltpu.make_async_copy(
            x_hbm.at[pl.ds(0, CHUNK * HIDDEN)], buf, dsem).wait()

    @pl.when(nchunks > 0)
    def _():
        dma_start(0, xbuf0, sem0)
        dma_start(1, xbuf1, sem1)

    def process(k, buf, dsem, s_cur):
        lo_k = start + k * CHUNK
        hi_k = jnp.minimum(lo_k + CHUNK, end)
        base = jnp.minimum(lo_k, N_NODES - CHUNK)
        dma_wait(buf, dsem)

        def seg_cond(s):
            return jnp.logical_and(s < SEG_PER_W, bsm[s] < hi_k)

        def seg_body(s):
            r0 = jnp.maximum(bsm[s], lo_k)
            r1 = jnp.maximum(jnp.minimum(bsm[s + 1], hi_k), r0)
            soff = s * HIDDEN
            acc = tuple(
                [asum[pl.ds(soff + h * LANES, LANES)] for h in range(HV)]
                + [amax[pl.ds(soff + h * LANES, LANES)] for h in range(HV)]
            )

            def row_fn(r, a):
                xo = (r - base) * HIDDEN
                xs = [buf[pl.ds(xo + h * LANES, LANES)] for h in range(HV)]
                return tuple(
                    [a[h] + xs[h] for h in range(HV)]
                    + [jnp.maximum(a[HV + h], xs[h]) for h in range(HV)]
                )

            acc = lax.fori_loop(r0, r1, row_fn, acc)
            for h in range(HV):
                asum[pl.ds(soff + h * LANES, LANES)] = acc[h]
                amax[pl.ds(soff + h * LANES, LANES)] = acc[HV + h]
            return s + 1

        s_exit = lax.while_loop(seg_cond, seg_body, s_cur)

        @pl.when(k + 2 < nch2)
        def _():
            dma_start(k + 2, buf, dsem)

        return jnp.maximum(s_exit - 1, 0)

    def pair_body(k2, s_cur):
        k0 = 2 * k2
        s_cur = process(k0, xbuf0, sem0, s_cur)
        s_cur = process(k0 + 1, xbuf1, sem1, s_cur)
        return s_cur

    lax.fori_loop(0, nch2 // 2, pair_body, 0)

    w0 = plsc.load_gather(wv, [_splat(1)])
    w1 = plsc.load_gather(wv, [_splat(2)])
    w2 = plsc.load_gather(wv, [_splat(3)])

    def out_body(s, _):
        cnt = (bsm[s + 1] - bsm[s]).astype(jnp.float32)
        cvv = jnp.full((LANES,), cnt)
        has = cvv > 0.0
        inv = 1.0 / jnp.maximum(cvv, 1.0)
        for h in range(HV):
            off = s * HIDDEN + h * LANES
            sv = asum[pl.ds(off, LANES)]
            mx = jnp.where(has, amax[pl.ds(off, LANES)], zeros)
            obuf[pl.ds(off, LANES)] = (w0 * inv) * sv + w1 * mx + w2 * sv
        return 0

    lax.fori_loop(0, SEG_PER_W, out_body, 0)
    pltpu.sync_copy(obuf, out_hbm.at[pl.ds(seg_base * HIDDEN, SEG_PER_W * HIDDEN)])


def kernel(x, batch, mask, weights):
    del mask
    bpad = jnp.concatenate(
        [batch, jnp.full((NWIN * 128 - N_NODES,), SENT, jnp.int32)]
    )
    b2d = bpad.reshape(NWIN, 128)
    coarse = jnp.concatenate(
        [bpad[:: 128], jnp.full((CPAD - NWIN,), SENT, jnp.int32)]
    )
    wpad = jnp.zeros((128,), jnp.float32).at[1:4].set(weights)
    out = _readout_kernel(x.reshape(-1), b2d, coarse, wpad)
    return out.reshape(NUM_SEGMENTS, HIDDEN)

# --- scband reference (transcript-rebuilt; emitter-appended) ---
"""Pipeline reference for scband-readout-mixed-op-4544075399256 (READ-ONLY COPY).

The authoritative reference and input builder live on the scoring server;
editing this copy changes nothing except your own understanding.
"""

import jax, jax.numpy as jnp
import numpy as np

NUM_SEGMENTS = 1024
N_NODES = 100000
HIDDEN = 128


def setup_inputs(seed: int = 0) -> dict:
    key = jax.random.key(seed)
    k1, k2, k3 = jax.random.split(key, 3)
    x = jax.random.normal(k1, (N_NODES, HIDDEN), dtype=jnp.float32)
    batch = jnp.sort(jax.random.randint(k2, (N_NODES,), 0, NUM_SEGMENTS, dtype=jnp.int32))
    mask = jnp.ones((N_NODES,), dtype=jnp.float32)
    weights = jax.random.uniform(k3, (3,), dtype=jnp.float32)
    return {"x": x, "batch": batch, "mask": mask, "weights": weights}


def reference(x, batch, mask, weights):
    # ReadoutMixedOp with READOUT_PRIMITIVES = [global_mean, global_max, global_add]
    # Each op is a segment reduction over graph ids `batch`; mask is carried through
    # the signature but unused by these pooling primitives (as in PAS readout ops).
    seg_sum = jax.ops.segment_sum(x, batch, num_segments=NUM_SEGMENTS)
    cnt = jax.ops.segment_sum(jnp.ones((x.shape[0],), dtype=x.dtype), batch,
                              num_segments=NUM_SEGMENTS)
    seg_mean = seg_sum / jnp.maximum(cnt, 1.0)[:, None]
    seg_max = jax.ops.segment_max(x, batch, num_segments=NUM_SEGMENTS)
    seg_max = jnp.where(cnt[:, None] > 0, seg_max, 0.0)
    mixed = weights[0] * seg_mean + weights[1] * seg_max + weights[2] * seg_sum
    return mixed

if __name__ == "__main__":
    import jax
    _d = setup_inputs()
    print(jax.jit(kernel)(*tuple(_d.values())))

</pallas_src>

<mosaic_0001>
#map = affine_map<(d0, d1) -> (0)>
#map1 = affine_map<(d0, d1) -> (0, 0)>
module attributes {stable_mosaic.version = 14 : i64} {
  func.func @_readout_kernel(%arg0: i32, %arg1: i32, %arg2: memref<12800000xf32, #tpu.memory_space<hbm>>, %arg3: memref<784x128xi32, #tpu.memory_space<hbm>>, %arg4: memref<896xi32, #tpu.memory_space<hbm>>, %arg5: memref<128xf32, #tpu.memory_space<hbm>>, %arg6: memref<131072xf32, #tpu.memory_space<hbm>>, %arg7: memref<32768xf32, #tpu.memory_space<vmem>>, %arg8: memref<32768xf32, #tpu.memory_space<vmem>>, %arg9: memref<896xi32, #tpu.memory_space<vmem>>, %arg10: memref<48xi32, #tpu.memory_space<vmem>>, %arg11: memref<48x128xi32, #tpu.memory_space<vmem>>, %arg12: memref<128xi32, #tpu.memory_space<vmem>>, %arg13: memref<128xf32, #tpu.memory_space<vmem>>, %arg14: memref<4096xf32, #tpu.memory_space<vmem>>, %arg15: memref<4096xf32, #tpu.memory_space<vmem>>, %arg16: memref<4096xf32, #tpu.memory_space<vmem>>, %arg17: memref<40xi32, #tpu.memory_space<smem>>, %arg18: memref<!tpu.dma_semaphore, #tpu.memory_space<semaphore_mem>>, %arg19: memref<!tpu.dma_semaphore, #tpu.memory_space<semaphore_mem>>, %arg20: memref<!tpu.dma_semaphore, #tpu.memory_space<semaphore_mem>>) attributes {dimension_semantics = [#tpu.dimension_semantics<core_parallel>, #tpu.dimension_semantics<subcore_parallel>], iteration_bounds = array<i64: 2, 16>, scalar_prefetch = 0 : i64, scratch_operands = 14 : i64, tpu.core_type = #tpu.core_type<sc_vector_subcore>, window_params = [{transform_indices = #map}, {transform_indices = #map1}, {transform_indices = #map}, {transform_indices = #map}, {transform_indices = #map}]} {
    %mul3A = arith.constant 16 : i32
    %mul3A_0 = arith.muli %arg0, %mul3A : i32
    %add3A = arith.addi %mul3A_0, %arg1 : i32
    %iota3A = tpu.iota {dimensions = array<i32: 0>} : vector<16xi32>
    %broadcast_in_dim3A = arith.constant 0.000000e+00 : f32
    %broadcast_in_dim3A_1 = vector.broadcast %broadcast_in_dim3A : f32 to vector<16xf32>
    %broadcast_in_dim3A_2 = arith.constant 0xFF800000 : f32
    %broadcast_in_dim3A_3 = vector.broadcast %broadcast_in_dim3A_2 : f32 to vector<16xf32>
    %mul3A_4 = arith.constant 32 : i32
    %mul3A_5 = arith.muli %add3A, %mul3A_4 : i32
    "tpu.region"() ({
      %run_scoped3A = tpu.sem_alloc : memref<!tpu.dma_semaphore, #tpu.memory_space<semaphore_mem>>
      tpu.enqueue_dma source(%arg4 : memref<896xi32, #tpu.memory_space<hbm>>) target(%arg9 : memref<896xi32, #tpu.memory_space<vmem>>) target_semaphore(%run_scoped3A : memref<!tpu.dma_semaphore, #tpu.memory_space<semaphore_mem>>)
      tpu.wait_dma2 semaphore(%run_scoped3A : memref<!tpu.dma_semaphore, #tpu.memory_space<semaphore_mem>>) src(%arg4 : memref<896xi32, #tpu.memory_space<hbm>>) dst(%arg9 : memref<896xi32, #tpu.memory_space<vmem>>)
      tpu.yield
    }) : () -> ()
    "tpu.region"() ({
      %run_scoped3A = tpu.sem_alloc : memref<!tpu.dma_semaphore, #tpu.memory_space<semaphore_mem>>
      tpu.enqueue_dma source(%arg5 : memref<128xf32, #tpu.memory_space<hbm>>) target(%arg13 : memref<128xf32, #tpu.memory_space<vmem>>) target_semaphore(%run_scoped3A : memref<!tpu.dma_semaphore, #tpu.memory_space<semaphore_mem>>)
      tpu.wait_dma2 semaphore(%run_scoped3A : memref<!tpu.dma_semaphore, #tpu.memory_space<semaphore_mem>>) src(%arg5 : memref<128xf32, #tpu.memory_space<hbm>>) dst(%arg13 : memref<128xf32, #tpu.memory_space<vmem>>)
      tpu.yield
    }) : () -> ()
    %scan3A = arith.constant 0 : i32
    %scan3A_6 = arith.constant 0 : i32
    %scan3A_7 = arith.constant 256 : i32
    %scan3A_8 = arith.addi %scan3A_6, %scan3A_7 : i32
    %scan3A_9 = arith.constant 1 : i32
    %scan3A_10 = scf.for %scan3A_199 = %scan3A_6 to %scan3A_8 step %scan3A_9 iter_args(%scan3A_200 = %scan3A) -> (i32)  : i32 {
      %mul3A_201 = arith.constant 16 : i32
      %mul3A_202 = arith.muli %scan3A_199, %mul3A_201 : i32
      %swap3A_203 = arith.index_cast %mul3A_202 : i32 to index
      %swap3A_204 = tpu.vector_load %arg14[%swap3A_203] {strides = array<i32>} : memref<4096xf32, #tpu.memory_space<vmem>>, vector<16xf32>,
      tpu.vector_store %arg14[%swap3A_203], %broadcast_in_dim3A_1 {strides = array<i32>} : memref<4096xf32, #tpu.memory_space<vmem>>, vector<16xf32>,
      %mul3A_205 = arith.constant 16 : i32
      %mul3A_206 = arith.muli %scan3A_199, %mul3A_205 : i32
      %swap3A_207 = arith.index_cast %mul3A_206 : i32 to index
      %swap3A_208 = tpu.vector_load %arg15[%swap3A_207] {strides = array<i32>} : memref<4096xf32, #tpu.memory_space<vmem>>, vector<16xf32>,
      tpu.vector_store %arg15[%swap3A_207], %broadcast_in_dim3A_3 {strides = array<i32>} : memref<4096xf32, #tpu.memory_space<vmem>>, vector<16xf32>,
      %scan3A_209 = arith.constant 0 : i32
      scf.yield %scan3A_209 : i32
    }
    %scan3A_11 = arith.constant 256 : i32
    %add3A_12 = arith.constant 0 : i32
    %add3A_13 = arith.addi %mul3A_5, %add3A_12 : i32
    %add3A_14 = vector.broadcast %add3A_13 : i32 to vector<16xi32>
    %add3A_15 = arith.addi %add3A_14, %iota3A : vector<16xi32>
    %broadcast_in_dim3A_16 = arith.constant 0 : i32
    %broadcast_in_dim3A_17 = vector.broadcast %broadcast_in_dim3A_16 : i32 to vector<16xi32>
    %broadcast_in_dim3A_18 = arith.constant 896 : i32
    %broadcast_in_dim3A_19 = vector.broadcast %broadcast_in_dim3A_18 : i32 to vector<16xi32>
    %scan3A_20 = arith.constant 0 : i32
    %scan3A_21 = arith.constant 10 : i32
    %scan3A_22 = arith.addi %scan3A_20, %scan3A_21 : i32
    %scan3A_23 = arith.constant 1 : i32
    %scan3A_24:2 = scf.for %scan3A_199 = %scan3A_20 to %scan3A_22 step %scan3A_23 iter_args(%scan3A_200 = %broadcast_in_dim3A_17, %scan3A_201 = %broadcast_in_dim3A_19) -> (vector<16xi32>, vector<16xi32>)  : i32 {
      %add3A_202 = arith.addi %scan3A_200, %scan3A_201 : vector<16xi32>
      %div3A_203 = arith.constant 2 : i32
      %div3A_204 = vector.broadcast %div3A_203 : i32 to vector<16xi32>
      %div3A_205 = arith.divsi %add3A_202, %div3A_204 : vector<16xi32>
      %gather3A_206 = tpu.vector_load_idx %arg9[%div3A_205] : memref<896xi32, #tpu.memory_space<vmem>>[vector<16xi32>], vector<16xi32>,
      %lt3A = arith.cmpi slt, %gather3A_206, %add3A_15 : vector<16xi32>
      %add3A_207 = arith.constant 1 : i32
      %add3A_208 = vector.broadcast %add3A_207 : i32 to vector<16xi32>
      %add3A_209 = arith.addi %div3A_205, %add3A_208 : vector<16xi32>
      %select_n3A_210 = arith.select %lt3A, %add3A_209, %scan3A_200 : vector<16xi1>, vector<16xi32>
      %select_n3A_211 = arith.select %lt3A, %scan3A_201, %div3A_205 : vector<16xi1>, vector<16xi32>
      scf.yield %select_n3A_210, %select_n3A_211 : vector<16xi32>, vector<16xi32>
    }
    %scan3A_25 = arith.constant 10 : i32
    %sub3A = arith.constant 1 : i32
    %sub3A_26 = vector.broadcast %sub3A : i32 to vector<16xi32>
    %sub3A_27 = arith.subi %scan3A_24#1, %sub3A_26 : vector<16xi32>
    %max3A = arith.constant 0 : i32
    %max3A_28 = vector.broadcast %max3A : i32 to vector<16xi32>
    %max3A_29 = arith.maxsi %sub3A_27, %max3A_28 : vector<16xi32>
    %swap3A = arith.constant 0 : index
    %swap3A_30 = tpu.vector_load %arg10[%swap3A] {strides = array<i32>} : memref<48xi32, #tpu.memory_space<vmem>>, vector<16xi32>,
    tpu.vector_store %arg10[%swap3A], %max3A_29 {strides = array<i32>} : memref<48xi32, #tpu.memory_space<vmem>>, vector<16xi32>,
    %swap3A_31 = arith.constant 0 : index
    %swap3A_32 = tpu.vector_load %arg12[%swap3A_31] {strides = array<i32>} : memref<128xi32, #tpu.memory_space<vmem>>, vector<16xi32>,
    tpu.vector_store %arg12[%swap3A_31], %max3A_29 {strides = array<i32>} : memref<128xi32, #tpu.memory_space<vmem>>, vector<16xi32>,
    %add3A_33 = arith.constant 16 : i32
    %add3A_34 = arith.addi %mul3A_5, %add3A_33 : i32
    %add3A_35 = vector.broadcast %add3A_34 : i32 to vector<16xi32>
    %add3A_36 = arith.addi %add3A_35, %iota3A : vector<16xi32>
    %broadcast_in_dim3A_37 = arith.constant 0 : i32
    %broadcast_in_dim3A_38 = vector.broadcast %broadcast_in_dim3A_37 : i32 to vector<16xi32>
    %broadcast_in_dim3A_39 = arith.constant 896 : i32
    %broadcast_in_dim3A_40 = vector.broadcast %broadcast_in_dim3A_39 : i32 to vector<16xi32>
    %scan3A_41 = arith.constant 0 : i32
    %scan3A_42 = arith.constant 10 : i32
    %scan3A_43 = arith.addi %scan3A_41, %scan3A_42 : i32
    %scan3A_44 = arith.constant 1 : i32
    %scan3A_45:2 = scf.for %scan3A_199 = %scan3A_41 to %scan3A_43 step %scan3A_44 iter_args(%scan3A_200 = %broadcast_in_dim3A_38, %scan3A_201 = %broadcast_in_dim3A_40) -> (vector<16xi32>, vector<16xi32>)  : i32 {
      %add3A_202 = arith.addi %scan3A_200, %scan3A_201 : vector<16xi32>
      %div3A_203 = arith.constant 2 : i32
      %div3A_204 = vector.broadcast %div3A_203 : i32 to vector<16xi32>
      %div3A_205 = arith.divsi %add3A_202, %div3A_204 : vector<16xi32>
      %gather3A_206 = tpu.vector_load_idx %arg9[%div3A_205] : memref<896xi32, #tpu.memory_space<vmem>>[vector<16xi32>], vector<16xi32>,
      %lt3A = arith.cmpi slt, %gather3A_206, %add3A_36 : vector<16xi32>
      %add3A_207 = arith.constant 1 : i32
      %add3A_208 = vector.broadcast %add3A_207 : i32 to vector<16xi32>
      %add3A_209 = arith.addi %div3A_205, %add3A_208 : vector<16xi32>
      %select_n3A_210 = arith.select %lt3A, %add3A_209, %scan3A_200 : vector<16xi1>, vector<16xi32>
      %select_n3A_211 = arith.select %lt3A, %scan3A_201, %div3A_205 : vector<16xi1>, vector<16xi32>
      scf.yield %select_n3A_210, %select_n3A_211 : vector<16xi32>, vector<16xi32>
    }
    %scan3A_46 = arith.constant 10 : i32
    %sub3A_47 = arith.constant 1 : i32
    %sub3A_48 = vector.broadcast %sub3A_47 : i32 to vector<16xi32>
    %sub3A_49 = arith.subi %scan3A_45#1, %sub3A_48 : vector<16xi32>
    %max3A_50 = arith.constant 0 : i32
    %max3A_51 = vector.broadcast %max3A_50 : i32 to vector<16xi32>
    %max3A_52 = arith.maxsi %sub3A_49, %max3A_51 : vector<16xi32>
    %swap3A_53 = arith.constant 16 : index
    %swap3A_54 = tpu.vector_load %arg10[%swap3A_53] {strides = array<i32>} : memref<48xi32, #tpu.memory_space<vmem>>, vector<16xi32>,
    tpu.vector_store %arg10[%swap3A_53], %max3A_52 {strides = array<i32>} : memref<48xi32, #tpu.memory_space<vmem>>, vector<16xi32>,
    %swap3A_55 = arith.constant 16 : index
    %swap3A_56 = tpu.vector_load %arg12[%swap3A_55] {strides = array<i32>} : memref<128xi32, #tpu.memory_space<vmem>>, vector<16xi32>,
    tpu.vector_store %arg12[%swap3A_55], %max3A_52 {strides = array<i32>} : memref<128xi32, #tpu.memory_space<vmem>>, vector<16xi32>,
    %add3A_57 = arith.constant 32 : i32
    %add3A_58 = arith.addi %mul3A_5, %add3A_57 : i32
    %add3A_59 = vector.broadcast %add3A_58 : i32 to vector<16xi32>
    %add3A_60 = arith.addi %add3A_59, %iota3A : vector<16xi32>
    %broadcast_in_dim3A_61 = arith.constant 0 : i32
    %broadcast_in_dim3A_62 = vector.broadcast %broadcast_in_dim3A_61 : i32 to vector<16xi32>
    %broadcast_in_dim3A_63 = arith.constant 896 : i32
    %broadcast_in_dim3A_64 = vector.broadcast %broadcast_in_dim3A_63 : i32 to vector<16xi32>
    %scan3A_65 = arith.constant 0 : i32
    %scan3A_66 = arith.constant 10 : i32
    %scan3A_67 = arith.addi %scan3A_65, %scan3A_66 : i32
    %scan3A_68 = arith.constant 1 : i32
    %scan3A_69:2 = scf.for %scan3A_199 = %scan3A_65 to %scan3A_67 step %scan3A_68 iter_args(%scan3A_200 = %broadcast_in_dim3A_62, %scan3A_201 = %broadcast_in_dim3A_64) -> (vector<16xi32>, vector<16xi32>)  : i32 {
      %add3A_202 = arith.addi %scan3A_200, %scan3A_201 : vector<16xi32>
      %div3A_203 = arith.constant 2 : i32
      %div3A_204 = vector.broadcast %div3A_203 : i32 to vector<16xi32>
      %div3A_205 = arith.divsi %add3A_202, %div3A_204 : vector<16xi32>
      %gather3A_206 = tpu.vector_load_idx %arg9[%div3A_205] : memref<896xi32, #tpu.memory_space<vmem>>[vector<16xi32>], vector<16xi32>,
      %lt3A = arith.cmpi slt, %gather3A_206, %add3A_60 : vector<16xi32>
      %add3A_207 = arith.constant 1 : i32
      %add3A_208 = vector.broadcast %add3A_207 : i32 to vector<16xi32>
      %add3A_209 = arith.addi %div3A_205, %add3A_208 : vector<16xi32>
      %select_n3A_210 = arith.select %lt3A, %add3A_209, %scan3A_200 : vector<16xi1>, vector<16xi32>
      %select_n3A_211 = arith.select %lt3A, %scan3A_201, %div3A_205 : vector<16xi1>, vector<16xi32>
      scf.yield %select_n3A_210, %select_n3A_211 : vector<16xi32>, vector<16xi32>
    }
    %scan3A_70 = arith.constant 10 : i32
    %sub3A_71 = arith.constant 1 : i32
    %sub3A_72 = vector.broadcast %sub3A_71 : i32 to vector<16xi32>
    %sub3A_73 = arith.subi %scan3A_69#1, %sub3A_72 : vector<16xi32>
    %max3A_74 = arith.constant 0 : i32
    %max3A_75 = vector.broadcast %max3A_74 : i32 to vector<16xi32>
    %max3A_76 = arith.maxsi %sub3A_73, %max3A_75 : vector<16xi32>
    %swap3A_77 = arith.constant 32 : index
    %swap3A_78 = tpu.vector_load %arg10[%swap3A_77] {strides = array<i32>} : memref<48xi32, #tpu.memory_space<vmem>>, vector<16xi32>,
    tpu.vector_store %arg10[%swap3A_77], %max3A_76 {strides = array<i32>} : memref<48xi32, #tpu.memory_space<vmem>>, vector<16xi32>,
    %swap3A_79 = arith.constant 32 : index
    %swap3A_80 = tpu.vector_load %arg12[%swap3A_79] {strides = array<i32>} : memref<128xi32, #tpu.memory_space<vmem>>, vector<16xi32>,
    tpu.vector_store %arg12[%swap3A_79], %max3A_76 {strides = array<i32>} : memref<128xi32, #tpu.memory_space<vmem>>, vector<16xi32>,
    %dma_start3A = arith.constant 0 : i32
    %dma_start3A_81 = arith.constant 0 : i32
    %dma_start3A_82 = tpu.memref_slice %arg3[%dma_start3A, %dma_start3A_81] : memref<784x128xi32, #tpu.memory_space<hbm>> -> memref<784x128xi32, #tpu.memory_space<hbm>>
    tpu.enqueue_indirect_dma source(%dma_start3A_82 : memref<784x128xi32, #tpu.memory_space<hbm>>) target(%arg11 : memref<48x128xi32, #tpu.memory_space<vmem>>) offsets(%arg10 : memref<48xi32, #tpu.memory_space<vmem>>) semaphore(%arg18 : memref<!tpu.dma_semaphore, #tpu.memory_space<semaphore_mem>>)
    %dma_wait3A = arith.constant 0 : i32
    %dma_wait3A_83 = arith.constant 0 : i32
    %dma_wait3A_84 = tpu.memref_slice %arg3[%dma_wait3A, %dma_wait3A_83] : memref<784x128xi32, #tpu.memory_space<hbm>> -> memref<784x128xi32, #tpu.memory_space<hbm>>
    tpu.wait_indirect_dma semaphore(%arg18 : memref<!tpu.dma_semaphore, #tpu.memory_space<semaphore_mem>>) src(%dma_wait3A_84 : memref<784x128xi32, #tpu.memory_space<hbm>>) dst(%arg11 : memref<48x128xi32, #tpu.memory_space<vmem>>)
    %scan3A_85 = arith.constant 0 : i32
    %scan3A_86 = arith.constant 0 : i32
    %scan3A_87 = arith.constant 33 : i32
    %scan3A_88 = arith.addi %scan3A_86, %scan3A_87 : i32
    %scan3A_89 = arith.constant 1 : i32
    %scan3A_90 = scf.for %scan3A_199 = %scan3A_86 to %scan3A_88 step %scan3A_89 iter_args(%scan3A_200 = %scan3A_85) -> (i32)  : i32 {
      %broadcast_in_dim3A_201 = vector.broadcast %scan3A_199 : i32 to vector<16xi32>
      %gather3A_202 = tpu.vector_load_idx %arg12[%broadcast_in_dim3A_201] : memref<128xi32, #tpu.memory_space<vmem>>[vector<16xi32>], vector<16xi32>,
      %reduce_max3A = arith.constant true
      %reduce_max3A_203 = vector.broadcast %reduce_max3A : i1 to vector<16xi1>
      %reduce_max3A_204 = arith.constant -2147483648 : i32
      %reduce_max3A_205 = vector.broadcast %reduce_max3A_204 : i32 to vector<16xi32>
      %reduce_max3A_206 = arith.xori %gather3A_202, %reduce_max3A_205 : vector<16xi32>
      %reduce_max3A_207 = tpu.scan <max>, %reduce_max3A_206 masked %reduce_max3A_203 : vector<16xi32>, vector<16xi1> -> vector<16xi32>
      %reduce_max3A_208 = arith.xori %reduce_max3A_207, %reduce_max3A_205 : vector<16xi32>
      %reduce_max3A_209 = vector.extract %reduce_max3A_208[15] : i32 from vector<16xi32>
      %add3A_210 = arith.addi %mul3A_5, %scan3A_199 : i32
      %broadcast_in_dim3A_211 = arith.constant 0 : i32
      %broadcast_in_dim3A_212 = vector.broadcast %broadcast_in_dim3A_211 : i32 to vector<16xi32>
      %get3A_213 = arith.index_cast %scan3A_199 : i32 to index
      %get3A_214 = arith.constant 0 : index
      %get3A_215 = tpu.vector_load %arg11[%get3A_213, %get3A_214] {strides = array<i32>} : memref<48x128xi32, #tpu.memory_space<vmem>>, vector<16xi32>,
      %lt3A = vector.broadcast %add3A_210 : i32 to vector<16xi32>
      %lt3A_216 = arith.cmpi slt, %get3A_215, %lt3A : vector<16xi32>
      %all_reduce_population_count3A = tpu.all_reduce %lt3A_216 {dim = 0 : i64, kind = #tpu.reduction_kind<sum>} : vector<16xi1> -> vector<16xi32>
      %add3A_217 = arith.addi %broadcast_in_dim3A_212, %all_reduce_population_count3A : vector<16xi32>
      %get3A_218 = arith.index_cast %scan3A_199 : i32 to index
      %get3A_219 = arith.constant 16 : index
      %get3A_220 = tpu.vector_load %arg11[%get3A_218, %get3A_219] {strides = array<i32>} : memref<48x128xi32, #tpu.memory_space<vmem>>, vector<16xi32>,
      %lt3A_221 = vector.broadcast %add3A_210 : i32 to vector<16xi32>
      %lt3A_222 = arith.cmpi slt, %get3A_220, %lt3A_221 : vector<16xi32>
      %all_reduce_population_count3A_223 = tpu.all_reduce %lt3A_222 {dim = 0 : i64, kind = #tpu.reduction_kind<sum>} : vector<16xi1> -> vector<16xi32>
      %add3A_224 = arith.addi %add3A_217, %all_reduce_population_count3A_223 : vector<16xi32>
      %get3A_225 = arith.index_cast %scan3A_199 : i32 to index
      %get3A_226 = arith.constant 32 : index
      %get3A_227 = tpu.vector_load %arg11[%get3A_225, %get3A_226] {strides = array<i32>} : memref<48x128xi32, #tpu.memory_space<vmem>>, vector<16xi32>,
      %lt3A_228 = vector.broadcast %add3A_210 : i32 to vector<16xi32>
      %lt3A_229 = arith.cmpi slt, %get3A_227, %lt3A_228 : vector<16xi32>
      %all_reduce_population_count3A_230 = tpu.all_reduce %lt3A_229 {dim = 0 : i64, kind = #tpu.reduction_kind<sum>} : vector<16xi1> -> vector<16xi32>
      %add3A_231 = arith.addi %add3A_224, %all_reduce_population_count3A_230 : vector<16xi32>
      %get3A_232 = arith.index_cast %scan3A_199 : i32 to index
      %get3A_233 = arith.constant 48 : index
      %get3A_234 = tpu.vector_load %arg11[%get3A_232, %get3A_233] {strides = array<i32>} : memref<48x128xi32, #tpu.memory_space<vmem>>, vector<16xi32>,
      %lt3A_235 = vector.broadcast %add3A_210 : i32 to vector<16xi32>
      %lt3A_236 = arith.cmpi slt, %get3A_234, %lt3A_235 : vector<16xi32>
      %all_reduce_population_count3A_237 = tpu.all_reduce %lt3A_236 {dim = 0 : i64, kind = #tpu.reduction_kind<sum>} : vector<16xi1> -> vector<16xi32>
      %add3A_238 = arith.addi %add3A_231, %all_reduce_population_count3A_237 : vector<16xi32>
      %get3A_239 = arith.index_cast %scan3A_199 : i32 to index
      %get3A_240 = arith.constant 64 : index
      %get3A_241 = tpu.vector_load %arg11[%get3A_239, %get3A_240] {strides = array<i32>} : memref<48x128xi32, #tpu.memory_space<vmem>>, vector<16xi32>,
      %lt3A_242 = vector.broadcast %add3A_210 : i32 to vector<16xi32>
      %lt3A_243 = arith.cmpi slt, %get3A_241, %lt3A_242 : vector<16xi32>
      %all_reduce_population_count3A_244 = tpu.all_reduce %lt3A_243 {dim = 0 : i64, kind = #tpu.reduction_kind<sum>} : vector<16xi1> -> vector<16xi32>
      %add3A_245 = arith.addi %add3A_238, %all_reduce_population_count3A_244 : vector<16xi32>
      %get3A_246 = arith.index_cast %scan3A_199 : i32 to index
      %get3A_247 = arith.constant 80 : index
      %get3A_248 = tpu.vector_load %arg11[%get3A_246, %get3A_247] {strides = array<i32>} : memref<48x128xi32, #tpu.memory_space<vmem>>, vector<16xi32>,
      %lt3A_249 = vector.broadcast %add3A_210 : i32 to vector<16xi32>
      %lt3A_250 = arith.cmpi slt, %get3A_248, %lt3A_249 : vector<16xi32>
      %all_reduce_population_count3A_251 = tpu.all_reduce %lt3A_250 {dim = 0 : i64, kind = #tpu.reduction_kind<sum>} : vector<16xi1> -> vector<16xi32>
      %add3A_252 = arith.addi %add3A_245, %all_reduce_population_count3A_251 : vector<16xi32>
      %get3A_253 = arith.index_cast %scan3A_199 : i32 to index
      %get3A_254 = arith.constant 96 : index
      %get3A_255 = tpu.vector_load %arg11[%get3A_253, %get3A_254] {strides = array<i32>} : memref<48x128xi32, #tpu.memory_space<vmem>>, vector<16xi32>,
      %lt3A_256 = vector.broadcast %add3A_210 : i32 to vector<16xi32>
      %lt3A_257 = arith.cmpi slt, %get3A_255, %lt3A_256 : vector<16xi32>
      %all_reduce_population_count3A_258 = tpu.all_reduce %lt3A_257 {dim = 0 : i64, kind = #tpu.reduction_kind<sum>} : vector<16xi1> -> vector<16xi32>
      %add3A_259 = arith.addi %add3A_252, %all_reduce_population_count3A_258 : vector<16xi32>
      %get3A_260 = arith.index_cast %scan3A_199 : i32 to index
      %get3A_261 = arith.constant 112 : index
      %get3A_262 = tpu.vector_load %arg11[%get3A_260, %get3A_261] {strides = array<i32>} : memref<48x128xi32, #tpu.memory_space<vmem>>, vector<16xi32>,
      %lt3A_263 = vector.broadcast %add3A_210 : i32 to vector<16xi32>
      %lt3A_264 = arith.cmpi slt, %get3A_262, %lt3A_263 : vector<16xi32>
      %all_reduce_population_count3A_265 = tpu.all_reduce %lt3A_264 {dim = 0 : i64, kind = #tpu.reduction_kind<sum>} : vector<16xi1> -> vector<16xi32>
      %add3A_266 = arith.addi %add3A_259, %all_reduce_population_count3A_265 : vector<16xi32>
      %mul3A_267 = arith.constant 128 : i32
      %mul3A_268 = arith.muli %reduce_max3A_209, %mul3A_267 : i32
      %reduce_max3A_269 = arith.constant true
      %reduce_max3A_270 = vector.broadcast %reduce_max3A_269 : i1 to vector<16xi1>
      %reduce_max3A_271 = arith.constant -2147483648 : i32
      %reduce_max3A_272 = vector.broadcast %reduce_max3A_271 : i32 to vector<16xi32>
      %reduce_max3A_273 = arith.xori %add3A_266, %reduce_max3A_272 : vector<16xi32>
      %reduce_max3A_274 = tpu.scan <max>, %reduce_max3A_273 masked %reduce_max3A_270 : vector<16xi32>, vector<16xi1> -> vector<16xi32>
      %reduce_max3A_275 = arith.xori %reduce_max3A_274, %reduce_max3A_272 : vector<16xi32>
      %reduce_max3A_276 = vector.extract %reduce_max3A_275[15] : i32 from vector<16xi32>
      %add3A_277 = arith.addi %mul3A_268, %reduce_max3A_276 : i32
      %swap3A_278 = arith.index_cast %scan3A_199 : i32 to index
      %swap3A_279 = memref.load %arg17[%swap3A_278] : memref<40xi32, #tpu.memory_space<smem>>
      memref.store %add3A_277, %arg17[%swap3A_278] : memref<40xi32, #tpu.memory_space<smem>>
      %scan3A_280 = arith.constant 0 : i32
      scf.yield %scan3A_280 : i32
    }
    %scan3A_91 = arith.constant 33 : i32
    %get3A = arith.constant 0 : i32
    %get3A_92 = arith.index_cast %get3A : i32 to index
    %get3A_93 = memref.load %arg17[%get3A_92] : memref<40xi32, #tpu.memory_space<smem>>
    %get3A_94 = arith.constant 32 : i32
    %get3A_95 = arith.index_cast %get3A_94 : i32 to index
    %get3A_96 = memref.load %arg17[%get3A_95] : memref<40xi32, #tpu.memory_space<smem>>
    %sub3A_97 = arith.subi %get3A_96, %get3A_93 : i32
    %add3A_98 = arith.constant 255 : i32
    %add3A_99 = arith.addi %sub3A_97, %add3A_98 : i32
    %jit3A = arith.constant 256 : i32
    %div3A = arith.divsi %add3A_99, %jit3A : i32
    %sign3A = arith.constant 0 : i32
    %sign3A_100 = arith.cmpi sgt, %add3A_99, %sign3A : i32
    %sign3A_101 = arith.extui %sign3A_100 : i1 to i32
    %sign3A_102 = arith.constant 0 : i32
    %sign3A_103 = arith.cmpi slt, %add3A_99, %sign3A_102 : i32
    %sign3A_104 = arith.extui %sign3A_103 : i1 to i32
    %sign3A_105 = arith.subi %sign3A_101, %sign3A_104 : i32
    %sign3A_106 = arith.constant 0 : i32
    %sign3A_107 = arith.cmpi sgt, %jit3A, %sign3A_106 : i32
    %sign3A_108 = arith.extui %sign3A_107 : i1 to i32
    %sign3A_109 = arith.constant 0 : i32
    %sign3A_110 = arith.cmpi slt, %jit3A, %sign3A_109 : i32
    %sign3A_111 = arith.extui %sign3A_110 : i1 to i32
    %sign3A_112 = arith.subi %sign3A_108, %sign3A_111 : i32
    %ne3A = arith.cmpi ne, %sign3A_105, %sign3A_112 : i32
    %rem3A = arith.remsi %add3A_99, %jit3A : i32
    %ne3A_113 = arith.constant 0 : i32
    %ne3A_114 = arith.cmpi ne, %rem3A, %ne3A_113 : i32
    %and3A = arith.andi %ne3A, %ne3A_114 : i1
    %sub3A_115 = arith.constant 1 : i32
    %sub3A_116 = arith.subi %div3A, %sub3A_115 : i32
    %select_n3A = arith.select %and3A, %sub3A_116, %div3A : i32
    %add3A_117 = arith.constant 1 : i32
    %add3A_118 = arith.addi %select_n3A, %add3A_117 : i32
    %jit3A_119 = arith.constant 2 : i32
    %div3A_120 = arith.divsi %add3A_118, %jit3A_119 : i32
    %sign3A_121 = arith.constant 0 : i32
    %sign3A_122 = arith.cmpi sgt, %add3A_118, %sign3A_121 : i32
    %sign3A_123 = arith.extui %sign3A_122 : i1 to i32
    %sign3A_124 = arith.constant 0 : i32
    %sign3A_125 = arith.cmpi slt, %add3A_118, %sign3A_124 : i32
    %sign3A_126 = arith.extui %sign3A_125 : i1 to i32
    %sign3A_127 = arith.subi %sign3A_123, %sign3A_126 : i32
    %sign3A_128 = arith.constant 0 : i32
    %sign3A_129 = arith.cmpi sgt, %jit3A_119, %sign3A_128 : i32
    %sign3A_130 = arith.extui %sign3A_129 : i1 to i32
    %sign3A_131 = arith.constant 0 : i32
    %sign3A_132 = arith.cmpi slt, %jit3A_119, %sign3A_131 : i32
    %sign3A_133 = arith.extui %sign3A_132 : i1 to i32
    %sign3A_134 = arith.subi %sign3A_130, %sign3A_133 : i32
    %ne3A_135 = arith.cmpi ne, %sign3A_127, %sign3A_134 : i32
    %rem3A_136 = arith.remsi %add3A_118, %jit3A_119 : i32
    %ne3A_137 = arith.constant 0 : i32
    %ne3A_138 = arith.cmpi ne, %rem3A_136, %ne3A_137 : i32
    %and3A_139 = arith.andi %ne3A_135, %ne3A_138 : i1
    %sub3A_140 = arith.constant 1 : i32
    %sub3A_141 = arith.subi %div3A_120, %sub3A_140 : i32
    %select_n3A_142 = arith.select %and3A_139, %sub3A_141, %div3A_120 : i32
    %mul3A_143 = arith.constant 2 : i32
    %mul3A_144 = arith.muli %mul3A_143, %select_n3A_142 : i32
    %gt3A = arith.constant 0 : i32
    %gt3A_145 = arith.cmpi sgt, %select_n3A, %gt3A : i32
    %convert_element_type3A = arith.extui %gt3A_145 : i1 to i32
    %cond3A = arith.constant 0 : i32
    %cond3A_146 = arith.cmpi ne, %convert_element_type3A, %cond3A : i32
    scf.if %cond3A_146 {
      %add3A_199 = arith.constant 0 : i32
      %add3A_200 = arith.addi %get3A_93, %add3A_199 : i32
      %min3A = arith.constant 99744 : i32
      %min3A_201 = arith.minsi %add3A_200, %min3A : i32
      %mul3A_202 = arith.constant 128 : i32
      %mul3A_203 = arith.muli %min3A_201, %mul3A_202 : i32
      %dma_start3A_204 = tpu.memref_slice %arg2[%mul3A_203] : memref<12800000xf32, #tpu.memory_space<hbm>> -> memref<32768xf32, #tpu.memory_space<hbm>>
      %dma_start3A_205 = tpu.memref_slice %arg2[%mul3A_203] : memref<12800000xf32, #tpu.memory_space<hbm>> -> memref<32768xf32, #tpu.memory_space<hbm>>
      tpu.enqueue_dma source(%dma_start3A_205 : memref<32768xf32, #tpu.memory_space<hbm>>) target(%arg7 : memref<32768xf32, #tpu.memory_space<vmem>>) target_semaphore(%arg19 : memref<!tpu.dma_semaphore, #tpu.memory_space<semaphore_mem>>)
      %add3A_206 = arith.constant 256 : i32
      %add3A_207 = arith.addi %get3A_93, %add3A_206 : i32
      %min3A_208 = arith.constant 99744 : i32
      %min3A_209 = arith.minsi %add3A_207, %min3A_208 : i32
      %mul3A_210 = arith.constant 128 : i32
      %mul3A_211 = arith.muli %min3A_209, %mul3A_210 : i32
      %dma_start3A_212 = tpu.memref_slice %arg2[%mul3A_211] : memref<12800000xf32, #tpu.memory_space<hbm>> -> memref<32768xf32, #tpu.memory_space<hbm>>
      %dma_start3A_213 = tpu.memref_slice %arg2[%mul3A_211] : memref<12800000xf32, #tpu.memory_space<hbm>> -> memref<32768xf32, #tpu.memory_space<hbm>>
      tpu.enqueue_dma source(%dma_start3A_213 : memref<32768xf32, #tpu.memory_space<hbm>>) target(%arg8 : memref<32768xf32, #tpu.memory_space<vmem>>) target_semaphore(%arg20 : memref<!tpu.dma_semaphore, #tpu.memory_space<semaphore_mem>>)
    } else {
    }
    %jit3A_147 = arith.constant 2 : i32
    %div3A_148 = arith.divsi %mul3A_144, %jit3A_147 : i32
    %sign3A_149 = arith.constant 0 : i32
    %sign3A_150 = arith.cmpi sgt, %mul3A_144, %sign3A_149 : i32
    %sign3A_151 = arith.extui %sign3A_150 : i1 to i32
    %sign3A_152 = arith.constant 0 : i32
    %sign3A_153 = arith.cmpi slt, %mul3A_144, %sign3A_152 : i32
    %sign3A_154 = arith.extui %sign3A_153 : i1 to i32
    %sign3A_155 = arith.subi %sign3A_151, %sign3A_154 : i32
    %sign3A_156 = arith.constant 0 : i32
    %sign3A_157 = arith.cmpi sgt, %jit3A_147, %sign3A_156 : i32
    %sign3A_158 = arith.extui %sign3A_157 : i1 to i32
    %sign3A_159 = arith.constant 0 : i32
    %sign3A_160 = arith.cmpi slt, %jit3A_147, %sign3A_159 : i32
    %sign3A_161 = arith.extui %sign3A_160 : i1 to i32
    %sign3A_162 = arith.subi %sign3A_158, %sign3A_161 : i32
    %ne3A_163 = arith.cmpi ne, %sign3A_155, %sign3A_162 : i32
    %rem3A_164 = arith.remsi %mul3A_144, %jit3A_147 : i32
    %ne3A_165 = arith.constant 0 : i32
    %ne3A_166 = arith.cmpi ne, %rem3A_164, %ne3A_165 : i32
    %and3A_167 = arith.andi %ne3A_163, %ne3A_166 : i1
    %sub3A_168 = arith.constant 1 : i32
    %sub3A_169 = arith.subi %div3A_148, %sub3A_168 : i32
    %select_n3A_170 = arith.select %and3A_167, %sub3A_169, %div3A_148 : i32
    %while3A = arith.constant 0 : i32
    %while3A_171 = arith.constant 0 : i32
    %while3A_172 = arith.subi %select_n3A_170, %while3A : i32
    %while3A_173 = arith.addi %while3A, %while3A_172 : i32
    %while3A_174 = arith.constant 1 : i32
    %while3A_175 = arith.divsi %while3A_172, %while3A_174 : i32
    %while3A_176 = arith.muli %while3A_175, %while3A_174 : i32
    %while3A_177 = arith.addi %while3A, %while3A_176 : i32
    %while3A_178 = arith.constant 1 : i32
    %while3A_179 = scf.for %while3A_199 = %while3A to %while3A_177 step %while3A_178 iter_args(%while3A_200 = %while3A_171) -> (i32)  : i32 {
      %mul3A_201 = arith.constant 2 : i32
      %mul3A_202 = arith.muli %mul3A_201, %while3A_199 : i32
      %mul3A_203 = arith.constant 256 : i32
      %mul3A_204 = arith.muli %mul3A_202, %mul3A_203 : i32
      %add3A_205 = arith.addi %get3A_93, %mul3A_204 : i32
      %add3A_206 = arith.constant 256 : i32
      %add3A_207 = arith.addi %add3A_205, %add3A_206 : i32
      %min3A = arith.minsi %add3A_207, %get3A_96 : i32
      %min3A_208 = arith.constant 99744 : i32
      %min3A_209 = arith.minsi %add3A_205, %min3A_208 : i32
      %dma_wait3A_210 = arith.constant 0 : i32
      %dma_wait3A_211 = tpu.memref_slice %arg2[%dma_wait3A_210] : memref<12800000xf32, #tpu.memory_space<hbm>> -> memref<32768xf32, #tpu.memory_space<hbm>>
      %dma_wait3A_212 = arith.constant 0 : i32
      %dma_wait3A_213 = tpu.memref_slice %arg2[%dma_wait3A_212] : memref<12800000xf32, #tpu.memory_space<hbm>> -> memref<32768xf32, #tpu.memory_space<hbm>>
      tpu.wait_dma2 semaphore(%arg19 : memref<!tpu.dma_semaphore, #tpu.memory_space<semaphore_mem>>) src(%dma_wait3A_213 : memref<32768xf32, #tpu.memory_space<hbm>>) dst(%arg7 : memref<32768xf32, #tpu.memory_space<vmem>>)
      %while3A_214 = scf.while (%while3A_249 = %while3A_200) : (i32) -> i32 {
        %lt3A_250 = arith.constant 32 : i32
        %lt3A_251 = arith.cmpi slt, %while3A_249, %lt3A_250 : i32
        %get3A_252 = arith.index_cast %while3A_249 : i32 to index
        %get3A_253 = memref.load %arg17[%get3A_252] : memref<40xi32, #tpu.memory_space<smem>>
        %lt3A_254 = arith.cmpi slt, %get3A_253, %min3A : i32
        %and3A_255 = arith.andi %lt3A_251, %lt3A_254 : i1
        scf.condition(%and3A_255) %while3A_249 : i32
      } do {
      ^bb0(%while3A_249: i32):
        %get3A_250 = arith.index_cast %while3A_249 : i32 to index
        %get3A_251 = memref.load %arg17[%get3A_250] : memref<40xi32, #tpu.memory_space<smem>>
        %max3A_252 = arith.maxsi %get3A_251, %add3A_205 : i32
        %add3A_253 = arith.constant 1 : i32
        %add3A_254 = arith.addi %while3A_249, %add3A_253 : i32
        %get3A_255 = arith.index_cast %add3A_254 : i32 to index
        %get3A_256 = memref.load %arg17[%get3A_255] : memref<40xi32, #tpu.memory_space<smem>>
        %min3A_257 = arith.minsi %get3A_256, %min3A : i32
        %max3A_258 = arith.maxsi %min3A_257, %max3A_252 : i32
        %mul3A_259 = arith.constant 128 : i32
        %mul3A_260 = arith.muli %while3A_249, %mul3A_259 : i32
        %add3A_261 = arith.constant 0 : i32
        %add3A_262 = arith.addi %mul3A_260, %add3A_261 : i32
        %get3A_263 = arith.index_cast %add3A_262 : i32 to index
        %get3A_264 = tpu.vector_load %arg14[%get3A_263] {strides = array<i32>} : memref<4096xf32, #tpu.memory_space<vmem>>, vector<16xf32>,
        %add3A_265 = arith.constant 16 : i32
        %add3A_266 = arith.addi %mul3A_260, %add3A_265 : i32
        %get3A_267 = arith.index_cast %add3A_266 : i32 to index
        %get3A_268 = tpu.vector_load %arg14[%get3A_267] {strides = array<i32>} : memref<4096xf32, #tpu.memory_space<vmem>>, vector<16xf32>,
        %add3A_269 = arith.constant 32 : i32
        %add3A_270 = arith.addi %mul3A_260, %add3A_269 : i32
        %get3A_271 = arith.index_cast %add3A_270 : i32 to index
        %get3A_272 = tpu.vector_load %arg14[%get3A_271] {strides = array<i32>} : memref<4096xf32, #tpu.memory_space<vmem>>, vector<16xf32>,
        %add3A_273 = arith.constant 48 : i32
        %add3A_274 = arith.addi %mul3A_260, %add3A_273 : i32
        %get3A_275 = arith.index_cast %add3A_274 : i32 to index
        %get3A_276 = tpu.vector_load %arg14[%get3A_275] {strides = array<i32>} : memref<4096xf32, #tpu.memory_space<vmem>>, vector<16xf32>,
        %add3A_277 = arith.constant 64 : i32
        %add3A_278 = arith.addi %mul3A_260, %add3A_277 : i32
        %get3A_279 = arith.index_cast %add3A_278 : i32 to index
        %get3A_280 = tpu.vector_load %arg14[%get3A_279] {strides = array<i32>} : memref<4096xf32, #tpu.memory_space<vmem>>, vector<16xf32>,
        %add3A_281 = arith.constant 80 : i32
        %add3A_282 = arith.addi %mul3A_260, %add3A_281 : i32
        %get3A_283 = arith.index_cast %add3A_282 : i32 to index
        %get3A_284 = tpu.vector_load %arg14[%get3A_283] {strides = array<i32>} : memref<4096xf32, #tpu.memory_space<vmem>>, vector<16xf32>,
        %add3A_285 = arith.constant 96 : i32
        %add3A_286 = arith.addi %mul3A_260, %add3A_285 : i32
        %get3A_287 = arith.index_cast %add3A_286 : i32 to index
        %get3A_288 = tpu.vector_load %arg14[%get3A_287] {strides = array<i32>} : memref<4096xf32, #tpu.memory_space<vmem>>, vector<16xf32>,
        %add3A_289 = arith.constant 112 : i32
        %add3A_290 = arith.addi %mul3A_260, %add3A_289 : i32
        %get3A_291 = arith.index_cast %add3A_290 : i32 to index
        %get3A_292 = tpu.vector_load %arg14[%get3A_291] {strides = array<i32>} : memref<4096xf32, #tpu.memory_space<vmem>>, vector<16xf32>,
        %add3A_293 = arith.constant 0 : i32
        %add3A_294 = arith.addi %mul3A_260, %add3A_293 : i32
        %get3A_295 = arith.index_cast %add3A_294 : i32 to index
        %get3A_296 = tpu.vector_load %arg15[%get3A_295] {strides = array<i32>} : memref<4096xf32, #tpu.memory_space<vmem>>, vector<16xf32>,
        %add3A_297 = arith.constant 16 : i32
        %add3A_298 = arith.addi %mul3A_260, %add3A_297 : i32
        %get3A_299 = arith.index_cast %add3A_298 : i32 to index
        %get3A_300 = tpu.vector_load %arg15[%get3A_299] {strides = array<i32>} : memref<4096xf32, #tpu.memory_space<vmem>>, vector<16xf32>,
        %add3A_301 = arith.constant 32 : i32
        %add3A_302 = arith.addi %mul3A_260, %add3A_301 : i32
        %get3A_303 = arith.index_cast %add3A_302 : i32 to index
        %get3A_304 = tpu.vector_load %arg15[%get3A_303] {strides = array<i32>} : memref<4096xf32, #tpu.memory_space<vmem>>, vector<16xf32>,
        %add3A_305 = arith.constant 48 : i32
        %add3A_306 = arith.addi %mul3A_260, %add3A_305 : i32
        %get3A_307 = arith.index_cast %add3A_306 : i32 to index
        %get3A_308 = tpu.vector_load %arg15[%get3A_307] {strides = array<i32>} : memref<4096xf32, #tpu.memory_space<vmem>>, vector<16xf32>,
        %add3A_309 = arith.constant 64 : i32
        %add3A_310 = arith.addi %mul3A_260, %add3A_309 : i32
        %get3A_311 = arith.index_cast %add3A_310 : i32 to index
        %get3A_312 = tpu.vector_load %arg15[%get3A_311] {strides = array<i32>} : memref<4096xf32, #tpu.memory_space<vmem>>, vector<16xf32>,
        %add3A_313 = arith.constant 80 : i32
        %add3A_314 = arith.addi %mul3A_260, %add3A_313 : i32
        %get3A_315 = arith.index_cast %add3A_314 : i32 to index
        %get3A_316 = tpu.vector_load %arg15[%get3A_315] {strides = array<i32>} : memref<4096xf32, #tpu.memory_space<vmem>>, vector<16xf32>,
        %add3A_317 = arith.constant 96 : i32
        %add3A_318 = arith.addi %mul3A_260, %add3A_317 : i32
        %get3A_319 = arith.index_cast %add3A_318 : i32 to index
        %get3A_320 = tpu.vector_load %arg15[%get3A_319] {strides = array<i32>} : memref<4096xf32, #tpu.memory_space<vmem>>, vector<16xf32>,
        %add3A_321 = arith.constant 112 : i32
        %add3A_322 = arith.addi %mul3A_260, %add3A_321 : i32
        %get3A_323 = arith.index_cast %add3A_322 : i32 to index
        %get3A_324 = tpu.vector_load %arg15[%get3A_323] {strides = array<i32>} : memref<4096xf32, #tpu.memory_space<vmem>>, vector<16xf32>,
        %while3A_325 = arith.subi %max3A_258, %max3A_252 : i32
        %while3A_326 = arith.addi %max3A_252, %while3A_325 : i32
        %while3A_327 = arith.constant 1 : i32
        %while3A_328 = arith.divsi %while3A_325, %while3A_327 : i32
        %while3A_329 = arith.muli %while3A_328, %while3A_327 : i32
        %while3A_330 = arith.addi %max3A_252, %while3A_329 : i32
        %while3A_331 = arith.constant 1 : i32
        %while3A_332:16 = scf.for %while3A_401 = %max3A_252 to %while3A_330 step %while3A_331 iter_args(%while3A_402 = %get3A_264, %while3A_403 = %get3A_268, %while3A_404 = %get3A_272, %while3A_405 = %get3A_276, %while3A_406 = %get3A_280, %while3A_407 = %get3A_284, %while3A_408 = %get3A_288, %while3A_409 = %get3A_292, %while3A_410 = %get3A_296, %while3A_411 = %get3A_300, %while3A_412 = %get3A_304, %while3A_413 = %get3A_308, %while3A_414 = %get3A_312, %while3A_415 = %get3A_316, %while3A_416 = %get3A_320, %while3A_417 = %get3A_324) -> (vector<16xf32>, vector<16xf32>, vector<16xf32>, vector<16xf32>, vector<16xf32>, vector<16xf32>, vector<16xf32>, vector<16xf32>, vector<16xf32>, vector<16xf32>, vector<16xf32>, vector<16xf32>, vector<16xf32>, vector<16xf32>, vector<16xf32>, vector<16xf32>)  : i32 {
          %sub3A_418 = arith.subi %while3A_401, %min3A_209 : i32
          %mul3A_419 = arith.constant 128 : i32
          %mul3A_420 = arith.muli %sub3A_418, %mul3A_419 : i32
          %add3A_421 = arith.constant 0 : i32
          %add3A_422 = arith.addi %mul3A_420, %add3A_421 : i32
          %get3A_423 = arith.index_cast %add3A_422 : i32 to index
          %get3A_424 = tpu.vector_load %arg7[%get3A_423] {strides = array<i32>} : memref<32768xf32, #tpu.memory_space<vmem>>, vector<16xf32>,
          %add3A_425 = arith.constant 16 : i32
          %add3A_426 = arith.addi %mul3A_420, %add3A_425 : i32
          %get3A_427 = arith.index_cast %add3A_426 : i32 to index
          %get3A_428 = tpu.vector_load %arg7[%get3A_427] {strides = array<i32>} : memref<32768xf32, #tpu.memory_space<vmem>>, vector<16xf32>,
          %add3A_429 = arith.constant 32 : i32
          %add3A_430 = arith.addi %mul3A_420, %add3A_429 : i32
          %get3A_431 = arith.index_cast %add3A_430 : i32 to index
          %get3A_432 = tpu.vector_load %arg7[%get3A_431] {strides = array<i32>} : memref<32768xf32, #tpu.memory_space<vmem>>, vector<16xf32>,
          %add3A_433 = arith.constant 48 : i32
          %add3A_434 = arith.addi %mul3A_420, %add3A_433 : i32
          %get3A_435 = arith.index_cast %add3A_434 : i32 to index
          %get3A_436 = tpu.vector_load %arg7[%get3A_435] {strides = array<i32>} : memref<32768xf32, #tpu.memory_space<vmem>>, vector<16xf32>,
          %add3A_437 = arith.constant 64 : i32
          %add3A_438 = arith.addi %mul3A_420, %add3A_437 : i32
          %get3A_439 = arith.index_cast %add3A_438 : i32 to index
          %get3A_440 = tpu.vector_load %arg7[%get3A_439] {strides = array<i32>} : memref<32768xf32, #tpu.memory_space<vmem>>, vector<16xf32>,
          %add3A_441 = arith.constant 80 : i32
          %add3A_442 = arith.addi %mul3A_420, %add3A_441 : i32
          %get3A_443 = arith.index_cast %add3A_442 : i32 to index
          %get3A_444 = tpu.vector_load %arg7[%get3A_443] {strides = array<i32>} : memref<32768xf32, #tpu.memory_space<vmem>>, vector<16xf32>,
          %add3A_445 = arith.constant 96 : i32
          %add3A_446 = arith.addi %mul3A_420, %add3A_445 : i32
          %get3A_447 = arith.index_cast %add3A_446 : i32 to index
          %get3A_448 = tpu.vector_load %arg7[%get3A_447] {strides = array<i32>} : memref<32768xf32, #tpu.memory_space<vmem>>, vector<16xf32>,
          %add3A_449 = arith.constant 112 : i32
          %add3A_450 = arith.addi %mul3A_420, %add3A_449 : i32
          %get3A_451 = arith.index_cast %add3A_450 : i32 to index
          %get3A_452 = tpu.vector_load %arg7[%get3A_451] {strides = array<i32>} : memref<32768xf32, #tpu.memory_space<vmem>>, vector<16xf32>,
          %add3A_453 = arith.addf %while3A_402, %get3A_424 : vector<16xf32>
          %add3A_454 = arith.addf %while3A_403, %get3A_428 : vector<16xf32>
          %add3A_455 = arith.addf %while3A_404, %get3A_432 : vector<16xf32>
          %add3A_456 = arith.addf %while3A_405, %get3A_436 : vector<16xf32>
          %add3A_457 = arith.addf %while3A_406, %get3A_440 : vector<16xf32>
          %add3A_458 = arith.addf %while3A_407, %get3A_444 : vector<16xf32>
          %add3A_459 = arith.addf %while3A_408, %get3A_448 : vector<16xf32>
          %add3A_460 = arith.addf %while3A_409, %get3A_452 : vector<16xf32>
          %max3A_461 = arith.maximumf %while3A_410, %get3A_424 : vector<16xf32>
          %max3A_462 = arith.maximumf %while3A_411, %get3A_428 : vector<16xf32>
          %max3A_463 = arith.maximumf %while3A_412, %get3A_432 : vector<16xf32>
          %max3A_464 = arith.maximumf %while3A_413, %get3A_436 : vector<16xf32>
          %max3A_465 = arith.maximumf %while3A_414, %get3A_440 : vector<16xf32>
          %max3A_466 = arith.maximumf %while3A_415, %get3A_444 : vector<16xf32>
          %max3A_467 = arith.maximumf %while3A_416, %get3A_448 : vector<16xf32>
          %max3A_468 = arith.maximumf %while3A_417, %get3A_452 : vector<16xf32>
          scf.yield %add3A_453, %add3A_454, %add3A_455, %add3A_456, %add3A_457, %add3A_458, %add3A_459, %add3A_460, %max3A_461, %max3A_462, %max3A_463, %max3A_464, %max3A_465, %max3A_466, %max3A_467, %max3A_468 : vector<16xf32>, vector<16xf32>, vector<16xf32>, vector<16xf32>, vector<16xf32>, vector<16xf32>, vector<16xf32>, vector<16xf32>, vector<16xf32>, vector<16xf32>, vector<16xf32>, vector<16xf32>, vector<16xf32>, vector<16xf32>, vector<16xf32>, vector<16xf32>
        }
        %while3A_333 = arith.constant 1 : i32
        %while3A_334:16 = scf.for %while3A_401 = %while3A_330 to %while3A_326 step %while3A_333 iter_args(%while3A_402 = %while3A_332#0, %while3A_403 = %while3A_332#1, %while3A_404 = %while3A_332#2, %while3A_405 = %while3A_332#3, %while3A_406 = %while3A_332#4, %while3A_407 = %while3A_332#5, %while3A_408 = %while3A_332#6, %while3A_409 = %while3A_332#7, %while3A_410 = %while3A_332#8, %while3A_411 = %while3A_332#9, %while3A_412 = %while3A_332#10, %while3A_413 = %while3A_332#11, %while3A_414 = %while3A_332#12, %while3A_415 = %while3A_332#13, %while3A_416 = %while3A_332#14, %while3A_417 = %while3A_332#15) -> (vector<16xf32>, vector<16xf32>, vector<16xf32>, vector<16xf32>, vector<16xf32>, vector<16xf32>, vector<16xf32>, vector<16xf32>, vector<16xf32>, vector<16xf32>, vector<16xf32>, vector<16xf32>, vector<16xf32>, vector<16xf32>, vector<16xf32>, vector<16xf32>)  : i32 {
          %sub3A_418 = arith.subi %while3A_401, %min3A_209 : i32
          %mul3A_419 = arith.constant 128 : i32
          %mul3A_420 = arith.muli %sub3A_418, %mul3A_419 : i32
          %add3A_421 = arith.constant 0 : i32
          %add3A_422 = arith.addi %mul3A_420, %add3A_421 : i32
          %get3A_423 = arith.index_cast %add3A_422 : i32 to index
          %get3A_424 = tpu.vector_load %arg7[%get3A_423] {strides = array<i32>} : memref<32768xf32, #tpu.memory_space<vmem>>, vector<16xf32>,
          %add3A_425 = arith.constant 16 : i32
          %add3A_426 = arith.addi %mul3A_420, %add3A_425 : i32
          %get3A_427 = arith.index_cast %add3A_426 : i32 to index
          %get3A_428 = tpu.vector_load %arg7[%get3A_427] {strides = array<i32>} : memref<32768xf32, #tpu.memory_space<vmem>>, vector<16xf32>,
          %add3A_429 = arith.constant 32 : i32
          %add3A_430 = arith.addi %mul3A_420, %add3A_429 : i32
          %get3A_431 = arith.index_cast %add3A_430 : i32 to index
          %get3A_432 = tpu.vector_load %arg7[%get3A_431] {strides = array<i32>} : memref<32768xf32, #tpu.memory_space<vmem>>, vector<16xf32>,
          %add3A_433 = arith.constant 48 : i32
          %add3A_434 = arith.addi %mul3A_420, %add3A_433 : i32
          %get3A_435 = arith.index_cast %add3A_434 : i32 to index
          %get3A_436 = tpu.vector_load %arg7[%get3A_435] {strides = array<i32>} : memref<32768xf32, #tpu.memory_space<vmem>>, vector<16xf32>,
          %add3A_437 = arith.constant 64 : i32
          %add3A_438 = arith.addi %mul3A_420, %add3A_437 : i32
          %get3A_439 = arith.index_cast %add3A_438 : i32 to index
          %get3A_440 = tpu.vector_load %arg7[%get3A_439] {strides = array<i32>} : memref<32768xf32, #tpu.memory_space<vmem>>, vector<16xf32>,
          %add3A_441 = arith.constant 80 : i32
          %add3A_442 = arith.addi %mul3A_420, %add3A_441 : i32
          %get3A_443 = arith.index_cast %add3A_442 : i32 to index
          %get3A_444 = tpu.vector_load %arg7[%get3A_443] {strides = array<i32>} : memref<32768xf32, #tpu.memory_space<vmem>>, vector<16xf32>,
          %add3A_445 = arith.constant 96 : i32
          %add3A_446 = arith.addi %mul3A_420, %add3A_445 : i32
          %get3A_447 = arith.index_cast %add3A_446 : i32 to index
          %get3A_448 = tpu.vector_load %arg7[%get3A_447] {strides = array<i32>} : memref<32768xf32, #tpu.memory_space<vmem>>, vector<16xf32>,
          %add3A_449 = arith.constant 112 : i32
          %add3A_450 = arith.addi %mul3A_420, %add3A_449 : i32
          %get3A_451 = arith.index_cast %add3A_450 : i32 to index
          %get3A_452 = tpu.vector_load %arg7[%get3A_451] {strides = array<i32>} : memref<32768xf32, #tpu.memory_space<vmem>>, vector<16xf32>,
          %add3A_453 = arith.addf %while3A_402, %get3A_424 : vector<16xf32>
          %add3A_454 = arith.addf %while3A_403, %get3A_428 : vector<16xf32>
          %add3A_455 = arith.addf %while3A_404, %get3A_432 : vector<16xf32>
          %add3A_456 = arith.addf %while3A_405, %get3A_436 : vector<16xf32>
          %add3A_457 = arith.addf %while3A_406, %get3A_440 : vector<16xf32>
          %add3A_458 = arith.addf %while3A_407, %get3A_444 : vector<16xf32>
          %add3A_459 = arith.addf %while3A_408, %get3A_448 : vector<16xf32>
          %add3A_460 = arith.addf %while3A_409, %get3A_452 : vector<16xf32>
          %max3A_461 = arith.maximumf %while3A_410, %get3A_424 : vector<16xf32>
          %max3A_462 = arith.maximumf %while3A_411, %get3A_428 : vector<16xf32>
          %max3A_463 = arith.maximumf %while3A_412, %get3A_432 : vector<16xf32>
          %max3A_464 = arith.maximumf %while3A_413, %get3A_436 : vector<16xf32>
          %max3A_465 = arith.maximumf %while3A_414, %get3A_440 : vector<16xf32>
          %max3A_466 = arith.maximumf %while3A_415, %get3A_444 : vector<16xf32>
          %max3A_467 = arith.maximumf %while3A_416, %get3A_448 : vector<16xf32>
          %max3A_468 = arith.maximumf %while3A_417, %get3A_452 : vector<16xf32>
          scf.yield %add3A_453, %add3A_454, %add3A_455, %add3A_456, %add3A_457, %add3A_458, %add3A_459, %add3A_460, %max3A_461, %max3A_462, %max3A_463, %max3A_464, %max3A_465, %max3A_466, %max3A_467, %max3A_468 : vector<16xf32>, vector<16xf32>, vector<16xf32>, vector<16xf32>, vector<16xf32>, vector<16xf32>, vector<16xf32>, vector<16xf32>, vector<16xf32>, vector<16xf32>, vector<16xf32>, vector<16xf32>, vector<16xf32>, vector<16xf32>, vector<16xf32>, vector<16xf32>
        }
        %add3A_335 = arith.constant 0 : i32
        %add3A_336 = arith.addi %mul3A_260, %add3A_335 : i32
        %swap3A_337 = arith.index_cast %add3A_336 : i32 to index
        %swap3A_338 = tpu.vector_load %arg14[%swap3A_337] {strides = array<i32>} : memref<4096xf32, #tpu.memory_space<vmem>>, vector<16xf32>,
        tpu.vector_store %arg14[%swap3A_337], %while3A_334#0 {strides = array<i32>} : memref<4096xf32, #tpu.memory_space<vmem>>, vector<16xf32>,
        %add3A_339 = arith.constant 0 : i32
        %add3A_340 = arith.addi %mul3A_260, %add3A_339 : i32
        %swap3A_341 = arith.index_cast %add3A_340 : i32 to index
        %swap3A_342 = tpu.vector_load %arg15[%swap3A_341] {strides = array<i32>} : memref<4096xf32, #tpu.memory_space<vmem>>, vector<16xf32>,
        tpu.vector_store %arg15[%swap3A_341], %while3A_334#8 {strides = array<i32>} : memref<4096xf32, #tpu.memory_space<vmem>>, vector<16xf32>,
        %add3A_343 = arith.constant 16 : i32
        %add3A_344 = arith.addi %mul3A_260, %add3A_343 : i32
        %swap3A_345 = arith.index_cast %add3A_344 : i32 to index
        %swap3A_346 = tpu.vector_load %arg14[%swap3A_345] {strides = array<i32>} : memref<4096xf32, #tpu.memory_space<vmem>>, vector<16xf32>,
        tpu.vector_store %arg14[%swap3A_345], %while3A_334#1 {strides = array<i32>} : memref<4096xf32, #tpu.memory_space<vmem>>, vector<16xf32>,
        %add3A_347 = arith.constant 16 : i32
        %add3A_348 = arith.addi %mul3A_260, %add3A_347 : i32
        %swap3A_349 = arith.index_cast %add3A_348 : i32 to index
        %swap3A_350 = tpu.vector_load %arg15[%swap3A_349] {strides = array<i32>} : memref<4096xf32, #tpu.memory_space<vmem>>, vector<16xf32>,
        tpu.vector_store %arg15[%swap3A_349], %while3A_334#9 {strides = array<i32>} : memref<4096xf32, #tpu.memory_space<vmem>>, vector<16xf32>,
        %add3A_351 = arith.constant 32 : i32
        %add3A_352 = arith.addi %mul3A_260, %add3A_351 : i32
        %swap3A_353 = arith.index_cast %add3A_352 : i32 to index
        %swap3A_354 = tpu.vector_load %arg14[%swap3A_353] {strides = array<i32>} : memref<4096xf32, #tpu.memory_space<vmem>>, vector<16xf32>,
        tpu.vector_store %arg14[%swap3A_353], %while3A_334#2 {strides = array<i32>} : memref<4096xf32, #tpu.memory_space<vmem>>, vector<16xf32>,
        %add3A_355 = arith.constant 32 : i32
        %add3A_356 = arith.addi %mul3A_260, %add3A_355 : i32
        %swap3A_357 = arith.index_cast %add3A_356 : i32 to index
        %swap3A_358 = tpu.vector_load %arg15[%swap3A_357] {strides = array<i32>} : memref<4096xf32, #tpu.memory_space<vmem>>, vector<16xf32>,
        tpu.vector_store %arg15[%swap3A_357], %while3A_334#10 {strides = array<i32>} : memref<4096xf32, #tpu.memory_space<vmem>>, vector<16xf32>,
        %add3A_359 = arith.constant 48 : i32
        %add3A_360 = arith.addi %mul3A_260, %add3A_359 : i32
        %swap3A_361 = arith.index_cast %add3A_360 : i32 to index
        %swap3A_362 = tpu.vector_load %arg14[%swap3A_361] {strides = array<i32>} : memref<4096xf32, #tpu.memory_space<vmem>>, vector<16xf32>,
        tpu.vector_store %arg14[%swap3A_361], %while3A_334#3 {strides = array<i32>} : memref<4096xf32, #tpu.memory_space<vmem>>, vector<16xf32>,
        %add3A_363 = arith.constant 48 : i32
        %add3A_364 = arith.addi %mul3A_260, %add3A_363 : i32
        %swap3A_365 = arith.index_cast %add3A_364 : i32 to index
        %swap3A_366 = tpu.vector_load %arg15[%swap3A_365] {strides = array<i32>} : memref<4096xf32, #tpu.memory_space<vmem>>, vector<16xf32>,
        tpu.vector_store %arg15[%swap3A_365], %while3A_334#11 {strides = array<i32>} : memref<4096xf32, #tpu.memory_space<vmem>>, vector<16xf32>,
        %add3A_367 = arith.constant 64 : i32
        %add3A_368 = arith.addi %mul3A_260, %add3A_367 : i32
        %swap3A_369 = arith.index_cast %add3A_368 : i32 to index
        %swap3A_370 = tpu.vector_load %arg14[%swap3A_369] {strides = array<i32>} : memref<4096xf32, #tpu.memory_space<vmem>>, vector<16xf32>,
        tpu.vector_store %arg14[%swap3A_369], %while3A_334#4 {strides = array<i32>} : memref<4096xf32, #tpu.memory_space<vmem>>, vector<16xf32>,
        %add3A_371 = arith.constant 64 : i32
        %add3A_372 = arith.addi %mul3A_260, %add3A_371 : i32
        %swap3A_373 = arith.index_cast %add3A_372 : i32 to index
        %swap3A_374 = tpu.vector_load %arg15[%swap3A_373] {strides = array<i32>} : memref<4096xf32, #tpu.memory_space<vmem>>, vector<16xf32>,
        tpu.vector_store %arg15[%swap3A_373], %while3A_334#12 {strides = array<i32>} : memref<4096xf32, #tpu.memory_space<vmem>>, vector<16xf32>,
        %add3A_375 = arith.constant 80 : i32
        %add3A_376 = arith.addi %mul3A_260, %add3A_375 : i32
        %swap3A_377 = arith.index_cast %add3A_376 : i32 to index
        %swap3A_378 = tpu.vector_load %arg14[%swap3A_377] {strides = array<i32>} : memref<4096xf32, #tpu.memory_space<vmem>>, vector<16xf32>,
        tpu.vector_store %arg14[%swap3A_377], %while3A_334#5 {strides = array<i32>} : memref<4096xf32, #tpu.memory_space<vmem>>, vector<16xf32>,
        %add3A_379 = arith.constant 80 : i32
        %add3A_380 = arith.addi %mul3A_260, %add3A_379 : i32
        %swap3A_381 = arith.index_cast %add3A_380 : i32 to index
        %swap3A_382 = tpu.vector_load %arg15[%swap3A_381] {strides = array<i32>} : memref<4096xf32, #tpu.memory_space<vmem>>, vector<16xf32>,
        tpu.vector_store %arg15[%swap3A_381], %while3A_334#13 {strides = array<i32>} : memref<4096xf32, #tpu.memory_space<vmem>>, vector<16xf32>,
        %add3A_383 = arith.constant 96 : i32
        %add3A_384 = arith.addi %mul3A_260, %add3A_383 : i32
        %swap3A_385 = arith.index_cast %add3A_384 : i32 to index
        %swap3A_386 = tpu.vector_load %arg14[%swap3A_385] {strides = array<i32>} : memref<4096xf32, #tpu.memory_space<vmem>>, vector<16xf32>,
        tpu.vector_store %arg14[%swap3A_385], %while3A_334#6 {strides = array<i32>} : memref<4096xf32, #tpu.memory_space<vmem>>, vector<16xf32>,
        %add3A_387 = arith.constant 96 : i32
        %add3A_388 = arith.addi %mul3A_260, %add3A_387 : i32
        %swap3A_389 = arith.index_cast %add3A_388 : i32 to index
        %swap3A_390 = tpu.vector_load %arg15[%swap3A_389] {strides = array<i32>} : memref<4096xf32, #tpu.memory_space<vmem>>, vector<16xf32>,
        tpu.vector_store %arg15[%swap3A_389], %while3A_334#14 {strides = array<i32>} : memref<4096xf32, #tpu.memory_space<vmem>>, vector<16xf32>,
        %add3A_391 = arith.constant 112 : i32
        %add3A_392 = arith.addi %mul3A_260, %add3A_391 : i32
        %swap3A_393 = arith.index_cast %add3A_392 : i32 to index
        %swap3A_394 = tpu.vector_load %arg14[%swap3A_393] {strides = array<i32>} : memref<4096xf32, #tpu.memory_space<vmem>>, vector<16xf32>,
        tpu.vector_store %arg14[%swap3A_393], %while3A_334#7 {strides = array<i32>} : memref<4096xf32, #tpu.memory_space<vmem>>, vector<16xf32>,
        %add3A_395 = arith.constant 112 : i32
        %add3A_396 = arith.addi %mul3A_260, %add3A_395 : i32
        %swap3A_397 = arith.index_cast %add3A_396 : i32 to index
        %swap3A_398 = tpu.vector_load %arg15[%swap3A_397] {strides = array<i32>} : memref<4096xf32, #tpu.memory_space<vmem>>, vector<16xf32>,
        tpu.vector_store %arg15[%swap3A_397], %while3A_334#15 {strides = array<i32>} : memref<4096xf32, #tpu.memory_space<vmem>>, vector<16xf32>,
        %add3A_399 = arith.constant 1 : i32
        %add3A_400 = arith.addi %while3A_249, %add3A_399 : i32
        scf.yield %add3A_400 : i32
      }
      %add3A_215 = arith.constant 2 : i32
      %add3A_216 = arith.addi %mul3A_202, %add3A_215 : i32
      %lt3A = arith.cmpi slt, %add3A_216, %mul3A_144 : i32
      %convert_element_type3A_217 = arith.extui %lt3A : i1 to i32
      %cond3A_218 = arith.constant 0 : i32
      %cond3A_219 = arith.cmpi ne, %convert_element_type3A_217, %cond3A_218 : i32
      scf.if %cond3A_219 {
        %add3A_249 = arith.constant 2 : i32
        %add3A_250 = arith.addi %mul3A_202, %add3A_249 : i32
        %mul3A_251 = arith.constant 256 : i32
        %mul3A_252 = arith.muli %add3A_250, %mul3A_251 : i32
        %add3A_253 = arith.addi %get3A_93, %mul3A_252 : i32
        %min3A_254 = arith.constant 99744 : i32
        %min3A_255 = arith.minsi %add3A_253, %min3A_254 : i32
        %mul3A_256 = arith.constant 128 : i32
        %mul3A_257 = arith.muli %min3A_255, %mul3A_256 : i32
        %dma_start3A_258 = tpu.memref_slice %arg2[%mul3A_257] : memref<12800000xf32, #tpu.memory_space<hbm>> -> memref<32768xf32, #tpu.memory_space<hbm>>
        %dma_start3A_259 = tpu.memref_slice %arg2[%mul3A_257] : memref<12800000xf32, #tpu.memory_space<hbm>> -> memref<32768xf32, #tpu.memory_space<hbm>>
        tpu.enqueue_dma source(%dma_start3A_259 : memref<32768xf32, #tpu.memory_space<hbm>>) target(%arg7 : memref<32768xf32, #tpu.memory_space<vmem>>) target_semaphore(%arg19 : memref<!tpu.dma_semaphore, #tpu.memory_space<semaphore_mem>>)
      } else {
      }
      %sub3A_220 = arith.constant 1 : i32
      %sub3A_221 = arith.subi %while3A_214, %sub3A_220 : i32
      %max3A_222 = arith.constant 0 : i32
      %max3A_223 = arith.maxsi %sub3A_221, %max3A_222 : i32
      %add3A_224 = arith.constant 1 : i32
      %add3A_225 = arith.addi %mul3A_202, %add3A_224 : i32
      %mul3A_226 = arith.constant 256 : i32
      %mul3A_227 = arith.muli %add3A_225, %mul3A_226 : i32
      %add3A_228 = arith.addi %get3A_93, %mul3A_227 : i32
      %add3A_229 = arith.constant 256 : i32
      %add3A_230 = arith.addi %add3A_228, %add3A_229 : i32
      %min3A_231 = arith.minsi %add3A_230, %get3A_96 : i32
      %min3A_232 = arith.constant 99744 : i32
      %min3A_233 = arith.minsi %add3A_228, %min3A_232 : i32
      %dma_wait3A_234 = arith.constant 0 : i32
      %dma_wait3A_235 = tpu.memref_slice %arg2[%dma_wait3A_234] : memref<12800000xf32, #tpu.memory_space<hbm>> -> memref<32768xf32, #tpu.memory_space<hbm>>
      %dma_wait3A_236 = arith.constant 0 : i32
      %dma_wait3A_237 = tpu.memref_slice %arg2[%dma_wait3A_236] : memref<12800000xf32, #tpu.memory_space<hbm>> -> memref<32768xf32, #tpu.memory_space<hbm>>
      tpu.wait_dma2 semaphore(%arg20 : memref<!tpu.dma_semaphore, #tpu.memory_space<semaphore_mem>>) src(%dma_wait3A_237 : memref<32768xf32, #tpu.memory_space<hbm>>) dst(%arg8 : memref<32768xf32, #tpu.memory_space<vmem>>)
      %while3A_238 = scf.while (%while3A_249 = %max3A_223) : (i32) -> i32 {
        %lt3A_250 = arith.constant 32 : i32
        %lt3A_251 = arith.cmpi slt, %while3A_249, %lt3A_250 : i32
        %get3A_252 = arith.index_cast %while3A_249 : i32 to index
        %get3A_253 = memref.load %arg17[%get3A_252] : memref<40xi32, #tpu.memory_space<smem>>
        %lt3A_254 = arith.cmpi slt, %get3A_253, %min3A_231 : i32
        %and3A_255 = arith.andi %lt3A_251, %lt3A_254 : i1
        scf.condition(%and3A_255) %while3A_249 : i32
      } do {
      ^bb0(%while3A_249: i32):
        %get3A_250 = arith.index_cast %while3A_249 : i32 to index
        %get3A_251 = memref.load %arg17[%get3A_250] : memref<40xi32, #tpu.memory_space<smem>>
        %max3A_252 = arith.maxsi %get3A_251, %add3A_228 : i32
        %add3A_253 = arith.constant 1 : i32
        %add3A_254 = arith.addi %while3A_249, %add3A_253 : i32
        %get3A_255 = arith.index_cast %add3A_254 : i32 to index
        %get3A_256 = memref.load %arg17[%get3A_255] : memref<40xi32, #tpu.memory_space<smem>>
        %min3A_257 = arith.minsi %get3A_256, %min3A_231 : i32
        %max3A_258 = arith.maxsi %min3A_257, %max3A_252 : i32
        %mul3A_259 = arith.constant 128 : i32
        %mul3A_260 = arith.muli %while3A_249, %mul3A_259 : i32
        %add3A_261 = arith.constant 0 : i32
        %add3A_262 = arith.addi %mul3A_260, %add3A_261 : i32
        %get3A_263 = arith.index_cast %add3A_262 : i32 to index
        %get3A_264 = tpu.vector_load %arg14[%get3A_263] {strides = array<i32>} : memref<4096xf32, #tpu.memory_space<vmem>>, vector<16xf32>,
        %add3A_265 = arith.constant 16 : i32
        %add3A_266 = arith.addi %mul3A_260, %add3A_265 : i32
        %get3A_267 = arith.index_cast %add3A_266 : i32 to index
        %get3A_268 = tpu.vector_load %arg14[%get3A_267] {strides = array<i32>} : memref<4096xf32, #tpu.memory_space<vmem>>, vector<16xf32>,
        %add3A_269 = arith.constant 32 : i32
        %add3A_270 = arith.addi %mul3A_260, %add3A_269 : i32
        %get3A_271 = arith.index_cast %add3A_270 : i32 to index
        %get3A_272 = tpu.vector_load %arg14[%get3A_271] {strides = array<i32>} : memref<4096xf32, #tpu.memory_space<vmem>>, vector<16xf32>,
        %add3A_273 = arith.constant 48 : i32
        %add3A_274 = arith.addi %mul3A_260, %add3A_273 : i32
        %get3A_275 = arith.index_cast %add3A_274 : i32 to index
        %get3A_276 = tpu.vector_load %arg14[%get3A_275] {strides = array<i32>} : memref<4096xf32, #tpu.memory_space<vmem>>, vector<16xf32>,
        %add3A_277 = arith.constant 64 : i32
        %add3A_278 = arith.addi %mul3A_260, %add3A_277 : i32
        %get3A_279 = arith.index_cast %add3A_278 : i32 to index
        %get3A_280 = tpu.vector_load %arg14[%get3A_279] {strides = array<i32>} : memref<4096xf32, #tpu.memory_space<vmem>>, vector<16xf32>,
        %add3A_281 = arith.constant 80 : i32
        %add3A_282 = arith.addi %mul3A_260, %add3A_281 : i32
        %get3A_283 = arith.index_cast %add3A_282 : i32 to index
        %get3A_284 = tpu.vector_load %arg14[%get3A_283] {strides = array<i32>} : memref<4096xf32, #tpu.memory_space<vmem>>, vector<16xf32>,
        %add3A_285 = arith.constant 96 : i32
        %add3A_286 = arith.addi %mul3A_260, %add3A_285 : i32
        %get3A_287 = arith.index_cast %add3A_286 : i32 to index
        %get3A_288 = tpu.vector_load %arg14[%get3A_287] {strides = array<i32>} : memref<4096xf32, #tpu.memory_space<vmem>>, vector<16xf32>,
        %add3A_289 = arith.constant 112 : i32
        %add3A_290 = arith.addi %mul3A_260, %add3A_289 : i32
        %get3A_291 = arith.index_cast %add3A_290 : i32 to index
        %get3A_292 = tpu.vector_load %arg14[%get3A_291] {strides = array<i32>} : memref<4096xf32, #tpu.memory_space<vmem>>, vector<16xf32>,
        %add3A_293 = arith.constant 0 : i32
        %add3A_294 = arith.addi %mul3A_260, %add3A_293 : i32
        %get3A_295 = arith.index_cast %add3A_294 : i32 to index
        %get3A_296 = tpu.vector_load %arg15[%get3A_295] {strides = array<i32>} : memref<4096xf32, #tpu.memory_space<vmem>>, vector<16xf32>,
        %add3A_297 = arith.constant 16 : i32
        %add3A_298 = arith.addi %mul3A_260, %add3A_297 : i32
        %get3A_299 = arith.index_cast %add3A_298 : i32 to index
        %get3A_300 = tpu.vector_load %arg15[%get3A_299] {strides = array<i32>} : memref<4096xf32, #tpu.memory_space<vmem>>, vector<16xf32>,
        %add3A_301 = arith.constant 32 : i32
        %add3A_302 = arith.addi %mul3A_260, %add3A_301 : i32
        %get3A_303 = arith.index_cast %add3A_302 : i32 to index
        %get3A_304 = tpu.vector_load %arg15[%get3A_303] {strides = array<i32>} : memref<4096xf32, #tpu.memory_space<vmem>>, vector<16xf32>,
        %add3A_305 = arith.constant 48 : i32
        %add3A_306 = arith.addi %mul3A_260, %add3A_305 : i32
        %get3A_307 = arith.index_cast %add3A_306 : i32 to index
        %get3A_308 = tpu.vector_load %arg15[%get3A_307] {strides = array<i32>} : memref<4096xf32, #tpu.memory_space<vmem>>, vector<16xf32>,
        %add3A_309 = arith.constant 64 : i32
        %add3A_310 = arith.addi %mul3A_260, %add3A_309 : i32
        %get3A_311 = arith.index_cast %add3A_310 : i32 to index
        %get3A_312 = tpu.vector_load %arg15[%get3A_311] {strides = array<i32>} : memref<4096xf32, #tpu.memory_space<vmem>>, vector<16xf32>,
        %add3A_313 = arith.constant 80 : i32
        %add3A_314 = arith.addi %mul3A_260, %add3A_313 : i32
        %get3A_315 = arith.index_cast %add3A_314 : i32 to index
        %get3A_316 = tpu.vector_load %arg15[%get3A_315] {strides = array<i32>} : memref<4096xf32, #tpu.memory_space<vmem>>, vector<16xf32>,
        %add3A_317 = arith.constant 96 : i32
        %add3A_318 = arith.addi %mul3A_260, %add3A_317 : i32
        %get3A_319 = arith.index_cast %add3A_318 : i32 to index
        %get3A_320 = tpu.vector_load %arg15[%get3A_319] {strides = array<i32>} : memref<4096xf32, #tpu.memory_space<vmem>>, vector<16xf32>,
        %add3A_321 = arith.constant 112 : i32
        %add3A_322 = arith.addi %mul3A_260, %add3A_321 : i32
        %get3A_323 = arith.index_cast %add3A_322 : i32 to index
        %get3A_324 = tpu.vector_load %arg15[%get3A_323] {strides = array<i32>} : memref<4096xf32, #tpu.memory_space<vmem>>, vector<16xf32>,
        %while3A_325 = arith.subi %max3A_258, %max3A_252 : i32
        %while3A_326 = arith.addi %max3A_252, %while3A_325 : i32
        %while3A_327 = arith.constant 1 : i32
        %while3A_328 = arith.divsi %while3A_325, %while3A_327 : i32
        %while3A_329 = arith.muli %while3A_328, %while3A_327 : i32
        %while3A_330 = arith.addi %max3A_252, %while3A_329 : i32
        %while3A_331 = arith.constant 1 : i32
        %while3A_332:16 = scf.for %while3A_401 = %max3A_252 to %while3A_330 step %while3A_331 iter_args(%while3A_402 = %get3A_264, %while3A_403 = %get3A_268, %while3A_404 = %get3A_272, %while3A_405 = %get3A_276, %while3A_406 = %get3A_280, %while3A_407 = %get3A_284, %while3A_408 = %get3A_288, %while3A_409 = %get3A_292, %while3A_410 = %get3A_296, %while3A_411 = %get3A_300, %while3A_412 = %get3A_304, %while3A_413 = %get3A_308, %while3A_414 = %get3A_312, %while3A_415 = %get3A_316, %while3A_416 = %get3A_320, %while3A_417 = %get3A_324) -> (vector<16xf32>, vector<16xf32>, vector<16xf32>, vector<16xf32>, vector<16xf32>, vector<16xf32>, vector<16xf32>, vector<16xf32>, vector<16xf32>, vector<16xf32>, vector<16xf32>, vector<16xf32>, vector<16xf32>, vector<16xf32>, vector<16xf32>, vector<16xf32>)  : i32 {
          %sub3A_418 = arith.subi %while3A_401, %min3A_233 : i32
          %mul3A_419 = arith.constant 128 : i32
          %mul3A_420 = arith.muli %sub3A_418, %mul3A_419 : i32
          %add3A_421 = arith.constant 0 : i32
          %add3A_422 = arith.addi %mul3A_420, %add3A_421 : i32
          %get3A_423 = arith.index_cast %add3A_422 : i32 to index
          %get3A_424 = tpu.vector_load %arg8[%get3A_423] {strides = array<i32>} : memref<32768xf32, #tpu.memory_space<vmem>>, vector<16xf32>,
          %add3A_425 = arith.constant 16 : i32
          %add3A_426 = arith.addi %mul3A_420, %add3A_425 : i32
          %get3A_427 = arith.index_cast %add3A_426 : i32 to index
          %get3A_428 = tpu.vector_load %arg8[%get3A_427] {strides = array<i32>} : memref<32768xf32, #tpu.memory_space<vmem>>, vector<16xf32>,
          %add3A_429 = arith.constant 32 : i32
          %add3A_430 = arith.addi %mul3A_420, %add3A_429 : i32
          %get3A_431 = arith.index_cast %add3A_430 : i32 to index
          %get3A_432 = tpu.vector_load %arg8[%get3A_431] {strides = array<i32>} : memref<32768xf32, #tpu.memory_space<vmem>>, vector<16xf32>,
          %add3A_433 = arith.constant 48 : i32
          %add3A_434 = arith.addi %mul3A_420, %add3A_433 : i32
          %get3A_435 = arith.index_cast %add3A_434 : i32 to index
          %get3A_436 = tpu.vector_load %arg8[%get3A_435] {strides = array<i32>} : memref<32768xf32, #tpu.memory_space<vmem>>, vector<16xf32>,
          %add3A_437 = arith.constant 64 : i32
          %add3A_438 = arith.addi %mul3A_420, %add3A_437 : i32
          %get3A_439 = arith.index_cast %add3A_438 : i32 to index
          %get3A_440 = tpu.vector_load %arg8[%get3A_439] {strides = array<i32>} : memref<32768xf32, #tpu.memory_space<vmem>>, vector<16xf32>,
          %add3A_441 = arith.constant 80 : i32
          %add3A_442 = arith.addi %mul3A_420, %add3A_441 : i32
          %get3A_443 = arith.index_cast %add3A_442 : i32 to index
          %get3A_444 = tpu.vector_load %arg8[%get3A_443] {strides = array<i32>} : memref<32768xf32, #tpu.memory_space<vmem>>, vector<16xf32>,
          %add3A_445 = arith.constant 96 : i32
          %add3A_446 = arith.addi %mul3A_420, %add3A_445 : i32
          %get3A_447 = arith.index_cast %add3A_446 : i32 to index
          %get3A_448 = tpu.vector_load %arg8[%get3A_447] {strides = array<i32>} : memref<32768xf32, #tpu.memory_space<vmem>>, vector<16xf32>,
          %add3A_449 = arith.constant 112 : i32
          %add3A_450 = arith.addi %mul3A_420, %add3A_449 : i32
          %get3A_451 = arith.index_cast %add3A_450 : i32 to index
          %get3A_452 = tpu.vector_load %arg8[%get3A_451] {strides = array<i32>} : memref<32768xf32, #tpu.memory_space<vmem>>, vector<16xf32>,
          %add3A_453 = arith.addf %while3A_402, %get3A_424 : vector<16xf32>
          %add3A_454 = arith.addf %while3A_403, %get3A_428 : vector<16xf32>
          %add3A_455 = arith.addf %while3A_404, %get3A_432 : vector<16xf32>
          %add3A_456 = arith.addf %while3A_405, %get3A_436 : vector<16xf32>
          %add3A_457 = arith.addf %while3A_406, %get3A_440 : vector<16xf32>
          %add3A_458 = arith.addf %while3A_407, %get3A_444 : vector<16xf32>
          %add3A_459 = arith.addf %while3A_408, %get3A_448 : vector<16xf32>
          %add3A_460 = arith.addf %while3A_409, %get3A_452 : vector<16xf32>
          %max3A_461 = arith.maximumf %while3A_410, %get3A_424 : vector<16xf32>
          %max3A_462 = arith.maximumf %while3A_411, %get3A_428 : vector<16xf32>
          %max3A_463 = arith.maximumf %while3A_412, %get3A_432 : vector<16xf32>
          %max3A_464 = arith.maximumf %while3A_413, %get3A_436 : vector<16xf32>
          %max3A_465 = arith.maximumf %while3A_414, %get3A_440 : vector<16xf32>
          %max3A_466 = arith.maximumf %while3A_415, %get3A_444 : vector<16xf32>
          %max3A_467 = arith.maximumf %while3A_416, %get3A_448 : vector<16xf32>
          %max3A_468 = arith.maximumf %while3A_417, %get3A_452 : vector<16xf32>
          scf.yield %add3A_453, %add3A_454, %add3A_455, %add3A_456, %add3A_457, %add3A_458, %add3A_459, %add3A_460, %max3A_461, %max3A_462, %max3A_463, %max3A_464, %max3A_465, %max3A_466, %max3A_467, %max3A_468 : vector<16xf32>, vector<16xf32>, vector<16xf32>, vector<16xf32>, vector<16xf32>, vector<16xf32>, vector<16xf32>, vector<16xf32>, vector<16xf32>, vector<16xf32>, vector<16xf32>, vector<16xf32>, vector<16xf32>, vector<16xf32>, vector<16xf32>, vector<16xf32>
        }
        %while3A_333 = arith.constant 1 : i32
        %while3A_334:16 = scf.for %while3A_401 = %while3A_330 to %while3A_326 step %while3A_333 iter_args(%while3A_402 = %while3A_332#0, %while3A_403 = %while3A_332#1, %while3A_404 = %while3A_332#2, %while3A_405 = %while3A_332#3, %while3A_406 = %while3A_332#4, %while3A_407 = %while3A_332#5, %while3A_408 = %while3A_332#6, %while3A_409 = %while3A_332#7, %while3A_410 = %while3A_332#8, %while3A_411 = %while3A_332#9, %while3A_412 = %while3A_332#10, %while3A_413 = %while3A_332#11, %while3A_414 = %while3A_332#12, %while3A_415 = %while3A_332#13, %while3A_416 = %while3A_332#14, %while3A_417 = %while3A_332#15) -> (vector<16xf32>, vector<16xf32>, vector<16xf32>, vector<16xf32>, vector<16xf32>, vector<16xf32>, vector<16xf32>, vector<16xf32>, vector<16xf32>, vector<16xf32>, vector<16xf32>, vector<16xf32>, vector<16xf32>, vector<16xf32>, vector<16xf32>, vector<16xf32>)  : i32 {
          %sub3A_418 = arith.subi %while3A_401, %min3A_233 : i32
          %mul3A_419 = arith.constant 128 : i32
          %mul3A_420 = arith.muli %sub3A_418, %mul3A_419 : i32
          %add3A_421 = arith.constant 0 : i32
          %add3A_422 = arith.addi %mul3A_420, %add3A_421 : i32
          %get3A_423 = arith.index_cast %add3A_422 : i32 to index
          %get3A_424 = tpu.vector_load %arg8[%get3A_423] {strides = array<i32>} : memref<32768xf32, #tpu.memory_space<vmem>>, vector<16xf32>,
          %add3A_425 = arith.constant 16 : i32
          %add3A_426 = arith.addi %mul3A_420, %add3A_425 : i32
          %get3A_427 = arith.index_cast %add3A_426 : i32 to index
          %get3A_428 = tpu.vector_load %arg8[%get3A_427] {strides = array<i32>} : memref<32768xf32, #tpu.memory_space<vmem>>, vector<16xf32>,
          %add3A_429 = arith.constant 32 : i32
          %add3A_430 = arith.addi %mul3A_420, %add3A_429 : i32
          %get3A_431 = arith.index_cast %add3A_430 : i32 to index
          %get3A_432 = tpu.vector_load %arg8[%get3A_431] {strides = array<i32>} : memref<32768xf32, #tpu.memory_space<vmem>>, vector<16xf32>,
          %add3A_433 = arith.constant 48 : i32
          %add3A_434 = arith.addi %mul3A_420, %add3A_433 : i32
          %get3A_435 = arith.index_cast %add3A_434 : i32 to index
          %get3A_436 = tpu.vector_load %arg8[%get3A_435] {strides = array<i32>} : memref<32768xf32, #tpu.memory_space<vmem>>, vector<16xf32>,
          %add3A_437 = arith.constant 64 : i32
          %add3A_438 = arith.addi %mul3A_420, %add3A_437 : i32
          %get3A_439 = arith.index_cast %add3A_438 : i32 to index
          %get3A_440 = tpu.vector_load %arg8[%get3A_439] {strides = array<i32>} : memref<32768xf32, #tpu.memory_space<vmem>>, vector<16xf32>,
          %add3A_441 = arith.constant 80 : i32
          %add3A_442 = arith.addi %mul3A_420, %add3A_441 : i32
          %get3A_443 = arith.index_cast %add3A_442 : i32 to index
          %get3A_444 = tpu.vector_load %arg8[%get3A_443] {strides = array<i32>} : memref<32768xf32, #tpu.memory_space<vmem>>, vector<16xf32>,
          %add3A_445 = arith.constant 96 : i32
          %add3A_446 = arith.addi %mul3A_420, %add3A_445 : i32
          %get3A_447 = arith.index_cast %add3A_446 : i32 to index
          %get3A_448 = tpu.vector_load %arg8[%get3A_447] {strides = array<i32>} : memref<32768xf32, #tpu.memory_space<vmem>>, vector<16xf32>,
          %add3A_449 = arith.constant 112 : i32
          %add3A_450 = arith.addi %mul3A_420, %add3A_449 : i32
          %get3A_451 = arith.index_cast %add3A_450 : i32 to index
          %get3A_452 = tpu.vector_load %arg8[%get3A_451] {strides = array<i32>} : memref<32768xf32, #tpu.memory_space<vmem>>, vector<16xf32>,
          %add3A_453 = arith.addf %while3A_402, %get3A_424 : vector<16xf32>
          %add3A_454 = arith.addf %while3A_403, %get3A_428 : vector<16xf32>
          %add3A_455 = arith.addf %while3A_404, %get3A_432 : vector<16xf32>
          %add3A_456 = arith.addf %while3A_405, %get3A_436 : vector<16xf32>
          %add3A_457 = arith.addf %while3A_406, %get3A_440 : vector<16xf32>
          %add3A_458 = arith.addf %while3A_407, %get3A_444 : vector<16xf32>
          %add3A_459 = arith.addf %while3A_408, %get3A_448 : vector<16xf32>
          %add3A_460 = arith.addf %while3A_409, %get3A_452 : vector<16xf32>
          %max3A_461 = arith.maximumf %while3A_410, %get3A_424 : vector<16xf32>
          %max3A_462 = arith.maximumf %while3A_411, %get3A_428 : vector<16xf32>
          %max3A_463 = arith.maximumf %while3A_412, %get3A_432 : vector<16xf32>
          %max3A_464 = arith.maximumf %while3A_413, %get3A_436 : vector<16xf32>
          %max3A_465 = arith.maximumf %while3A_414, %get3A_440 : vector<16xf32>
          %max3A_466 = arith.maximumf %while3A_415, %get3A_444 : vector<16xf32>
          %max3A_467 = arith.maximumf %while3A_416, %get3A_448 : vector<16xf32>
          %max3A_468 = arith.maximumf %while3A_417, %get3A_452 : vector<16xf32>
          scf.yield %add3A_453, %add3A_454, %add3A_455, %add3A_456, %add3A_457, %add3A_458, %add3A_459, %add3A_460, %max3A_461, %max3A_462, %max3A_463, %max3A_464, %max3A_465, %max3A_466, %max3A_467, %max3A_468 : vector<16xf32>, vector<16xf32>, vector<16xf32>, vector<16xf32>, vector<16xf32>, vector<16xf32>, vector<16xf32>, vector<16xf32>, vector<16xf32>, vector<16xf32>, vector<16xf32>, vector<16xf32>, vector<16xf32>, vector<16xf32>, vector<16xf32>, vector<16xf32>
        }
        %add3A_335 = arith.constant 0 : i32
        %add3A_336 = arith.addi %mul3A_260, %add3A_335 : i32
        %swap3A_337 = arith.index_cast %add3A_336 : i32 to index
        %swap3A_338 = tpu.vector_load %arg14[%swap3A_337] {strides = array<i32>} : memref<4096xf32, #tpu.memory_space<vmem>>, vector<16xf32>,
        tpu.vector_store %arg14[%swap3A_337], %while3A_334#0 {strides = array<i32>} : memref<4096xf32, #tpu.memory_space<vmem>>, vector<16xf32>,
        %add3A_339 = arith.constant 0 : i32
        %add3A_340 = arith.addi %mul3A_260, %add3A_339 : i32
        %swap3A_341 = arith.index_cast %add3A_340 : i32 to index
        %swap3A_342 = tpu.vector_load %arg15[%swap3A_341] {strides = array<i32>} : memref<4096xf32, #tpu.memory_space<vmem>>, vector<16xf32>,
        tpu.vector_store %arg15[%swap3A_341], %while3A_334#8 {strides = array<i32>} : memref<4096xf32, #tpu.memory_space<vmem>>, vector<16xf32>,
        %add3A_343 = arith.constant 16 : i32
        %add3A_344 = arith.addi %mul3A_260, %add3A_343 : i32
        %swap3A_345 = arith.index_cast %add3A_344 : i32 to index
        %swap3A_346 = tpu.vector_load %arg14[%swap3A_345] {strides = array<i32>} : memref<4096xf32, #tpu.memory_space<vmem>>, vector<16xf32>,
        tpu.vector_store %arg14[%swap3A_345], %while3A_334#1 {strides = array<i32>} : memref<4096xf32, #tpu.memory_space<vmem>>, vector<16xf32>,
        %add3A_347 = arith.constant 16 : i32
        %add3A_348 = arith.addi %mul3A_260, %add3A_347 : i32
        %swap3A_349 = arith.index_cast %add3A_348 : i32 to index
        %swap3A_350 = tpu.vector_load %arg15[%swap3A_349] {strides = array<i32>} : memref<4096xf32, #tpu.memory_space<vmem>>, vector<16xf32>,
        tpu.vector_store %arg15[%swap3A_349], %while3A_334#9 {strides = array<i32>} : memref<4096xf32, #tpu.memory_space<vmem>>, vector<16xf32>,
        %add3A_351 = arith.constant 32 : i32
        %add3A_352 = arith.addi %mul3A_260, %add3A_351 : i32
        %swap3A_353 = arith.index_cast %add3A_352 : i32 to index
        %swap3A_354 = tpu.vector_load %arg14[%swap3A_353] {strides = array<i32>} : memref<4096xf32, #tpu.memory_space<vmem>>, vector<16xf32>,
        tpu.vector_store %arg14[%swap3A_353], %while3A_334#2 {strides = array<i32>} : memref<4096xf32, #tpu.memory_space<vmem>>, vector<16xf32>,
        %add3A_355 = arith.constant 32 : i32
        %add3A_356 = arith.addi %mul3A_260, %add3A_355 : i32
        %swap3A_357 = arith.index_cast %add3A_356 : i32 to index
        %swap3A_358 = tpu.vector_load %arg15[%swap3A_357] {strides = array<i32>} : memref<4096xf32, #tpu.memory_space<vmem>>, vector<16xf32>,
        tpu.vector_store %arg15[%swap3A_357], %while3A_334#10 {strides = array<i32>} : memref<4096xf32, #tpu.memory_space<vmem>>, vector<16xf32>,
        %add3A_359 = arith.constant 48 : i32
        %add3A_360 = arith.addi %mul3A_260, %add3A_359 : i32
        %swap3A_361 = arith.index_cast %add3A_360 : i32 to index
        %swap3A_362 = tpu.vector_load %arg14[%swap3A_361] {strides = array<i32>} : memref<4096xf32, #tpu.memory_space<vmem>>, vector<16xf32>,
        tpu.vector_store %arg14[%swap3A_361], %while3A_334#3 {strides = array<i32>} : memref<4096xf32, #tpu.memory_space<vmem>>, vector<16xf32>,
        %add3A_363 = arith.constant 48 : i32
        %add3A_364 = arith.addi %mul3A_260, %add3A_363 : i32
        %swap3A_365 = arith.index_cast %add3A_364 : i32 to index
        %swap3A_366 = tpu.vector_load %arg15[%swap3A_365] {strides = array<i32>} : memref<4096xf32, #tpu.memory_space<vmem>>, vector<16xf32>,
        tpu.vector_store %arg15[%swap3A_365], %while3A_334#11 {strides = array<i32>} : memref<4096xf32, #tpu.memory_space<vmem>>, vector<16xf32>,
        %add3A_367 = arith.constant 64 : i32
        %add3A_368 = arith.addi %mul3A_260, %add3A_367 : i32
        %swap3A_369 = arith.index_cast %add3A_368 : i32 to index
        %swap3A_370 = tpu.vector_load %arg14[%swap3A_369] {strides = array<i32>} : memref<4096xf32, #tpu.memory_space<vmem>>, vector<16xf32>,
        tpu.vector_store %arg14[%swap3A_369], %while3A_334#4 {strides = array<i32>} : memref<4096xf32, #tpu.memory_space<vmem>>, vector<16xf32>,
        %add3A_371 = arith.constant 64 : i32
        %add3A_372 = arith.addi %mul3A_260, %add3A_371 : i32
        %swap3A_373 = arith.index_cast %add3A_372 : i32 to index
        %swap3A_374 = tpu.vector_load %arg15[%swap3A_373] {strides = array<i32>} : memref<4096xf32, #tpu.memory_space<vmem>>, vector<16xf32>,
        tpu.vector_store %arg15[%swap3A_373], %while3A_334#12 {strides = array<i32>} : memref<4096xf32, #tpu.memory_space<vmem>>, vector<16xf32>,
        %add3A_375 = arith.constant 80 : i32
        %add3A_376 = arith.addi %mul3A_260, %add3A_375 : i32
        %swap3A_377 = arith.index_cast %add3A_376 : i32 to index
        %swap3A_378 = tpu.vector_load %arg14[%swap3A_377] {strides = array<i32>} : memref<4096xf32, #tpu.memory_space<vmem>>, vector<16xf32>,
        tpu.vector_store %arg14[%swap3A_377], %while3A_334#5 {strides = array<i32>} : memref<4096xf32, #tpu.memory_space<vmem>>, vector<16xf32>,
        %add3A_379 = arith.constant 80 : i32
        %add3A_380 = arith.addi %mul3A_260, %add3A_379 : i32
        %swap3A_381 = arith.index_cast %add3A_380 : i32 to index
        %swap3A_382 = tpu.vector_load %arg15[%swap3A_381] {strides = array<i32>} : memref<4096xf32, #tpu.memory_space<vmem>>, vector<16xf32>,
        tpu.vector_store %arg15[%swap3A_381], %while3A_334#13 {strides = array<i32>} : memref<4096xf32, #tpu.memory_space<vmem>>, vector<16xf32>,
        %add3A_383 = arith.constant 96 : i32
        %add3A_384 = arith.addi %mul3A_260, %add3A_383 : i32
        %swap3A_385 = arith.index_cast %add3A_384 : i32 to index
        %swap3A_386 = tpu.vector_load %arg14[%swap3A_385] {strides = array<i32>} : memref<4096xf32, #tpu.memory_space<vmem>>, vector<16xf32>,
        tpu.vector_store %arg14[%swap3A_385], %while3A_334#6 {strides = array<i32>} : memref<4096xf32, #tpu.memory_space<vmem>>, vector<16xf32>,
        %add3A_387 = arith.constant 96 : i32
        %add3A_388 = arith.addi %mul3A_260, %add3A_387 : i32
        %swap3A_389 = arith.index_cast %add3A_388 : i32 to index
        %swap3A_390 = tpu.vector_load %arg15[%swap3A_389] {strides = array<i32>} : memref<4096xf32, #tpu.memory_space<vmem>>, vector<16xf32>,
        tpu.vector_store %arg15[%swap3A_389], %while3A_334#14 {strides = array<i32>} : memref<4096xf32, #tpu.memory_space<vmem>>, vector<16xf32>,
        %add3A_391 = arith.constant 112 : i32
        %add3A_392 = arith.addi %mul3A_260, %add3A_391 : i32
        %swap3A_393 = arith.index_cast %add3A_392 : i32 to index
        %swap3A_394 = tpu.vector_load %arg14[%swap3A_393] {strides = array<i32>} : memref<4096xf32, #tpu.memory_space<vmem>>, vector<16xf32>,
        tpu.vector_store %arg14[%swap3A_393], %while3A_334#7 {strides = array<i32>} : memref<4096xf32, #tpu.memory_space<vmem>>, vector<16xf32>,
        %add3A_395 = arith.constant 112 : i32
        %add3A_396 = arith.addi %mul3A_260, %add3A_395 : i32
        %swap3A_397 = arith.index_cast %add3A_396 : i32 to index
        %swap3A_398 = tpu.vector_load %arg15[%swap3A_397] {strides = array<i32>} : memref<4096xf32, #tpu.memory_space<vmem>>, vector<16xf32>,
        tpu.vector_store %arg15[%swap3A_397], %while3A_334#15 {strides = array<i32>} : memref<4096xf32, #tpu.memory_space<vmem>>, vector<16xf32>,
        %add3A_399 = arith.constant 1 : i32
        %add3A_400 = arith.addi %while3A_249, %add3A_399 : i32
        scf.yield %add3A_400 : i32
      }
      %add3A_239 = arith.constant 2 : i32
      %add3A_240 = arith.addi %add3A_225, %add3A_239 : i32
      %lt3A_241 = arith.cmpi slt, %add3A_240, %mul3A_144 : i32
      %convert_element_type3A_242 = arith.extui %lt3A_241 : i1 to i32
      %cond3A_243 = arith.constant 0 : i32
      %cond3A_244 = arith.cmpi ne, %convert_element_type3A_242, %cond3A_243 : i32
      scf.if %cond3A_244 {
        %add3A_249 = arith.constant 2 : i32
        %add3A_250 = arith.addi %add3A_225, %add3A_249 : i32
        %mul3A_251 = arith.constant 256 : i32
        %mul3A_252 = arith.muli %add3A_250, %mul3A_251 : i32
        %add3A_253 = arith.addi %get3A_93, %mul3A_252 : i32
        %min3A_254 = arith.constant 99744 : i32
        %min3A_255 = arith.minsi %add3A_253, %min3A_254 : i32
        %mul3A_256 = arith.constant 128 : i32
        %mul3A_257 = arith.muli %min3A_255, %mul3A_256 : i32
        %dma_start3A_258 = tpu.memref_slice %arg2[%mul3A_257] : memref<12800000xf32, #tpu.memory_space<hbm>> -> memref<32768xf32, #tpu.memory_space<hbm>>
        %dma_start3A_259 = tpu.memref_slice %arg2[%mul3A_257] : memref<12800000xf32, #tpu.memory_space<hbm>> -> memref<32768xf32, #tpu.memory_space<hbm>>
        tpu.enqueue_dma source(%dma_start3A_259 : memref<32768xf32, #tpu.memory_space<hbm>>) target(%arg8 : memref<32768xf32, #tpu.memory_space<vmem>>) target_semaphore(%arg20 : memref<!tpu.dma_semaphore, #tpu.memory_space<semaphore_mem>>)
      } else {
      }
      %sub3A_245 = arith.constant 1 : i32
      %sub3A_246 = arith.subi %while3A_238, %sub3A_245 : i32
      %max3A_247 = arith.constant 0 : i32
      %max3A_248 = arith.maxsi %sub3A_246, %max3A_247 : i32
      scf.yield %max3A_248 : i32
    }
    %while3A_180 = arith.constant 1 : i32
    %while3A_181 = scf.for %while3A_199 = %while3A_177 to %while3A_173 step %while3A_180 iter_args(%while3A_200 = %while3A_179) -> (i32)  : i32 {
      %mul3A_201 = arith.constant 2 : i32
      %mul3A_202 = arith.muli %mul3A_201, %while3A_199 : i32
      %mul3A_203 = arith.constant 256 : i32
      %mul3A_204 = arith.muli %mul3A_202, %mul3A_203 : i32
      %add3A_205 = arith.addi %get3A_93, %mul3A_204 : i32
      %add3A_206 = arith.constant 256 : i32
      %add3A_207 = arith.addi %add3A_205, %add3A_206 : i32
      %min3A = arith.minsi %add3A_207, %get3A_96 : i32
      %min3A_208 = arith.constant 99744 : i32
      %min3A_209 = arith.minsi %add3A_205, %min3A_208 : i32
      %dma_wait3A_210 = arith.constant 0 : i32
      %dma_wait3A_211 = tpu.memref_slice %arg2[%dma_wait3A_210] : memref<12800000xf32, #tpu.memory_space<hbm>> -> memref<32768xf32, #tpu.memory_space<hbm>>
      %dma_wait3A_212 = arith.constant 0 : i32
      %dma_wait3A_213 = tpu.memref_slice %arg2[%dma_wait3A_212] : memref<12800000xf32, #tpu.memory_space<hbm>> -> memref<32768xf32, #tpu.memory_space<hbm>>
      tpu.wait_dma2 semaphore(%arg19 : memref<!tpu.dma_semaphore, #tpu.memory_space<semaphore_mem>>) src(%dma_wait3A_213 : memref<32768xf32, #tpu.memory_space<hbm>>) dst(%arg7 : memref<32768xf32, #tpu.memory_space<vmem>>)
      %while3A_214 = scf.while (%while3A_249 = %while3A_200) : (i32) -> i32 {
        %lt3A_250 = arith.constant 32 : i32
        %lt3A_251 = arith.cmpi slt, %while3A_249, %lt3A_250 : i32
        %get3A_252 = arith.index_cast %while3A_249 : i32 to index
        %get3A_253 = memref.load %arg17[%get3A_252] : memref<40xi32, #tpu.memory_space<smem>>
        %lt3A_254 = arith.cmpi slt, %get3A_253, %min3A : i32
        %and3A_255 = arith.andi %lt3A_251, %lt3A_254 : i1
        scf.condition(%and3A_255) %while3A_249 : i32
      } do {
      ^bb0(%while3A_249: i32):
        %get3A_250 = arith.index_cast %while3A_249 : i32 to index
        %get3A_251 = memref.load %arg17[%get3A_250] : memref<40xi32, #tpu.memory_space<smem>>
        %max3A_252 = arith.maxsi %get3A_251, %add3A_205 : i32
        %add3A_253 = arith.constant 1 : i32
        %add3A_254 = arith.addi %while3A_249, %add3A_253 : i32
        %get3A_255 = arith.index_cast %add3A_254 : i32 to index
        %get3A_256 = memref.load %arg17[%get3A_255] : memref<40xi32, #tpu.memory_space<smem>>
        %min3A_257 = arith.minsi %get3A_256, %min3A : i32
        %max3A_258 = arith.maxsi %min3A_257, %max3A_252 : i32
        %mul3A_259 = arith.constant 128 : i32
        %mul3A_260 = arith.muli %while3A_249, %mul3A_259 : i32
        %add3A_261 = arith.constant 0 : i32
        %add3A_262 = arith.addi %mul3A_260, %add3A_261 : i32
        %get3A_263 = arith.index_cast %add3A_262 : i32 to index
        %get3A_264 = tpu.vector_load %arg14[%get3A_263] {strides = array<i32>} : memref<4096xf32, #tpu.memory_space<vmem>>, vector<16xf32>,
        %add3A_265 = arith.constant 16 : i32
        %add3A_266 = arith.addi %mul3A_260, %add3A_265 : i32
        %get3A_267 = arith.index_cast %add3A_266 : i32 to index
        %get3A_268 = tpu.vector_load %arg14[%get3A_267] {strides = array<i32>} : memref<4096xf32, #tpu.memory_space<vmem>>, vector<16xf32>,
        %add3A_269 = arith.constant 32 : i32
        %add3A_270 = arith.addi %mul3A_260, %add3A_269 : i32
        %get3A_271 = arith.index_cast %add3A_270 : i32 to index
        %get3A_272 = tpu.vector_load %arg14[%get3A_271] {strides = array<i32>} : memref<4096xf32, #tpu.memory_space<vmem>>, vector<16xf32>,
        %add3A_273 = arith.constant 48 : i32
        %add3A_274 = arith.addi %mul3A_260, %add3A_273 : i32
        %get3A_275 = arith.index_cast %add3A_274 : i32 to index
        %get3A_276 = tpu.vector_load %arg14[%get3A_275] {strides = array<i32>} : memref<4096xf32, #tpu.memory_space<vmem>>, vector<16xf32>,
        %add3A_277 = arith.constant 64 : i32
        %add3A_278 = arith.addi %mul3A_260, %add3A_277 : i32
        %get3A_279 = arith.index_cast %add3A_278 : i32 to index
        %get3A_280 = tpu.vector_load %arg14[%get3A_279] {strides = array<i32>} : memref<4096xf32, #tpu.memory_space<vmem>>, vector<16xf32>,
        %add3A_281 = arith.constant 80 : i32
        %add3A_282 = arith.addi %mul3A_260, %add3A_281 : i32
        %get3A_283 = arith.index_cast %add3A_282 : i32 to index
        %get3A_284 = tpu.vector_load %arg14[%get3A_283] {strides = array<i32>} : memref<4096xf32, #tpu.memory_space<vmem>>, vector<16xf32>,
        %add3A_285 = arith.constant 96 : i32
        %add3A_286 = arith.addi %mul3A_260, %add3A_285 : i32
        %get3A_287 = arith.index_cast %add3A_286 : i32 to index
        %get3A_288 = tpu.vector_load %arg14[%get3A_287] {strides = array<i32>} : memref<4096xf32, #tpu.memory_space<vmem>>, vector<16xf32>,
        %add3A_289 = arith.constant 112 : i32
        %add3A_290 = arith.addi %mul3A_260, %add3A_289 : i32
        %get3A_291 = arith.index_cast %add3A_290 : i32 to index
        %get3A_292 = tpu.vector_load %arg14[%get3A_291] {strides = array<i32>} : memref<4096xf32, #tpu.memory_space<vmem>>, vector<16xf32>,
        %add3A_293 = arith.constant 0 : i32
        %add3A_294 = arith.addi %mul3A_260, %add3A_293 : i32
        %get3A_295 = arith.index_cast %add3A_294 : i32 to index
        %get3A_296 = tpu.vector_load %arg15[%get3A_295] {strides = array<i32>} : memref<4096xf32, #tpu.memory_space<vmem>>, vector<16xf32>,
        %add3A_297 = arith.constant 16 : i32
        %add3A_298 = arith.addi %mul3A_260, %add3A_297 : i32
        %get3A_299 = arith.index_cast %add3A_298 : i32 to index
        %get3A_300 = tpu.vector_load %arg15[%get3A_299] {strides = array<i32>} : memref<4096xf32, #tpu.memory_space<vmem>>, vector<16xf32>,
        %add3A_301 = arith.constant 32 : i32
        %add3A_302 = arith.addi %mul3A_260, %add3A_301 : i32
        %get3A_303 = arith.index_cast %add3A_302 : i32 to index
        %get3A_304 = tpu.vector_load %arg15[%get3A_303] {strides = array<i32>} : memref<4096xf32, #tpu.memory_space<vmem>>, vector<16xf32>,
        %add3A_305 = arith.constant 48 : i32
        %add3A_306 = arith.addi %mul3A_260, %add3A_305 : i32
        %get3A_307 = arith.index_cast %add3A_306 : i32 to index
        %get3A_308 = tpu.vector_load %arg15[%get3A_307] {strides = array<i32>} : memref<4096xf32, #tpu.memory_space<vmem>>, vector<16xf32>,
        %add3A_309 = arith.constant 64 : i32
        %add3A_310 = arith.addi %mul3A_260, %add3A_309 : i32
        %get3A_311 = arith.index_cast %add3A_310 : i32 to index
        %get3A_312 = tpu.vector_load %arg15[%get3A_311] {strides = array<i32>} : memref<4096xf32, #tpu.memory_space<vmem>>, vector<16xf32>,
        %add3A_313 = arith.constant 80 : i32
        %add3A_314 = arith.addi %mul3A_260, %add3A_313 : i32
        %get3A_315 = arith.index_cast %add3A_314 : i32 to index
        %get3A_316 = tpu.vector_load %arg15[%get3A_315] {strides = array<i32>} : memref<4096xf32, #tpu.memory_space<vmem>>, vector<16xf32>,
        %add3A_317 = arith.constant 96 : i32
        %add3A_318 = arith.addi %mul3A_260, %add3A_317 : i32
        %get3A_319 = arith.index_cast %add3A_318 : i32 to index
        %get3A_320 = tpu.vector_load %arg15[%get3A_319] {strides = array<i32>} : memref<4096xf32, #tpu.memory_space<vmem>>, vector<16xf32>,
        %add3A_321 = arith.constant 112 : i32
        %add3A_322 = arith.addi %mul3A_260, %add3A_321 : i32
        %get3A_323 = arith.index_cast %add3A_322 : i32 to index
        %get3A_324 = tpu.vector_load %arg15[%get3A_323] {strides = array<i32>} : memref<4096xf32, #tpu.memory_space<vmem>>, vector<16xf32>,
        %while3A_325 = arith.subi %max3A_258, %max3A_252 : i32
        %while3A_326 = arith.addi %max3A_252, %while3A_325 : i32
        %while3A_327 = arith.constant 1 : i32
        %while3A_328 = arith.divsi %while3A_325, %while3A_327 : i32
        %while3A_329 = arith.muli %while3A_328, %while3A_327 : i32
        %while3A_330 = arith.addi %max3A_252, %while3A_329 : i32
        %while3A_331 = arith.constant 1 : i32
        %while3A_332:16 = scf.for %while3A_401 = %max3A_252 to %while3A_330 step %while3A_331 iter_args(%while3A_402 = %get3A_264, %while3A_403 = %get3A_268, %while3A_404 = %get3A_272, %while3A_405 = %get3A_276, %while3A_406 = %get3A_280, %while3A_407 = %get3A_284, %while3A_408 = %get3A_288, %while3A_409 = %get3A_292, %while3A_410 = %get3A_296, %while3A_411 = %get3A_300, %while3A_412 = %get3A_304, %while3A_413 = %get3A_308, %while3A_414 = %get3A_312, %while3A_415 = %get3A_316, %while3A_416 = %get3A_320, %while3A_417 = %get3A_324) -> (vector<16xf32>, vector<16xf32>, vector<16xf32>, vector<16xf32>, vector<16xf32>, vector<16xf32>, vector<16xf32>, vector<16xf32>, vector<16xf32>, vector<16xf32>, vector<16xf32>, vector<16xf32>, vector<16xf32>, vector<16xf32>, vector<16xf32>, vector<16xf32>)  : i32 {
          %sub3A_418 = arith.subi %while3A_401, %min3A_209 : i32
          %mul3A_419 = arith.constant 128 : i32
          %mul3A_420 = arith.muli %sub3A_418, %mul3A_419 : i32
          %add3A_421 = arith.constant 0 : i32
          %add3A_422 = arith.addi %mul3A_420, %add3A_421 : i32
          %get3A_423 = arith.index_cast %add3A_422 : i32 to index
          %get3A_424 = tpu.vector_load %arg7[%get3A_423] {strides = array<i32>} : memref<32768xf32, #tpu.memory_space<vmem>>, vector<16xf32>,
          %add3A_425 = arith.constant 16 : i32
          %add3A_426 = arith.addi %mul3A_420, %add3A_425 : i32
          %get3A_427 = arith.index_cast %add3A_426 : i32 to index
          %get3A_428 = tpu.vector_load %arg7[%get3A_427] {strides = array<i32>} : memref<32768xf32, #tpu.memory_space<vmem>>, vector<16xf32>,
          %add3A_429 = arith.constant 32 : i32
          %add3A_430 = arith.addi %mul3A_420, %add3A_429 : i32
          %get3A_431 = arith.index_cast %add3A_430 : i32 to index
          %get3A_432 = tpu.vector_load %arg7[%get3A_431] {strides = array<i32>} : memref<32768xf32, #tpu.memory_space<vmem>>, vector<16xf32>,
          %add3A_433 = arith.constant 48 : i32
          %add3A_434 = arith.addi %mul3A_420, %add3A_433 : i32
          %get3A_435 = arith.index_cast %add3A_434 : i32 to index
          %get3A_436 = tpu.vector_load %arg7[%get3A_435] {strides = array<i32>} : memref<32768xf32, #tpu.memory_space<vmem>>, vector<16xf32>,
          %add3A_437 = arith.constant 64 : i32
          %add3A_438 = arith.addi %mul3A_420, %add3A_437 : i32
          %get3A_439 = arith.index_cast %add3A_438 : i32 to index
          %get3A_440 = tpu.vector_load %arg7[%get3A_439] {strides = array<i32>} : memref<32768xf32, #tpu.memory_space<vmem>>, vector<16xf32>,
          %add3A_441 = arith.constant 80 : i32
          %add3A_442 = arith.addi %mul3A_420, %add3A_441 : i32
          %get3A_443 = arith.index_cast %add3A_442 : i32 to index
          %get3A_444 = tpu.vector_load %arg7[%get3A_443] {strides = array<i32>} : memref<32768xf32, #tpu.memory_space<vmem>>, vector<16xf32>,
          %add3A_445 = arith.constant 96 : i32
          %add3A_446 = arith.addi %mul3A_420, %add3A_445 : i32
          %get3A_447 = arith.index_cast %add3A_446 : i32 to index
          %get3A_448 = tpu.vector_load %arg7[%get3A_447] {strides = array<i32>} : memref<32768xf32, #tpu.memory_space<vmem>>, vector<16xf32>,
          %add3A_449 = arith.constant 112 : i32
          %add3A_450 = arith.addi %mul3A_420, %add3A_449 : i32
          %get3A_451 = arith.index_cast %add3A_450 : i32 to index
          %get3A_452 = tpu.vector_load %arg7[%get3A_451] {strides = array<i32>} : memref<32768xf32, #tpu.memory_space<vmem>>, vector<16xf32>,
          %add3A_453 = arith.addf %while3A_402, %get3A_424 : vector<16xf32>
          %add3A_454 = arith.addf %while3A_403, %get3A_428 : vector<16xf32>
          %add3A_455 = arith.addf %while3A_404, %get3A_432 : vector<16xf32>
          %add3A_456 = arith.addf %while3A_405, %get3A_436 : vector<16xf32>
          %add3A_457 = arith.addf %while3A_406, %get3A_440 : vector<16xf32>
          %add3A_458 = arith.addf %while3A_407, %get3A_444 : vector<16xf32>
          %add3A_459 = arith.addf %while3A_408, %get3A_448 : vector<16xf32>
          %add3A_460 = arith.addf %while3A_409, %get3A_452 : vector<16xf32>
          %max3A_461 = arith.maximumf %while3A_410, %get3A_424 : vector<16xf32>
          %max3A_462 = arith.maximumf %while3A_411, %get3A_428 : vector<16xf32>
          %max3A_463 = arith.maximumf %while3A_412, %get3A_432 : vector<16xf32>
          %max3A_464 = arith.maximumf %while3A_413, %get3A_436 : vector<16xf32>
          %max3A_465 = arith.maximumf %while3A_414, %get3A_440 : vector<16xf32>
          %max3A_466 = arith.maximumf %while3A_415, %get3A_444 : vector<16xf32>
          %max3A_467 = arith.maximumf %while3A_416, %get3A_448 : vector<16xf32>
          %max3A_468 = arith.maximumf %while3A_417, %get3A_452 : vector<16xf32>
          scf.yield %add3A_453, %add3A_454, %add3A_455, %add3A_456, %add3A_457, %add3A_458, %add3A_459, %add3A_460, %max3A_461, %max3A_462, %max3A_463, %max3A_464, %max3A_465, %max3A_466, %max3A_467, %max3A_468 : vector<16xf32>, vector<16xf32>, vector<16xf32>, vector<16xf32>, vector<16xf32>, vector<16xf32>, vector<16xf32>, vector<16xf32>, vector<16xf32>, vector<16xf32>, vector<16xf32>, vector<16xf32>, vector<16xf32>, vector<16xf32>, vector<16xf32>, vector<16xf32>
        }
        %while3A_333 = arith.constant 1 : i32
        %while3A_334:16 = scf.for %while3A_401 = %while3A_330 to %while3A_326 step %while3A_333 iter_args(%while3A_402 = %while3A_332#0, %while3A_403 = %while3A_332#1, %while3A_404 = %while3A_332#2, %while3A_405 = %while3A_332#3, %while3A_406 = %while3A_332#4, %while3A_407 = %while3A_332#5, %while3A_408 = %while3A_332#6, %while3A_409 = %while3A_332#7, %while3A_410 = %while3A_332#8, %while3A_411 = %while3A_332#9, %while3A_412 = %while3A_332#10, %while3A_413 = %while3A_332#11, %while3A_414 = %while3A_332#12, %while3A_415 = %while3A_332#13, %while3A_416 = %while3A_332#14, %while3A_417 = %while3A_332#15) -> (vector<16xf32>, vector<16xf32>, vector<16xf32>, vector<16xf32>, vector<16xf32>, vector<16xf32>, vector<16xf32>, vector<16xf32>, vector<16xf32>, vector<16xf32>, vector<16xf32>, vector<16xf32>, vector<16xf32>, vector<16xf32>, vector<16xf32>, vector<16xf32>)  : i32 {
          %sub3A_418 = arith.subi %while3A_401, %min3A_209 : i32
          %mul3A_419 = arith.constant 128 : i32
          %mul3A_420 = arith.muli %sub3A_418, %mul3A_419 : i32
          %add3A_421 = arith.constant 0 : i32
          %add3A_422 = arith.addi %mul3A_420, %add3A_421 : i32
          %get3A_423 = arith.index_cast %add3A_422 : i32 to index
          %get3A_424 = tpu.vector_load %arg7[%get3A_423] {strides = array<i32>} : memref<32768xf32, #tpu.memory_space<vmem>>, vector<16xf32>,
          %add3A_425 = arith.constant 16 : i32
          %add3A_426 = arith.addi %mul3A_420, %add3A_425 : i32
          %get3A_427 = arith.index_cast %add3A_426 : i32 to index
          %get3A_428 = tpu.vector_load %arg7[%get3A_427] {strides = array<i32>} : memref<32768xf32, #tpu.memory_space<vmem>>, vector<16xf32>,
          %add3A_429 = arith.constant 32 : i32
          %add3A_430 = arith.addi %mul3A_420, %add3A_429 : i32
          %get3A_431 = arith.index_cast %add3A_430 : i32 to index
          %get3A_432 = tpu.vector_load %arg7[%get3A_431] {strides = array<i32>} : memref<32768xf32, #tpu.memory_space<vmem>>, vector<16xf32>,
          %add3A_433 = arith.constant 48 : i32
          %add3A_434 = arith.addi %mul3A_420, %add3A_433 : i32
          %get3A_435 = arith.index_cast %add3A_434 : i32 to index
          %get3A_436 = tpu.vector_load %arg7[%get3A_435] {strides = array<i32>} : memref<32768xf32, #tpu.memory_space<vmem>>, vector<16xf32>,
          %add3A_437 = arith.constant 64 : i32
          %add3A_438 = arith.addi %mul3A_420, %add3A_437 : i32
          %get3A_439 = arith.index_cast %add3A_438 : i32 to index
          %get3A_440 = tpu.vector_load %arg7[%get3A_439] {strides = array<i32>} : memref<32768xf32, #tpu.memory_space<vmem>>, vector<16xf32>,
          %add3A_441 = arith.constant 80 : i32
          %add3A_442 = arith.addi %mul3A_420, %add3A_441 : i32
          %get3A_443 = arith.index_cast %add3A_442 : i32 to index
          %get3A_444 = tpu.vector_load %arg7[%get3A_443] {strides = array<i32>} : memref<32768xf32, #tpu.memory_space<vmem>>, vector<16xf32>,
          %add3A_445 = arith.constant 96 : i32
          %add3A_446 = arith.addi %mul3A_420, %add3A_445 : i32
          %get3A_447 = arith.index_cast %add3A_446 : i32 to index
          %get3A_448 = tpu.vector_load %arg7[%get3A_447] {strides = array<i32>} : memref<32768xf32, #tpu.memory_space<vmem>>, vector<16xf32>,
          %add3A_449 = arith.constant 112 : i32
          %add3A_450 = arith.addi %mul3A_420, %add3A_449 : i32
          %get3A_451 = arith.index_cast %add3A_450 : i32 to index
          %get3A_452 = tpu.vector_load %arg7[%get3A_451] {strides = array<i32>} : memref<32768xf32, #tpu.memory_space<vmem>>, vector<16xf32>,
          %add3A_453 = arith.addf %while3A_402, %get3A_424 : vector<16xf32>
          %add3A_454 = arith.addf %while3A_403, %get3A_428 : vector<16xf32>
          %add3A_455 = arith.addf %while3A_404, %get3A_432 : vector<16xf32>
          %add3A_456 = arith.addf %while3A_405, %get3A_436 : vector<16xf32>
          %add3A_457 = arith.addf %while3A_406, %get3A_440 : vector<16xf32>
          %add3A_458 = arith.addf %while3A_407, %get3A_444 : vector<16xf32>
          %add3A_459 = arith.addf %while3A_408, %get3A_448 : vector<16xf32>
          %add3A_460 = arith.addf %while3A_409, %get3A_452 : vector<16xf32>
          %max3A_461 = arith.maximumf %while3A_410, %get3A_424 : vector<16xf32>
          %max3A_462 = arith.maximumf %while3A_411, %get3A_428 : vector<16xf32>
          %max3A_463 = arith.maximumf %while3A_412, %get3A_432 : vector<16xf32>
          %max3A_464 = arith.maximumf %while3A_413, %get3A_436 : vector<16xf32>
          %max3A_465 = arith.maximumf %while3A_414, %get3A_440 : vector<16xf32>
          %max3A_466 = arith.maximumf %while3A_415, %get3A_444 : vector<16xf32>
          %max3A_467 = arith.maximumf %while3A_416, %get3A_448 : vector<16xf32>
          %max3A_468 = arith.maximumf %while3A_417, %get3A_452 : vector<16xf32>
          scf.yield %add3A_453, %add3A_454, %add3A_455, %add3A_456, %add3A_457, %add3A_458, %add3A_459, %add3A_460, %max3A_461, %max3A_462, %max3A_463, %max3A_464, %max3A_465, %max3A_466, %max3A_467, %max3A_468 : vector<16xf32>, vector<16xf32>, vector<16xf32>, vector<16xf32>, vector<16xf32>, vector<16xf32>, vector<16xf32>, vector<16xf32>, vector<16xf32>, vector<16xf32>, vector<16xf32>, vector<16xf32>, vector<16xf32>, vector<16xf32>, vector<16xf32>, vector<16xf32>
        }
        %add3A_335 = arith.constant 0 : i32
        %add3A_336 = arith.addi %mul3A_260, %add3A_335 : i32
        %swap3A_337 = arith.index_cast %add3A_336 : i32 to index
        %swap3A_338 = tpu.vector_load %arg14[%swap3A_337] {strides = array<i32>} : memref<4096xf32, #tpu.memory_space<vmem>>, vector<16xf32>,
        tpu.vector_store %arg14[%swap3A_337], %while3A_334#0 {strides = array<i32>} : memref<4096xf32, #tpu.memory_space<vmem>>, vector<16xf32>,
        %add3A_339 = arith.constant 0 : i32
        %add3A_340 = arith.addi %mul3A_260, %add3A_339 : i32
        %swap3A_341 = arith.index_cast %add3A_340 : i32 to index
        %swap3A_342 = tpu.vector_load %arg15[%swap3A_341] {strides = array<i32>} : memref<4096xf32, #tpu.memory_space<vmem>>, vector<16xf32>,
        tpu.vector_store %arg15[%swap3A_341], %while3A_334#8 {strides = array<i32>} : memref<4096xf32, #tpu.memory_space<vmem>>, vector<16xf32>,
        %add3A_343 = arith.constant 16 : i32
        %add3A_344 = arith.addi %mul3A_260, %add3A_343 : i32
        %swap3A_345 = arith.index_cast %add3A_344 : i32 to index
        %swap3A_346 = tpu.vector_load %arg14[%swap3A_345] {strides = array<i32>} : memref<4096xf32, #tpu.memory_space<vmem>>, vector<16xf32>,
        tpu.vector_store %arg14[%swap3A_345], %while3A_334#1 {strides = array<i32>} : memref<4096xf32, #tpu.memory_space<vmem>>, vector<16xf32>,
        %add3A_347 = arith.constant 16 : i32
        %add3A_348 = arith.addi %mul3A_260, %add3A_347 : i32
        %swap3A_349 = arith.index_cast %add3A_348 : i32 to index
        %swap3A_350 = tpu.vector_load %arg15[%swap3A_349] {strides = array<i32>} : memref<4096xf32, #tpu.memory_space<vmem>>, vector<16xf32>,
        tpu.vector_store %arg15[%swap3A_349], %while3A_334#9 {strides = array<i32>} : memref<4096xf32, #tpu.memory_space<vmem>>, vector<16xf32>,
        %add3A_351 = arith.constant 32 : i32
        %add3A_352 = arith.addi %mul3A_260, %add3A_351 : i32
        %swap3A_353 = arith.index_cast %add3A_352 : i32 to index
        %swap3A_354 = tpu.vector_load %arg14[%swap3A_353] {strides = array<i32>} : memref<4096xf32, #tpu.memory_space<vmem>>, vector<16xf32>,
        tpu.vector_store %arg14[%swap3A_353], %while3A_334#2 {strides = array<i32>} : memref<4096xf32, #tpu.memory_space<vmem>>, vector<16xf32>,
        %add3A_355 = arith.constant 32 : i32
        %add3A_356 = arith.addi %mul3A_260, %add3A_355 : i32
        %swap3A_357 = arith.index_cast %add3A_356 : i32 to index
        %swap3A_358 = tpu.vector_load %arg15[%swap3A_357] {strides = array<i32>} : memref<4096xf32, #tpu.memory_space<vmem>>, vector<16xf32>,
        tpu.vector_store %arg15[%swap3A_357], %while3A_334#10 {strides = array<i32>} : memref<4096xf32, #tpu.memory_space<vmem>>, vector<16xf32>,
        %add3A_359 = arith.constant 48 : i32
        %add3A_360 = arith.addi %mul3A_260, %add3A_359 : i32
        %swap3A_361 = arith.index_cast %add3A_360 : i32 to index
        %swap3A_362 = tpu.vector_load %arg14[%swap3A_361] {strides = array<i32>} : memref<4096xf32, #tpu.memory_space<vmem>>, vector<16xf32>,
        tpu.vector_store %arg14[%swap3A_361], %while3A_334#3 {strides = array<i32>} : memref<4096xf32, #tpu.memory_space<vmem>>, vector<16xf32>,
        %add3A_363 = arith.constant 48 : i32
        %add3A_364 = arith.addi %mul3A_260, %add3A_363 : i32
        %swap3A_365 = arith.index_cast %add3A_364 : i32 to index
        %swap3A_366 = tpu.vector_load %arg15[%swap3A_365] {strides = array<i32>} : memref<4096xf32, #tpu.memory_space<vmem>>, vector<16xf32>,
        tpu.vector_store %arg15[%swap3A_365], %while3A_334#11 {strides = array<i32>} : memref<4096xf32, #tpu.memory_space<vmem>>, vector<16xf32>,
        %add3A_367 = arith.constant 64 : i32
        %add3A_368 = arith.addi %mul3A_260, %add3A_367 : i32
        %swap3A_369 = arith.index_cast %add3A_368 : i32 to index
        %swap3A_370 = tpu.vector_load %arg14[%swap3A_369] {strides = array<i32>} : memref<4096xf32, #tpu.memory_space<vmem>>, vector<16xf32>,
        tpu.vector_store %arg14[%swap3A_369], %while3A_334#4 {strides = array<i32>} : memref<4096xf32, #tpu.memory_space<vmem>>, vector<16xf32>,
        %add3A_371 = arith.constant 64 : i32
        %add3A_372 = arith.addi %mul3A_260, %add3A_371 : i32
        %swap3A_373 = arith.index_cast %add3A_372 : i32 to index
        %swap3A_374 = tpu.vector_load %arg15[%swap3A_373] {strides = array<i32>} : memref<4096xf32, #tpu.memory_space<vmem>>, vector<16xf32>,
        tpu.vector_store %arg15[%swap3A_373], %while3A_334#12 {strides = array<i32>} : memref<4096xf32, #tpu.memory_space<vmem>>, vector<16xf32>,
        %add3A_375 = arith.constant 80 : i32
        %add3A_376 = arith.addi %mul3A_260, %add3A_375 : i32
        %swap3A_377 = arith.index_cast %add3A_376 : i32 to index
        %swap3A_378 = tpu.vector_load %arg14[%swap3A_377] {strides = array<i32>} : memref<4096xf32, #tpu.memory_space<vmem>>, vector<16xf32>,
        tpu.vector_store %arg14[%swap3A_377], %while3A_334#5 {strides = array<i32>} : memref<4096xf32, #tpu.memory_space<vmem>>, vector<16xf32>,
        %add3A_379 = arith.constant 80 : i32
        %add3A_380 = arith.addi %mul3A_260, %add3A_379 : i32
        %swap3A_381 = arith.index_cast %add3A_380 : i32 to index
        %swap3A_382 = tpu.vector_load %arg15[%swap3A_381] {strides = array<i32>} : memref<4096xf32, #tpu.memory_space<vmem>>, vector<16xf32>,
        tpu.vector_store %arg15[%swap3A_381], %while3A_334#13 {strides = array<i32>} : memref<4096xf32, #tpu.memory_space<vmem>>, vector<16xf32>,
        %add3A_383 = arith.constant 96 : i32
        %add3A_384 = arith.addi %mul3A_260, %add3A_383 : i32
        %swap3A_385 = arith.index_cast %add3A_384 : i32 to index
        %swap3A_386 = tpu.vector_load %arg14[%swap3A_385] {strides = array<i32>} : memref<4096xf32, #tpu.memory_space<vmem>>, vector<16xf32>,
        tpu.vector_store %arg14[%swap3A_385], %while3A_334#6 {strides = array<i32>} : memref<4096xf32, #tpu.memory_space<vmem>>, vector<16xf32>,
        %add3A_387 = arith.constant 96 : i32
        %add3A_388 = arith.addi %mul3A_260, %add3A_387 : i32
        %swap3A_389 = arith.index_cast %add3A_388 : i32 to index
        %swap3A_390 = tpu.vector_load %arg15[%swap3A_389] {strides = array<i32>} : memref<4096xf32, #tpu.memory_space<vmem>>, vector<16xf32>,
        tpu.vector_store %arg15[%swap3A_389], %while3A_334#14 {strides = array<i32>} : memref<4096xf32, #tpu.memory_space<vmem>>, vector<16xf32>,
        %add3A_391 = arith.constant 112 : i32
        %add3A_392 = arith.addi %mul3A_260, %add3A_391 : i32
        %swap3A_393 = arith.index_cast %add3A_392 : i32 to index
        %swap3A_394 = tpu.vector_load %arg14[%swap3A_393] {strides = array<i32>} : memref<4096xf32, #tpu.memory_space<vmem>>, vector<16xf32>,
        tpu.vector_store %arg14[%swap3A_393], %while3A_334#7 {strides = array<i32>} : memref<4096xf32, #tpu.memory_space<vmem>>, vector<16xf32>,
        %add3A_395 = arith.constant 112 : i32
        %add3A_396 = arith.addi %mul3A_260, %add3A_395 : i32
        %swap3A_397 = arith.index_cast %add3A_396 : i32 to index
        %swap3A_398 = tpu.vector_load %arg15[%swap3A_397] {strides = array<i32>} : memref<4096xf32, #tpu.memory_space<vmem>>, vector<16xf32>,
        tpu.vector_store %arg15[%swap3A_397], %while3A_334#15 {strides = array<i32>} : memref<4096xf32, #tpu.memory_space<vmem>>, vector<16xf32>,
        %add3A_399 = arith.constant 1 : i32
        %add3A_400 = arith.addi %while3A_249, %add3A_399 : i32
        scf.yield %add3A_400 : i32
      }
      %add3A_215 = arith.constant 2 : i32
      %add3A_216 = arith.addi %mul3A_202, %add3A_215 : i32
      %lt3A = arith.cmpi slt, %add3A_216, %mul3A_144 : i32
      %convert_element_type3A_217 = arith.extui %lt3A : i1 to i32
      %cond3A_218 = arith.constant 0 : i32
      %cond3A_219 = arith.cmpi ne, %convert_element_type3A_217, %cond3A_218 : i32
      scf.if %cond3A_219 {
        %add3A_249 = arith.constant 2 : i32
        %add3A_250 = arith.addi %mul3A_202, %add3A_249 : i32
        %mul3A_251 = arith.constant 256 : i32
        %mul3A_252 = arith.muli %add3A_250, %mul3A_251 : i32
        %add3A_253 = arith.addi %get3A_93, %mul3A_252 : i32
        %min3A_254 = arith.constant 99744 : i32
        %min3A_255 = arith.minsi %add3A_253, %min3A_254 : i32
        %mul3A_256 = arith.constant 128 : i32
        %mul3A_257 = arith.muli %min3A_255, %mul3A_256 : i32
        %dma_start3A_258 = tpu.memref_slice %arg2[%mul3A_257] : memref<12800000xf32, #tpu.memory_space<hbm>> -> memref<32768xf32, #tpu.memory_space<hbm>>
        %dma_start3A_259 = tpu.memref_slice %arg2[%mul3A_257] : memref<12800000xf32, #tpu.memory_space<hbm>> -> memref<32768xf32, #tpu.memory_space<hbm>>
        tpu.enqueue_dma source(%dma_start3A_259 : memref<32768xf32, #tpu.memory_space<hbm>>) target(%arg7 : memref<32768xf32, #tpu.memory_space<vmem>>) target_semaphore(%arg19 : memref<!tpu.dma_semaphore, #tpu.memory_space<semaphore_mem>>)
      } else {
      }
      %sub3A_220 = arith.constant 1 : i32
      %sub3A_221 = arith.subi %while3A_214, %sub3A_220 : i32
      %max3A_222 = arith.constant 0 : i32
      %max3A_223 = arith.maxsi %sub3A_221, %max3A_222 : i32
      %add3A_224 = arith.constant 1 : i32
      %add3A_225 = arith.addi %mul3A_202, %add3A_224 : i32
      %mul3A_226 = arith.constant 256 : i32
      %mul3A_227 = arith.muli %add3A_225, %mul3A_226 : i32
      %add3A_228 = arith.addi %get3A_93, %mul3A_227 : i32
      %add3A_229 = arith.constant 256 : i32
      %add3A_230 = arith.addi %add3A_228, %add3A_229 : i32
      %min3A_231 = arith.minsi %add3A_230, %get3A_96 : i32
      %min3A_232 = arith.constant 99744 : i32
      %min3A_233 = arith.minsi %add3A_228, %min3A_232 : i32
      %dma_wait3A_234 = arith.constant 0 : i32
      %dma_wait3A_235 = tpu.memref_slice %arg2[%dma_wait3A_234] : memref<12800000xf32, #tpu.memory_space<hbm>> -> memref<32768xf32, #tpu.memory_space<hbm>>
      %dma_wait3A_236 = arith.constant 0 : i32
      %dma_wait3A_237 = tpu.memref_slice %arg2[%dma_wait3A_236] : memref<12800000xf32, #tpu.memory_space<hbm>> -> memref<32768xf32, #tpu.memory_space<hbm>>
      tpu.wait_dma2 semaphore(%arg20 : memref<!tpu.dma_semaphore, #tpu.memory_space<semaphore_mem>>) src(%dma_wait3A_237 : memref<32768xf32, #tpu.memory_space<hbm>>) dst(%arg8 : memref<32768xf32, #tpu.memory_space<vmem>>)
      %while3A_238 = scf.while (%while3A_249 = %max3A_223) : (i32) -> i32 {
        %lt3A_250 = arith.constant 32 : i32
        %lt3A_251 = arith.cmpi slt, %while3A_249, %lt3A_250 : i32
        %get3A_252 = arith.index_cast %while3A_249 : i32 to index
        %get3A_253 = memref.load %arg17[%get3A_252] : memref<40xi32, #tpu.memory_space<smem>>
        %lt3A_254 = arith.cmpi slt, %get3A_253, %min3A_231 : i32
        %and3A_255 = arith.andi %lt3A_251, %lt3A_254 : i1
        scf.condition(%and3A_255) %while3A_249 : i32
      } do {
      ^bb0(%while3A_249: i32):
        %get3A_250 = arith.index_cast %while3A_249 : i32 to index
        %get3A_251 = memref.load %arg17[%get3A_250] : memref<40xi32, #tpu.memory_space<smem>>
        %max3A_252 = arith.maxsi %get3A_251, %add3A_228 : i32
        %add3A_253 = arith.constant 1 : i32
        %add3A_254 = arith.addi %while3A_249, %add3A_253 : i32
        %get3A_255 = arith.index_cast %add3A_254 : i32 to index
        %get3A_256 = memref.load %arg17[%get3A_255] : memref<40xi32, #tpu.memory_space<smem>>
        %min3A_257 = arith.minsi %get3A_256, %min3A_231 : i32
        %max3A_258 = arith.maxsi %min3A_257, %max3A_252 : i32
        %mul3A_259 = arith.constant 128 : i32
        %mul3A_260 = arith.muli %while3A_249, %mul3A_259 : i32
        %add3A_261 = arith.constant 0 : i32
        %add3A_262 = arith.addi %mul3A_260, %add3A_261 : i32
        %get3A_263 = arith.index_cast %add3A_262 : i32 to index
        %get3A_264 = tpu.vector_load %arg14[%get3A_263] {strides = array<i32>} : memref<4096xf32, #tpu.memory_space<vmem>>, vector<16xf32>,
        %add3A_265 = arith.constant 16 : i32
        %add3A_266 = arith.addi %mul3A_260, %add3A_265 : i32
        %get3A_267 = arith.index_cast %add3A_266 : i32 to index
        %get3A_268 = tpu.vector_load %arg14[%get3A_267] {strides = array<i32>} : memref<4096xf32, #tpu.memory_space<vmem>>, vector<16xf32>,
        %add3A_269 = arith.constant 32 : i32
        %add3A_270 = arith.addi %mul3A_260, %add3A_269 : i32
        %get3A_271 = arith.index_cast %add3A_270 : i32 to index
        %get3A_272 = tpu.vector_load %arg14[%get3A_271] {strides = array<i32>} : memref<4096xf32, #tpu.memory_space<vmem>>, vector<16xf32>,
        %add3A_273 = arith.constant 48 : i32
        %add3A_274 = arith.addi %mul3A_260, %add3A_273 : i32
        %get3A_275 = arith.index_cast %add3A_274 : i32 to index
        %get3A_276 = tpu.vector_load %arg14[%get3A_275] {strides = array<i32>} : memref<4096xf32, #tpu.memory_space<vmem>>, vector<16xf32>,
        %add3A_277 = arith.constant 64 : i32
        %add3A_278 = arith.addi %mul3A_260, %add3A_277 : i32
        %get3A_279 = arith.index_cast %add3A_278 : i32 to index
        %get3A_280 = tpu.vector_load %arg14[%get3A_279] {strides = array<i32>} : memref<4096xf32, #tpu.memory_space<vmem>>, vector<16xf32>,
        %add3A_281 = arith.constant 80 : i32
        %add3A_282 = arith.addi %mul3A_260, %add3A_281 : i32
        %get3A_283 = arith.index_cast %add3A_282 : i32 to index
        %get3A_284 = tpu.vector_load %arg14[%get3A_283] {strides = array<i32>} : memref<4096xf32, #tpu.memory_space<vmem>>, vector<16xf32>,
        %add3A_285 = arith.constant 96 : i32
        %add3A_286 = arith.addi %mul3A_260, %add3A_285 : i32
        %get3A_287 = arith.index_cast %add3A_286 : i32 to index
        %get3A_288 = tpu.vector_load %arg14[%get3A_287] {strides = array<i32>} : memref<4096xf32, #tpu.memory_space<vmem>>, vector<16xf32>,
        %add3A_289 = arith.constant 112 : i32
        %add3A_290 = arith.addi %mul3A_260, %add3A_289 : i32
        %get3A_291 = arith.index_cast %add3A_290 : i32 to index
        %get3A_292 = tpu.vector_load %arg14[%get3A_291] {strides = array<i32>} : memref<4096xf32, #tpu.memory_space<vmem>>, vector<16xf32>,
        %add3A_293 = arith.constant 0 : i32
        %add3A_294 = arith.addi %mul3A_260, %add3A_293 : i32
        %get3A_295 = arith.index_cast %add3A_294 : i32 to index
        %get3A_296 = tpu.vector_load %arg15[%get3A_295] {strides = array<i32>} : memref<4096xf32, #tpu.memory_space<vmem>>, vector<16xf32>,
        %add3A_297 = arith.constant 16 : i32
        %add3A_298 = arith.addi %mul3A_260, %add3A_297 : i32
        %get3A_299 = arith.index_cast %add3A_298 : i32 to index
        %get3A_300 = tpu.vector_load %arg15[%get3A_299] {strides = array<i32>} : memref<4096xf32, #tpu.memory_space<vmem>>, vector<16xf32>,
        %add3A_301 = arith.constant 32 : i32
        %add3A_302 = arith.addi %mul3A_260, %add3A_301 : i32
        %get3A_303 = arith.index_cast %add3A_302 : i32 to index
        %get3A_304 = tpu.vector_load %arg15[%get3A_303] {strides = array<i32>} : memref<4096xf32, #tpu.memory_space<vmem>>, vector<16xf32>,
        %add3A_305 = arith.constant 48 : i32
        %add3A_306 = arith.addi %mul3A_260, %add3A_305 : i32
        %get3A_307 = arith.index_cast %add3A_306 : i32 to index
        %get3A_308 = tpu.vector_load %arg15[%get3A_307] {strides = array<i32>} : memref<4096xf32, #tpu.memory_space<vmem>>, vector<16xf32>,
        %add3A_309 = arith.constant 64 : i32
        %add3A_310 = arith.addi %mul3A_260, %add3A_309 : i32
        %get3A_311 = arith.index_cast %add3A_310 : i32 to index
        %get3A_312 = tpu.vector_load %arg15[%get3A_311] {strides = array<i32>} : memref<4096xf32, #tpu.memory_space<vmem>>, vector<16xf32>,
        %add3A_313 = arith.constant 80 : i32
        %add3A_314 = arith.addi %mul3A_260, %add3A_313 : i32
        %get3A_315 = arith.index_cast %add3A_314 : i32 to index
        %get3A_316 = tpu.vector_load %arg15[%get3A_315] {strides = array<i32>} : memref<4096xf32, #tpu.memory_space<vmem>>, vector<16xf32>,
        %add3A_317 = arith.constant 96 : i32
        %add3A_318 = arith.addi %mul3A_260, %add3A_317 : i32
        %get3A_319 = arith.index_cast %add3A_318 : i32 to index
        %get3A_320 = tpu.vector_load %arg15[%get3A_319] {strides = array<i32>} : memref<4096xf32, #tpu.memory_space<vmem>>, vector<16xf32>,
        %add3A_321 = arith.constant 112 : i32
        %add3A_322 = arith.addi %mul3A_260, %add3A_321 : i32
        %get3A_323 = arith.index_cast %add3A_322 : i32 to index
        %get3A_324 = tpu.vector_load %arg15[%get3A_323] {strides = array<i32>} : memref<4096xf32, #tpu.memory_space<vmem>>, vector<16xf32>,
        %while3A_325 = arith.subi %max3A_258, %max3A_252 : i32
        %while3A_326 = arith.addi %max3A_252, %while3A_325 : i32
        %while3A_327 = arith.constant 1 : i32
        %while3A_328 = arith.divsi %while3A_325, %while3A_327 : i32
        %while3A_329 = arith.muli %while3A_328, %while3A_327 : i32
        %while3A_330 = arith.addi %max3A_252, %while3A_329 : i32
        %while3A_331 = arith.constant 1 : i32
        %while3A_332:16 = scf.for %while3A_401 = %max3A_252 to %while3A_330 step %while3A_331 iter_args(%while3A_402 = %get3A_264, %while3A_403 = %get3A_268, %while3A_404 = %get3A_272, %while3A_405 = %get3A_276, %while3A_406 = %get3A_280, %while3A_407 = %get3A_284, %while3A_408 = %get3A_288, %while3A_409 = %get3A_292, %while3A_410 = %get3A_296, %while3A_411 = %get3A_300, %while3A_412 = %get3A_304, %while3A_413 = %get3A_308, %while3A_414 = %get3A_312, %while3A_415 = %get3A_316, %while3A_416 = %get3A_320, %while3A_417 = %get3A_324) -> (vector<16xf32>, vector<16xf32>, vector<16xf32>, vector<16xf32>, vector<16xf32>, vector<16xf32>, vector<16xf32>, vector<16xf32>, vector<16xf32>, vector<16xf32>, vector<16xf32>, vector<16xf32>, vector<16xf32>, vector<16xf32>, vector<16xf32>, vector<16xf32>)  : i32 {
          %sub3A_418 = arith.subi %while3A_401, %min3A_233 : i32
          %mul3A_419 = arith.constant 128 : i32
          %mul3A_420 = arith.muli %sub3A_418, %mul3A_419 : i32
          %add3A_421 = arith.constant 0 : i32
          %add3A_422 = arith.addi %mul3A_420, %add3A_421 : i32
          %get3A_423 = arith.index_cast %add3A_422 : i32 to index
          %get3A_424 = tpu.vector_load %arg8[%get3A_423] {strides = array<i32>} : memref<32768xf32, #tpu.memory_space<vmem>>, vector<16xf32>,
          %add3A_425 = arith.constant 16 : i32
          %add3A_426 = arith.addi %mul3A_420, %add3A_425 : i32
          %get3A_427 = arith.index_cast %add3A_426 : i32 to index
          %get3A_428 = tpu.vector_load %arg8[%get3A_427] {strides = array<i32>} : memref<32768xf32, #tpu.memory_space<vmem>>, vector<16xf32>,
          %add3A_429 = arith.constant 32 : i32
          %add3A_430 = arith.addi %mul3A_420, %add3A_429 : i32
          %get3A_431 = arith.index_cast %add3A_430 : i32 to index
          %get3A_432 = tpu.vector_load %arg8[%get3A_431] {strides = array<i32>} : memref<32768xf32, #tpu.memory_space<vmem>>, vector<16xf32>,
          %add3A_433 = arith.constant 48 : i32
          %add3A_434 = arith.addi %mul3A_420, %add3A_433 : i32
          %get3A_435 = arith.index_cast %add3A_434 : i32 to index
          %get3A_436 = tpu.vector_load %arg8[%get3A_435] {strides = array<i32>} : memref<32768xf32, #tpu.memory_space<vmem>>, vector<16xf32>,
          %add3A_437 = arith.constant 64 : i32
          %add3A_438 = arith.addi %mul3A_420, %add3A_437 : i32
          %get3A_439 = arith.index_cast %add3A_438 : i32 to index
          %get3A_440 = tpu.vector_load %arg8[%get3A_439] {strides = array<i32>} : memref<32768xf32, #tpu.memory_space<vmem>>, vector<16xf32>,
          %add3A_441 = arith.constant 80 : i32
          %add3A_442 = arith.addi %mul3A_420, %add3A_441 : i32
          %get3A_443 = arith.index_cast %add3A_442 : i32 to index
          %get3A_444 = tpu.vector_load %arg8[%get3A_443] {strides = array<i32>} : memref<32768xf32, #tpu.memory_space<vmem>>, vector<16xf32>,
          %add3A_445 = arith.constant 96 : i32
          %add3A_446 = arith.addi %mul3A_420, %add3A_445 : i32
          %get3A_447 = arith.index_cast %add3A_446 : i32 to index
          %get3A_448 = tpu.vector_load %arg8[%get3A_447] {strides = array<i32>} : memref<32768xf32, #tpu.memory_space<vmem>>, vector<16xf32>,
          %add3A_449 = arith.constant 112 : i32
          %add3A_450 = arith.addi %mul3A_420, %add3A_449 : i32
          %get3A_451 = arith.index_cast %add3A_450 : i32 to index
          %get3A_452 = tpu.vector_load %arg8[%get3A_451] {strides = array<i32>} : memref<32768xf32, #tpu.memory_space<vmem>>, vector<16xf32>,
          %add3A_453 = arith.addf %while3A_402, %get3A_424 : vector<16xf32>
          %add3A_454 = arith.addf %while3A_403, %get3A_428 : vector<16xf32>
          %add3A_455 = arith.addf %while3A_404, %get3A_432 : vector<16xf32>
          %add3A_456 = arith.addf %while3A_405, %get3A_436 : vector<16xf32>
          %add3A_457 = arith.addf %while3A_406, %get3A_440 : vector<16xf32>
          %add3A_458 = arith.addf %while3A_407, %get3A_444 : vector<16xf32>
          %add3A_459 = arith.addf %while3A_408, %get3A_448 : vector<16xf32>
          %add3A_460 = arith.addf %while3A_409, %get3A_452 : vector<16xf32>
          %max3A_461 = arith.maximumf %while3A_410, %get3A_424 : vector<16xf32>
          %max3A_462 = arith.maximumf %while3A_411, %get3A_428 : vector<16xf32>
          %max3A_463 = arith.maximumf %while3A_412, %get3A_432 : vector<16xf32>
          %max3A_464 = arith.maximumf %while3A_413, %get3A_436 : vector<16xf32>
          %max3A_465 = arith.maximumf %while3A_414, %get3A_440 : vector<16xf32>
          %max3A_466 = arith.maximumf %while3A_415, %get3A_444 : vector<16xf32>
          %max3A_467 = arith.maximumf %while3A_416, %get3A_448 : vector<16xf32>
          %max3A_468 = arith.maximumf %while3A_417, %get3A_452 : vector<16xf32>
          scf.yield %add3A_453, %add3A_454, %add3A_455, %add3A_456, %add3A_457, %add3A_458, %add3A_459, %add3A_460, %max3A_461, %max3A_462, %max3A_463, %max3A_464, %max3A_465, %max3A_466, %max3A_467, %max3A_468 : vector<16xf32>, vector<16xf32>, vector<16xf32>, vector<16xf32>, vector<16xf32>, vector<16xf32>, vector<16xf32>, vector<16xf32>, vector<16xf32>, vector<16xf32>, vector<16xf32>, vector<16xf32>, vector<16xf32>, vector<16xf32>, vector<16xf32>, vector<16xf32>
        }
        %while3A_333 = arith.constant 1 : i32
        %while3A_334:16 = scf.for %while3A_401 = %while3A_330 to %while3A_326 step %while3A_333 iter_args(%while3A_402 = %while3A_332#0, %while3A_403 = %while3A_332#1, %while3A_404 = %while3A_332#2, %while3A_405 = %while3A_332#3, %while3A_406 = %while3A_332#4, %while3A_407 = %while3A_332#5, %while3A_408 = %while3A_332#6, %while3A_409 = %while3A_332#7, %while3A_410 = %while3A_332#8, %while3A_411 = %while3A_332#9, %while3A_412 = %while3A_332#10, %while3A_413 = %while3A_332#11, %while3A_414 = %while3A_332#12, %while3A_415 = %while3A_332#13, %while3A_416 = %while3A_332#14, %while3A_417 = %while3A_332#15) -> (vector<16xf32>, vector<16xf32>, vector<16xf32>, vector<16xf32>, vector<16xf32>, vector<16xf32>, vector<16xf32>, vector<16xf32>, vector<16xf32>, vector<16xf32>, vector<16xf32>, vector<16xf32>, vector<16xf32>, vector<16xf32>, vector<16xf32>, vector<16xf32>)  : i32 {
          %sub3A_418 = arith.subi %while3A_401, %min3A_233 : i32
          %mul3A_419 = arith.constant 128 : i32
          %mul3A_420 = arith.muli %sub3A_418, %mul3A_419 : i32
          %add3A_421 = arith.constant 0 : i32
          %add3A_422 = arith.addi %mul3A_420, %add3A_421 : i32
          %get3A_423 = arith.index_cast %add3A_422 : i32 to index
          %get3A_424 = tpu.vector_load %arg8[%get3A_423] {strides = array<i32>} : memref<32768xf32, #tpu.memory_space<vmem>>, vector<16xf32>,
          %add3A_425 = arith.constant 16 : i32
          %add3A_426 = arith.addi %mul3A_420, %add3A_425 : i32
          %get3A_427 = arith.index_cast %add3A_426 : i32 to index
          %get3A_428 = tpu.vector_load %arg8[%get3A_427] {strides = array<i32>} : memref<32768xf32, #tpu.memory_space<vmem>>, vector<16xf32>,
          %add3A_429 = arith.constant 32 : i32
          %add3A_430 = arith.addi %mul3A_420, %add3A_429 : i32
          %get3A_431 = arith.index_cast %add3A_430 : i32 to index
          %get3A_432 = tpu.vector_load %arg8[%get3A_431] {strides = array<i32>} : memref<32768xf32, #tpu.memory_space<vmem>>, vector<16xf32>,
          %add3A_433 = arith.constant 48 : i32
          %add3A_434 = arith.addi %mul3A_420, %add3A_433 : i32
          %get3A_435 = arith.index_cast %add3A_434 : i32 to index
          %get3A_436 = tpu.vector_load %arg8[%get3A_435] {strides = array<i32>} : memref<32768xf32, #tpu.memory_space<vmem>>, vector<16xf32>,
          %add3A_437 = arith.constant 64 : i32
          %add3A_438 = arith.addi %mul3A_420, %add3A_437 : i32
          %get3A_439 = arith.index_cast %add3A_438 : i32 to index
          %get3A_440 = tpu.vector_load %arg8[%get3A_439] {strides = array<i32>} : memref<32768xf32, #tpu.memory_space<vmem>>, vector<16xf32>,
          %add3A_441 = arith.constant 80 : i32
          %add3A_442 = arith.addi %mul3A_420, %add3A_441 : i32
          %get3A_443 = arith.index_cast %add3A_442 : i32 to index
          %get3A_444 = tpu.vector_load %arg8[%get3A_443] {strides = array<i32>} : memref<32768xf32, #tpu.memory_space<vmem>>, vector<16xf32>,
          %add3A_445 = arith.constant 96 : i32
          %add3A_446 = arith.addi %mul3A_420, %add3A_445 : i32
          %get3A_447 = arith.index_cast %add3A_446 : i32 to index
          %get3A_448 = tpu.vector_load %arg8[%get3A_447] {strides = array<i32>} : memref<32768xf32, #tpu.memory_space<vmem>>, vector<16xf32>,
          %add3A_449 = arith.constant 112 : i32
          %add3A_450 = arith.addi %mul3A_420, %add3A_449 : i32
          %get3A_451 = arith.index_cast %add3A_450 : i32 to index
          %get3A_452 = tpu.vector_load %arg8[%get3A_451] {strides = array<i32>} : memref<32768xf32, #tpu.memory_space<vmem>>, vector<16xf32>,
          %add3A_453 = arith.addf %while3A_402, %get3A_424 : vector<16xf32>
          %add3A_454 = arith.addf %while3A_403, %get3A_428 : vector<16xf32>
          %add3A_455 = arith.addf %while3A_404, %get3A_432 : vector<16xf32>
          %add3A_456 = arith.addf %while3A_405, %get3A_436 : vector<16xf32>
          %add3A_457 = arith.addf %while3A_406, %get3A_440 : vector<16xf32>
          %add3A_458 = arith.addf %while3A_407, %get3A_444 : vector<16xf32>
          %add3A_459 = arith.addf %while3A_408, %get3A_448 : vector<16xf32>
          %add3A_460 = arith.addf %while3A_409, %get3A_452 : vector<16xf32>
          %max3A_461 = arith.maximumf %while3A_410, %get3A_424 : vector<16xf32>
          %max3A_462 = arith.maximumf %while3A_411, %get3A_428 : vector<16xf32>
          %max3A_463 = arith.maximumf %while3A_412, %get3A_432 : vector<16xf32>
          %max3A_464 = arith.maximumf %while3A_413, %get3A_436 : vector<16xf32>
          %max3A_465 = arith.maximumf %while3A_414, %get3A_440 : vector<16xf32>
          %max3A_466 = arith.maximumf %while3A_415, %get3A_444 : vector<16xf32>
          %max3A_467 = arith.maximumf %while3A_416, %get3A_448 : vector<16xf32>
          %max3A_468 = arith.maximumf %while3A_417, %get3A_452 : vector<16xf32>
          scf.yield %add3A_453, %add3A_454, %add3A_455, %add3A_456, %add3A_457, %add3A_458, %add3A_459, %add3A_460, %max3A_461, %max3A_462, %max3A_463, %max3A_464, %max3A_465, %max3A_466, %max3A_467, %max3A_468 : vector<16xf32>, vector<16xf32>, vector<16xf32>, vector<16xf32>, vector<16xf32>, vector<16xf32>, vector<16xf32>, vector<16xf32>, vector<16xf32>, vector<16xf32>, vector<16xf32>, vector<16xf32>, vector<16xf32>, vector<16xf32>, vector<16xf32>, vector<16xf32>
        }
        %add3A_335 = arith.constant 0 : i32
        %add3A_336 = arith.addi %mul3A_260, %add3A_335 : i32
        %swap3A_337 = arith.index_cast %add3A_336 : i32 to index
        %swap3A_338 = tpu.vector_load %arg14[%swap3A_337] {strides = array<i32>} : memref<4096xf32, #tpu.memory_space<vmem>>, vector<16xf32>,
        tpu.vector_store %arg14[%swap3A_337], %while3A_334#0 {strides = array<i32>} : memref<4096xf32, #tpu.memory_space<vmem>>, vector<16xf32>,
        %add3A_339 = arith.constant 0 : i32
        %add3A_340 = arith.addi %mul3A_260, %add3A_339 : i32
        %swap3A_341 = arith.index_cast %add3A_340 : i32 to index
        %swap3A_342 = tpu.vector_load %arg15[%swap3A_341] {strides = array<i32>} : memref<4096xf32, #tpu.memory_space<vmem>>, vector<16xf32>,
        tpu.vector_store %arg15[%swap3A_341], %while3A_334#8 {strides = array<i32>} : memref<4096xf32, #tpu.memory_space<vmem>>, vector<16xf32>,
        %add3A_343 = arith.constant 16 : i32
        %add3A_344 = arith.addi %mul3A_260, %add3A_343 : i32
        %swap3A_345 = arith.index_cast %add3A_344 : i32 to index
        %swap3A_346 = tpu.vector_load %arg14[%swap3A_345] {strides = array<i32>} : memref<4096xf32, #tpu.memory_space<vmem>>, vector<16xf32>,
        tpu.vector_store %arg14[%swap3A_345], %while3A_334#1 {strides = array<i32>} : memref<4096xf32, #tpu.memory_space<vmem>>, vector<16xf32>,
        %add3A_347 = arith.constant 16 : i32
        %add3A_348 = arith.addi %mul3A_260, %add3A_347 : i32
        %swap3A_349 = arith.index_cast %add3A_348 : i32 to index
        %swap3A_350 = tpu.vector_load %arg15[%swap3A_349] {strides = array<i32>} : memref<4096xf32, #tpu.memory_space<vmem>>, vector<16xf32>,
        tpu.vector_store %arg15[%swap3A_349], %while3A_334#9 {strides = array<i32>} : memref<4096xf32, #tpu.memory_space<vmem>>, vector<16xf32>,
        %add3A_351 = arith.constant 32 : i32
        %add3A_352 = arith.addi %mul3A_260, %add3A_351 : i32
        %swap3A_353 = arith.index_cast %add3A_352 : i32 to index
        %swap3A_354 = tpu.vector_load %arg14[%swap3A_353] {strides = array<i32>} : memref<4096xf32, #tpu.memory_space<vmem>>, vector<16xf32>,
        tpu.vector_store %arg14[%swap3A_353], %while3A_334#2 {strides = array<i32>} : memref<4096xf32, #tpu.memory_space<vmem>>, vector<16xf32>,
        %add3A_355 = arith.constant 32 : i32
        %add3A_356 = arith.addi %mul3A_260, %add3A_355 : i32
        %swap3A_357 = arith.index_cast %add3A_356 : i32 to index
        %swap3A_358 = tpu.vector_load %arg15[%swap3A_357] {strides = array<i32>} : memref<4096xf32, #tpu.memory_space<vmem>>, vector<16xf32>,
        tpu.vector_store %arg15[%swap3A_357], %while3A_334#10 {strides = array<i32>} : memref<4096xf32, #tpu.memory_space<vmem>>, vector<16xf32>,
        %add3A_359 = arith.constant 48 : i32
        %add3A_360 = arith.addi %mul3A_260, %add3A_359 : i32
        %swap3A_361 = arith.index_cast %add3A_360 : i32 to index
        %swap3A_362 = tpu.vector_load %arg14[%swap3A_361] {strides = array<i32>} : memref<4096xf32, #tpu.memory_space<vmem>>, vector<16xf32>,
        tpu.vector_store %arg14[%swap3A_361], %while3A_334#3 {strides = array<i32>} : memref<4096xf32, #tpu.memory_space<vmem>>, vector<16xf32>,
        %add3A_363 = arith.constant 48 : i32
        %add3A_364 = arith.addi %mul3A_260, %add3A_363 : i32
        %swap3A_365 = arith.index_cast %add3A_364 : i32 to index
        %swap3A_366 = tpu.vector_load %arg15[%swap3A_365] {strides = array<i32>} : memref<4096xf32, #tpu.memory_space<vmem>>, vector<16xf32>,
        tpu.vector_store %arg15[%swap3A_365], %while3A_334#11 {strides = array<i32>} : memref<4096xf32, #tpu.memory_space<vmem>>, vector<16xf32>,
        %add3A_367 = arith.constant 64 : i32
        %add3A_368 = arith.addi %mul3A_260, %add3A_367 : i32
        %swap3A_369 = arith.index_cast %add3A_368 : i32 to index
        %swap3A_370 = tpu.vector_load %arg14[%swap3A_369] {strides = array<i32>} : memref<4096xf32, #tpu.memory_space<vmem>>, vector<16xf32>,
        tpu.vector_store %arg14[%swap3A_369], %while3A_334#4 {strides = array<i32>} : memref<4096xf32, #tpu.memory_space<vmem>>, vector<16xf32>,
        %add3A_371 = arith.constant 64 : i32
        %add3A_372 = arith.addi %mul3A_260, %add3A_371 : i32
        %swap3A_373 = arith.index_cast %add3A_372 : i32 to index
        %swap3A_374 = tpu.vector_load %arg15[%swap3A_373] {strides = array<i32>} : memref<4096xf32, #tpu.memory_space<vmem>>, vector<16xf32>,
        tpu.vector_store %arg15[%swap3A_373], %while3A_334#12 {strides = array<i32>} : memref<4096xf32, #tpu.memory_space<vmem>>, vector<16xf32>,
        %add3A_375 = arith.constant 80 : i32
        %add3A_376 = arith.addi %mul3A_260, %add3A_375 : i32
        %swap3A_377 = arith.index_cast %add3A_376 : i32 to index
        %swap3A_378 = tpu.vector_load %arg14[%swap3A_377] {strides = array<i32>} : memref<4096xf32, #tpu.memory_space<vmem>>, vector<16xf32>,
        tpu.vector_store %arg14[%swap3A_377], %while3A_334#5 {strides = array<i32>} : memref<4096xf32, #tpu.memory_space<vmem>>, vector<16xf32>,
        %add3A_379 = arith.constant 80 : i32
        %add3A_380 = arith.addi %mul3A_260, %add3A_379 : i32
        %swap3A_381 = arith.index_cast %add3A_380 : i32 to index
        %swap3A_382 = tpu.vector_load %arg15[%swap3A_381] {strides = array<i32>} : memref<4096xf32, #tpu.memory_space<vmem>>, vector<16xf32>,
        tpu.vector_store %arg15[%swap3A_381], %while3A_334#13 {strides = array<i32>} : memref<4096xf32, #tpu.memory_space<vmem>>, vector<16xf32>,
        %add3A_383 = arith.constant 96 : i32
        %add3A_384 = arith.addi %mul3A_260, %add3A_383 : i32
        %swap3A_385 = arith.index_cast %add3A_384 : i32 to index
        %swap3A_386 = tpu.vector_load %arg14[%swap3A_385] {strides = array<i32>} : memref<4096xf32, #tpu.memory_space<vmem>>, vector<16xf32>,
        tpu.vector_store %arg14[%swap3A_385], %while3A_334#6 {strides = array<i32>} : memref<4096xf32, #tpu.memory_space<vmem>>, vector<16xf32>,
        %add3A_387 = arith.constant 96 : i32
        %add3A_388 = arith.addi %mul3A_260, %add3A_387 : i32
        %swap3A_389 = arith.index_cast %add3A_388 : i32 to index
        %swap3A_390 = tpu.vector_load %arg15[%swap3A_389] {strides = array<i32>} : memref<4096xf32, #tpu.memory_space<vmem>>, vector<16xf32>,
        tpu.vector_store %arg15[%swap3A_389], %while3A_334#14 {strides = array<i32>} : memref<4096xf32, #tpu.memory_space<vmem>>, vector<16xf32>,
        %add3A_391 = arith.constant 112 : i32
        %add3A_392 = arith.addi %mul3A_260, %add3A_391 : i32
        %swap3A_393 = arith.index_cast %add3A_392 : i32 to index
        %swap3A_394 = tpu.vector_load %arg14[%swap3A_393] {strides = array<i32>} : memref<4096xf32, #tpu.memory_space<vmem>>, vector<16xf32>,
        tpu.vector_store %arg14[%swap3A_393], %while3A_334#7 {strides = array<i32>} : memref<4096xf32, #tpu.memory_space<vmem>>, vector<16xf32>,
        %add3A_395 = arith.constant 112 : i32
        %add3A_396 = arith.addi %mul3A_260, %add3A_395 : i32
        %swap3A_397 = arith.index_cast %add3A_396 : i32 to index
        %swap3A_398 = tpu.vector_load %arg15[%swap3A_397] {strides = array<i32>} : memref<4096xf32, #tpu.memory_space<vmem>>, vector<16xf32>,
        tpu.vector_store %arg15[%swap3A_397], %while3A_334#15 {strides = array<i32>} : memref<4096xf32, #tpu.memory_space<vmem>>, vector<16xf32>,
        %add3A_399 = arith.constant 1 : i32
        %add3A_400 = arith.addi %while3A_249, %add3A_399 : i32
        scf.yield %add3A_400 : i32
      }
      %add3A_239 = arith.constant 2 : i32
      %add3A_240 = arith.addi %add3A_225, %add3A_239 : i32
      %lt3A_241 = arith.cmpi slt, %add3A_240, %mul3A_144 : i32
      %convert_element_type3A_242 = arith.extui %lt3A_241 : i1 to i32
      %cond3A_243 = arith.constant 0 : i32
      %cond3A_244 = arith.cmpi ne, %convert_element_type3A_242, %cond3A_243 : i32
      scf.if %cond3A_244 {
        %add3A_249 = arith.constant 2 : i32
        %add3A_250 = arith.addi %add3A_225, %add3A_249 : i32
        %mul3A_251 = arith.constant 256 : i32
        %mul3A_252 = arith.muli %add3A_250, %mul3A_251 : i32
        %add3A_253 = arith.addi %get3A_93, %mul3A_252 : i32
        %min3A_254 = arith.constant 99744 : i32
        %min3A_255 = arith.minsi %add3A_253, %min3A_254 : i32
        %mul3A_256 = arith.constant 128 : i32
        %mul3A_257 = arith.muli %min3A_255, %mul3A_256 : i32
        %dma_start3A_258 = tpu.memref_slice %arg2[%mul3A_257] : memref<12800000xf32, #tpu.memory_space<hbm>> -> memref<32768xf32, #tpu.memory_space<hbm>>
        %dma_start3A_259 = tpu.memref_slice %arg2[%mul3A_257] : memref<12800000xf32, #tpu.memory_space<hbm>> -> memref<32768xf32, #tpu.memory_space<hbm>>
        tpu.enqueue_dma source(%dma_start3A_259 : memref<32768xf32, #tpu.memory_space<hbm>>) target(%arg8 : memref<32768xf32, #tpu.memory_space<vmem>>) target_semaphore(%arg20 : memref<!tpu.dma_semaphore, #tpu.memory_space<semaphore_mem>>)
      } else {
      }
      %sub3A_245 = arith.constant 1 : i32
      %sub3A_246 = arith.subi %while3A_238, %sub3A_245 : i32
      %max3A_247 = arith.constant 0 : i32
      %max3A_248 = arith.maxsi %sub3A_246, %max3A_247 : i32
      scf.yield %max3A_248 : i32
    }
    %broadcast_in_dim3A_182 = arith.constant 1 : i32
    %broadcast_in_dim3A_183 = vector.broadcast %broadcast_in_dim3A_182 : i32 to vector<16xi32>
    %gather3A = tpu.vector_load_idx %arg13[%broadcast_in_dim3A_183] : memref<128xf32, #tpu.memory_space<vmem>>[vector<16xi32>], vector<16xf32>,
    %broadcast_in_dim3A_184 = arith.constant 2 : i32
    %broadcast_in_dim3A_185 = vector.broadcast %broadcast_in_dim3A_184 : i32 to vector<16xi32>
    %gather3A_186 = tpu.vector_load_idx %arg13[%broadcast_in_dim3A_185] : memref<128xf32, #tpu.memory_space<vmem>>[vector<16xi32>], vector<16xf32>,
    %broadcast_in_dim3A_187 = arith.constant 3 : i32
    %broadcast_in_dim3A_188 = vector.broadcast %broadcast_in_dim3A_187 : i32 to vector<16xi32>
    %gather3A_189 = tpu.vector_load_idx %arg13[%broadcast_in_dim3A_188] : memref<128xf32, #tpu.memory_space<vmem>>[vector<16xi32>], vector<16xf32>,
    %scan3A_190 = arith.constant 0 : i32
    %scan3A_191 = arith.constant 0 : i32
    %scan3A_192 = arith.constant 32 : i32
    %scan3A_193 = arith.addi %scan3A_191, %scan3A_192 : i32
    %scan3A_194 = arith.constant 1 : i32
    %scan3A_195 = scf.for %scan3A_199 = %scan3A_191 to %scan3A_193 step %scan3A_194 iter_args(%scan3A_200 = %scan3A_190) -> (i32)  : i32 {
      %add3A_201 = arith.constant 1 : i32
      %add3A_202 = arith.addi %scan3A_199, %add3A_201 : i32
      %get3A_203 = arith.index_cast %add3A_202 : i32 to index
      %get3A_204 = memref.load %arg17[%get3A_203] : memref<40xi32, #tpu.memory_space<smem>>
      %get3A_205 = arith.index_cast %scan3A_199 : i32 to index
      %get3A_206 = memref.load %arg17[%get3A_205] : memref<40xi32, #tpu.memory_space<smem>>
      %sub3A_207 = arith.subi %get3A_204, %get3A_206 : i32
      %convert_element_type3A_208 = arith.sitofp %sub3A_207 : i32 to f32
      %broadcast_in_dim3A_209 = vector.broadcast %convert_element_type3A_208 : f32 to vector<16xf32>
      %gt3A_210 = arith.constant 0.000000e+00 : f32
      %gt3A_211 = vector.broadcast %gt3A_210 : f32 to vector<16xf32>
      %gt3A_212 = arith.cmpf ogt, %broadcast_in_dim3A_209, %gt3A_211 : vector<16xf32>
      %max3A_213 = arith.constant 1.000000e+00 : f32
      %max3A_214 = vector.broadcast %max3A_213 : f32 to vector<16xf32>
      %max3A_215 = arith.maximumf %broadcast_in_dim3A_209, %max3A_214 : vector<16xf32>
      %div3A_216 = arith.constant 1.000000e+00 : f32
      %div3A_217 = vector.broadcast %div3A_216 : f32 to vector<16xf32>
      %div3A_218 = arith.divf %div3A_217, %max3A_215 : vector<16xf32>
      %mul3A_219 = arith.constant 128 : i32
      %mul3A_220 = arith.muli %scan3A_199, %mul3A_219 : i32
      %add3A_221 = arith.constant 0 : i32
      %add3A_222 = arith.addi %mul3A_220, %add3A_221 : i32
      %get3A_223 = arith.index_cast %add3A_222 : i32 to index
      %get3A_224 = tpu.vector_load %arg14[%get3A_223] {strides = array<i32>} : memref<4096xf32, #tpu.memory_space<vmem>>, vector<16xf32>,
      %get3A_225 = arith.index_cast %add3A_222 : i32 to index
      %get3A_226 = tpu.vector_load %arg15[%get3A_225] {strides = array<i32>} : memref<4096xf32, #tpu.memory_space<vmem>>, vector<16xf32>,
      %select_n3A_227 = arith.select %gt3A_212, %get3A_226, %broadcast_in_dim3A_1 : vector<16xi1>, vector<16xf32>
      %mul3A_228 = arith.mulf %gather3A, %div3A_218 : vector<16xf32>
      %mul3A_229 = arith.mulf %mul3A_228, %get3A_224 : vector<16xf32>
      %mul3A_230 = arith.mulf %gather3A_186, %select_n3A_227 : vector<16xf32>
      %add3A_231 = arith.addf %mul3A_229, %mul3A_230 : vector<16xf32>
      %mul3A_232 = arith.mulf %gather3A_189, %get3A_224 : vector<16xf32>
      %add3A_233 = arith.addf %add3A_231, %mul3A_232 : vector<16xf32>
      %swap3A_234 = arith.index_cast %add3A_222 : i32 to index
      %swap3A_235 = tpu.vector_load %arg16[%swap3A_234] {strides = array<i32>} : memref<4096xf32, #tpu.memory_space<vmem>>, vector<16xf32>,
      tpu.vector_store %arg16[%swap3A_234], %add3A_233 {strides = array<i32>} : memref<4096xf32, #tpu.memory_space<vmem>>, vector<16xf32>,
      %mul3A_236 = arith.constant 128 : i32
      %mul3A_237 = arith.muli %scan3A_199, %mul3A_236 : i32
      %add3A_238 = arith.constant 16 : i32
      %add3A_239 = arith.addi %mul3A_237, %add3A_238 : i32
      %get3A_240 = arith.index_cast %add3A_239 : i32 to index
      %get3A_241 = tpu.vector_load %arg14[%get3A_240] {strides = array<i32>} : memref<4096xf32, #tpu.memory_space<vmem>>, vector<16xf32>,
      %get3A_242 = arith.index_cast %add3A_239 : i32 to index
      %get3A_243 = tpu.vector_load %arg15[%get3A_242] {strides = array<i32>} : memref<4096xf32, #tpu.memory_space<vmem>>, vector<16xf32>,
      %select_n3A_244 = arith.select %gt3A_212, %get3A_243, %broadcast_in_dim3A_1 : vector<16xi1>, vector<16xf32>
      %mul3A_245 = arith.mulf %gather3A, %div3A_218 : vector<16xf32>
      %mul3A_246 = arith.mulf %mul3A_245, %get3A_241 : vector<16xf32>
      %mul3A_247 = arith.mulf %gather3A_186, %select_n3A_244 : vector<16xf32>
      %add3A_248 = arith.addf %mul3A_246, %mul3A_247 : vector<16xf32>
      %mul3A_249 = arith.mulf %gather3A_189, %get3A_241 : vector<16xf32>
      %add3A_250 = arith.addf %add3A_248, %mul3A_249 : vector<16xf32>
      %swap3A_251 = arith.index_cast %add3A_239 : i32 to index
      %swap3A_252 = tpu.vector_load %arg16[%swap3A_251] {strides = array<i32>} : memref<4096xf32, #tpu.memory_space<vmem>>, vector<16xf32>,
      tpu.vector_store %arg16[%swap3A_251], %add3A_250 {strides = array<i32>} : memref<4096xf32, #tpu.memory_space<vmem>>, vector<16xf32>,
      %mul3A_253 = arith.constant 128 : i32
      %mul3A_254 = arith.muli %scan3A_199, %mul3A_253 : i32
      %add3A_255 = arith.constant 32 : i32
      %add3A_256 = arith.addi %mul3A_254, %add3A_255 : i32
      %get3A_257 = arith.index_cast %add3A_256 : i32 to index
      %get3A_258 = tpu.vector_load %arg14[%get3A_257] {strides = array<i32>} : memref<4096xf32, #tpu.memory_space<vmem>>, vector<16xf32>,
      %get3A_259 = arith.index_cast %add3A_256 : i32 to index
      %get3A_260 = tpu.vector_load %arg15[%get3A_259] {strides = array<i32>} : memref<4096xf32, #tpu.memory_space<vmem>>, vector<16xf32>,
      %select_n3A_261 = arith.select %gt3A_212, %get3A_260, %broadcast_in_dim3A_1 : vector<16xi1>, vector<16xf32>
      %mul3A_262 = arith.mulf %gather3A, %div3A_218 : vector<16xf32>
      %mul3A_263 = arith.mulf %mul3A_262, %get3A_258 : vector<16xf32>
      %mul3A_264 = arith.mulf %gather3A_186, %select_n3A_261 : vector<16xf32>
      %add3A_265 = arith.addf %mul3A_263, %mul3A_264 : vector<16xf32>
      %mul3A_266 = arith.mulf %gather3A_189, %get3A_258 : vector<16xf32>
      %add3A_267 = arith.addf %add3A_265, %mul3A_266 : vector<16xf32>
      %swap3A_268 = arith.index_cast %add3A_256 : i32 to index
      %swap3A_269 = tpu.vector_load %arg16[%swap3A_268] {strides = array<i32>} : memref<4096xf32, #tpu.memory_space<vmem>>, vector<16xf32>,
      tpu.vector_store %arg16[%swap3A_268], %add3A_267 {strides = array<i32>} : memref<4096xf32, #tpu.memory_space<vmem>>, vector<16xf32>,
      %mul3A_270 = arith.constant 128 : i32
      %mul3A_271 = arith.muli %scan3A_199, %mul3A_270 : i32
      %add3A_272 = arith.constant 48 : i32
      %add3A_273 = arith.addi %mul3A_271, %add3A_272 : i32
      %get3A_274 = arith.index_cast %add3A_273 : i32 to index
      %get3A_275 = tpu.vector_load %arg14[%get3A_274] {strides = array<i32>} : memref<4096xf32, #tpu.memory_space<vmem>>, vector<16xf32>,
      %get3A_276 = arith.index_cast %add3A_273 : i32 to index
      %get3A_277 = tpu.vector_load %arg15[%get3A_276] {strides = array<i32>} : memref<4096xf32, #tpu.memory_space<vmem>>, vector<16xf32>,
      %select_n3A_278 = arith.select %gt3A_212, %get3A_277, %broadcast_in_dim3A_1 : vector<16xi1>, vector<16xf32>
      %mul3A_279 = arith.mulf %gather3A, %div3A_218 : vector<16xf32>
      %mul3A_280 = arith.mulf %mul3A_279, %get3A_275 : vector<16xf32>
      %mul3A_281 = arith.mulf %gather3A_186, %select_n3A_278 : vector<16xf32>
      %add3A_282 = arith.addf %mul3A_280, %mul3A_281 : vector<16xf32>
      %mul3A_283 = arith.mulf %gather3A_189, %get3A_275 : vector<16xf32>
      %add3A_284 = arith.addf %add3A_282, %mul3A_283 : vector<16xf32>
      %swap3A_285 = arith.index_cast %add3A_273 : i32 to index
      %swap3A_286 = tpu.vector_load %arg16[%swap3A_285] {strides = array<i32>} : memref<4096xf32, #tpu.memory_space<vmem>>, vector<16xf32>,
      tpu.vector_store %arg16[%swap3A_285], %add3A_284 {strides = array<i32>} : memref<4096xf32, #tpu.memory_space<vmem>>, vector<16xf32>,
      %mul3A_287 = arith.constant 128 : i32
      %mul3A_288 = arith.muli %scan3A_199, %mul3A_287 : i32
      %add3A_289 = arith.constant 64 : i32
      %add3A_290 = arith.addi %mul3A_288, %add3A_289 : i32
      %get3A_291 = arith.index_cast %add3A_290 : i32 to index
      %get3A_292 = tpu.vector_load %arg14[%get3A_291] {strides = array<i32>} : memref<4096xf32, #tpu.memory_space<vmem>>, vector<16xf32>,
      %get3A_293 = arith.index_cast %add3A_290 : i32 to index
      %get3A_294 = tpu.vector_load %arg15[%get3A_293] {strides = array<i32>} : memref<4096xf32, #tpu.memory_space<vmem>>, vector<16xf32>,
      %select_n3A_295 = arith.select %gt3A_212, %get3A_294, %broadcast_in_dim3A_1 : vector<16xi1>, vector<16xf32>
      %mul3A_296 = arith.mulf %gather3A, %div3A_218 : vector<16xf32>
      %mul3A_297 = arith.mulf %mul3A_296, %get3A_292 : vector<16xf32>
      %mul3A_298 = arith.mulf %gather3A_186, %select_n3A_295 : vector<16xf32>
      %add3A_299 = arith.addf %mul3A_297, %mul3A_298 : vector<16xf32>
      %mul3A_300 = arith.mulf %gather3A_189, %get3A_292 : vector<16xf32>
      %add3A_301 = arith.addf %add3A_299, %mul3A_300 : vector<16xf32>
      %swap3A_302 = arith.index_cast %add3A_290 : i32 to index
      %swap3A_303 = tpu.vector_load %arg16[%swap3A_302] {strides = array<i32>} : memref<4096xf32, #tpu.memory_space<vmem>>, vector<16xf32>,
      tpu.vector_store %arg16[%swap3A_302], %add3A_301 {strides = array<i32>} : memref<4096xf32, #tpu.memory_space<vmem>>, vector<16xf32>,
      %mul3A_304 = arith.constant 128 : i32
      %mul3A_305 = arith.muli %scan3A_199, %mul3A_304 : i32
      %add3A_306 = arith.constant 80 : i32
      %add3A_307 = arith.addi %mul3A_305, %add3A_306 : i32
      %get3A_308 = arith.index_cast %add3A_307 : i32 to index
      %get3A_309 = tpu.vector_load %arg14[%get3A_308] {strides = array<i32>} : memref<4096xf32, #tpu.memory_space<vmem>>, vector<16xf32>,
      %get3A_310 = arith.index_cast %add3A_307 : i32 to index
      %get3A_311 = tpu.vector_load %arg15[%get3A_310] {strides = array<i32>} : memref<4096xf32, #tpu.memory_space<vmem>>, vector<16xf32>,
      %select_n3A_312 = arith.select %gt3A_212, %get3A_311, %broadcast_in_dim3A_1 : vector<16xi1>, vector<16xf32>
      %mul3A_313 = arith.mulf %gather3A, %div3A_218 : vector<16xf32>
      %mul3A_314 = arith.mulf %mul3A_313, %get3A_309 : vector<16xf32>
      %mul3A_315 = arith.mulf %gather3A_186, %select_n3A_312 : vector<16xf32>
      %add3A_316 = arith.addf %mul3A_314, %mul3A_315 : vector<16xf32>
      %mul3A_317 = arith.mulf %gather3A_189, %get3A_309 : vector<16xf32>
      %add3A_318 = arith.addf %add3A_316, %mul3A_317 : vector<16xf32>
      %swap3A_319 = arith.index_cast %add3A_307 : i32 to index
      %swap3A_320 = tpu.vector_load %arg16[%swap3A_319] {strides = array<i32>} : memref<4096xf32, #tpu.memory_space<vmem>>, vector<16xf32>,
      tpu.vector_store %arg16[%swap3A_319], %add3A_318 {strides = array<i32>} : memref<4096xf32, #tpu.memory_space<vmem>>, vector<16xf32>,
      %mul3A_321 = arith.constant 128 : i32
      %mul3A_322 = arith.muli %scan3A_199, %mul3A_321 : i32
      %add3A_323 = arith.constant 96 : i32
      %add3A_324 = arith.addi %mul3A_322, %add3A_323 : i32
      %get3A_325 = arith.index_cast %add3A_324 : i32 to index
      %get3A_326 = tpu.vector_load %arg14[%get3A_325] {strides = array<i32>} : memref<4096xf32, #tpu.memory_space<vmem>>, vector<16xf32>,
      %get3A_327 = arith.index_cast %add3A_324 : i32 to index
      %get3A_328 = tpu.vector_load %arg15[%get3A_327] {strides = array<i32>} : memref<4096xf32, #tpu.memory_space<vmem>>, vector<16xf32>,
      %select_n3A_329 = arith.select %gt3A_212, %get3A_328, %broadcast_in_dim3A_1 : vector<16xi1>, vector<16xf32>
      %mul3A_330 = arith.mulf %gather3A, %div3A_218 : vector<16xf32>
      %mul3A_331 = arith.mulf %mul3A_330, %get3A_326 : vector<16xf32>
      %mul3A_332 = arith.mulf %gather3A_186, %select_n3A_329 : vector<16xf32>
      %add3A_333 = arith.addf %mul3A_331, %mul3A_332 : vector<16xf32>
      %mul3A_334 = arith.mulf %gather3A_189, %get3A_326 : vector<16xf32>
      %add3A_335 = arith.addf %add3A_333, %mul3A_334 : vector<16xf32>
      %swap3A_336 = arith.index_cast %add3A_324 : i32 to index
      %swap3A_337 = tpu.vector_load %arg16[%swap3A_336] {strides = array<i32>} : memref<4096xf32, #tpu.memory_space<vmem>>, vector<16xf32>,
      tpu.vector_store %arg16[%swap3A_336], %add3A_335 {strides = array<i32>} : memref<4096xf32, #tpu.memory_space<vmem>>, vector<16xf32>,
      %mul3A_338 = arith.constant 128 : i32
      %mul3A_339 = arith.muli %scan3A_199, %mul3A_338 : i32
      %add3A_340 = arith.constant 112 : i32
      %add3A_341 = arith.addi %mul3A_339, %add3A_340 : i32
      %get3A_342 = arith.index_cast %add3A_341 : i32 to index
      %get3A_343 = tpu.vector_load %arg14[%get3A_342] {strides = array<i32>} : memref<4096xf32, #tpu.memory_space<vmem>>, vector<16xf32>,
      %get3A_344 = arith.index_cast %add3A_341 : i32 to index
      %get3A_345 = tpu.vector_load %arg15[%get3A_344] {strides = array<i32>} : memref<4096xf32, #tpu.memory_space<vmem>>, vector<16xf32>,
      %select_n3A_346 = arith.select %gt3A_212, %get3A_345, %broadcast_in_dim3A_1 : vector<16xi1>, vector<16xf32>
      %mul3A_347 = arith.mulf %gather3A, %div3A_218 : vector<16xf32>
      %mul3A_348 = arith.mulf %mul3A_347, %get3A_343 : vector<16xf32>
      %mul3A_349 = arith.mulf %gather3A_186, %select_n3A_346 : vector<16xf32>
      %add3A_350 = arith.addf %mul3A_348, %mul3A_349 : vector<16xf32>
      %mul3A_351 = arith.mulf %gather3A_189, %get3A_343 : vector<16xf32>
      %add3A_352 = arith.addf %add3A_350, %mul3A_351 : vector<16xf32>
      %swap3A_353 = arith.index_cast %add3A_341 : i32 to index
      %swap3A_354 = tpu.vector_load %arg16[%swap3A_353] {strides = array<i32>} : memref<4096xf32, #tpu.memory_space<vmem>>, vector<16xf32>,
      tpu.vector_store %arg16[%swap3A_353], %add3A_352 {strides = array<i32>} : memref<4096xf32, #tpu.memory_space<vmem>>, vector<16xf32>,
      %scan3A_355 = arith.constant 0 : i32
      scf.yield %scan3A_355 : i32
    }
    %scan3A_196 = arith.constant 32 : i32
    %mul3A_197 = arith.constant 128 : i32
    %mul3A_198 = arith.muli %mul3A_5, %mul3A_197 : i32
    "tpu.region"() ({
      %run_scoped3A = tpu.sem_alloc : memref<!tpu.dma_semaphore, #tpu.memory_space<semaphore_mem>>
      %dma_start3A_199 = tpu.memref_slice %arg6[%mul3A_198] : memref<131072xf32, #tpu.memory_space<hbm>> -> memref<4096xf32, #tpu.memory_space<hbm>>
      %dma_start3A_200 = tpu.memref_slice %arg6[%mul3A_198] : memref<131072xf32, #tpu.memory_space<hbm>> -> memref<4096xf32, #tpu.memory_space<hbm>>
      tpu.enqueue_dma source(%arg16 : memref<4096xf32, #tpu.memory_space<vmem>>) target(%dma_start3A_200 : memref<4096xf32, #tpu.memory_space<hbm>>) target_semaphore(%run_scoped3A : memref<!tpu.dma_semaphore, #tpu.memory_space<semaphore_mem>>)
      %dma_wait3A_201 = tpu.memref_slice %arg6[%mul3A_198] : memref<131072xf32, #tpu.memory_space<hbm>> -> memref<4096xf32, #tpu.memory_space<hbm>>
      %dma_wait3A_202 = tpu.memref_slice %arg6[%mul3A_198] : memref<131072xf32, #tpu.memory_space<hbm>> -> memref<4096xf32, #tpu.memory_space<hbm>>
      tpu.wait_dma2 semaphore(%run_scoped3A : memref<!tpu.dma_semaphore, #tpu.memory_space<semaphore_mem>>) src(%arg16 : memref<4096xf32, #tpu.memory_space<vmem>>) dst(%dma_wait3A_202 : memref<4096xf32, #tpu.memory_space<hbm>>)
      tpu.yield
    }) : () -> ()
    return
  }
}

</mosaic_0001>

<sc_bundles>
// kernel: kernel.3.cloned.1.call-start
scs
__scs_entry_jumppad:
0x0: {  	(pc) =	sbr.rel $0x88, $3  }
0x1: {  	(tag) =	ssettag $0x0;
	lr =	simm.s32 $0x1  }
0x2: {  	[smem:$0x3F9E] =	sst lr;
	_ =	strace $0xD0000000  }
0x3: {  	_ = 	snop  }
0x4: {  	_ = 	snop  }
0x5: {  	_ = 	snop  }
0x6: {  	_ = 	snop  }
0x7: {  	_ = 	snop  }
__scs_overlays_trampoline_lowered:
0x8: {  	[smem:$0x3FAD] =	sst s0  }
0x9: {  	[smem:$0x3FAE] =	sst s1  }
0xa: {  	[smem:$0x3FAF] =	sst s2  }
0xb: {  	[smem:$0x3FB0] =	sst s3  }
0xc: {  	[smem:$0x3FB1] =	sst s4  }
0xd: {  	[smem:$0x3FB2] =	sst s5  }
0xe: {  	[smem:$0x3FB3] =	sst s6  }
0xf: {  	[smem:$0x3FB4] =	sst s7  }
0x10: {  	[smem:$0x3FB5] =	sst s8  }
0x11: {  	[smem:$0x3FB6] =	sst s9;
	s0 =	simm.s32 @!p0 $0x0  }
0x12: {  	s1 =	sld [smem:$0x3F9C];
	s0 =	simm.s32 @p0 $0x1  }
0x13: {  	[smem:$0x3FB7] =	sst s0;
	s0 =	simm.s32 @!p1 $0x0  }
0x14: {  	s2 =	sld [smem:$0x3F9B];
	s0 =	simm.s32 @p1 $0x1  }
0x15: {  	[smem:$0x3FB8] =	sst s0;
	s0 =	simm.s32 @!p2 $0x0  }
0x16: {  	s3 =	sld [smem:$0x3FDB];
	s0 =	simm.s32 @p2 $0x1  }
0x17: {  	s4 =	simm.s32 $0x1BF5;
	[smem:$0x3FBA] =	sst s0  }
0x18: {  	s0 =	sld [smem:$0x3F9D];
	_ =	swait.ge [sflag:s4], $0x0  }
0x19: {  	s7 =	sld [smem:$0x3F9E]  }
0x1a: {  	s8 =	sadd.s32 $0xFFFFE003, lr  }
0x1b: {  	s9 =	sadd.s32 $0xFFFFFEF7, lr;
	s5 =	simm.s32 $0xFFFFFFFF;
	p2 =	slt.u32 s8, $0xFFFFF086  }
0x1c: {  	p1 =	slt.u32 s9, $0xF7A;
	s5 =	simm.s32 @!p2 $0x0  }
0x1d: {  	s5 =	simm.s32 @p1 $0x1;
	p0 =	seq.s32 s7, s2  }
0x1e: {  	s7 =	smul.u32 @!p0 $0xF7A, s2;
	p2 =	seq.s32 @!p0 s5, $0x0  }
0x1f: {  	s9 =	smul.u32 $0xF7A, s1;
	s8 =	simm.s32 @!p0 $0x1BF5;
	p2 =	por !p2, p0  }
0x20: {  	[sflag:s8] =	ssyncset.s32 @!p0 $0xFFFFF086;
	s6 =	sadd.s32 @!p0 s3, s7;
	s7 =	simm.s32 @!p0 $0x108  }
0x21: {  	s3 =	sadd.s32 s3, s9;
	s6 =	sadd.s32 @!p0 $0x88, s6;
	s7 =	simm.s32 @p2 $0x1082  }
0x22: {  	[simem:s7], [sflag:s8] =	dma.local @!p0 [hbm:s6], $0xF7A  }
0x23: {  	s9 =	sor.u32 $0xD0000000, s2;
	s6 =	simm.s32 $0x108;
	_ =	swait.ge @!p0 [sflag:s8], $0x0  }
0x24: {  	s3 =	sadd.s32 $0x88, s3;
	s6 =	simm.s32 @!p1 $0x1082;
	[sflag:s4] =	ssyncset.s32 $0xFFFFF086  }
0x25: {  	[simem:s6], [sflag:s4] =	dma.local [hbm:s3], $0xF7A  }
0x26: {  	[smem:$0x3F9E] =	sst s1;
	(tag) =	ssettag s2;
	_ =	strace s9  }
0x27: {  	s1 =	sld [smem:$0x3FAE]  }
0x28: {  	s2 =	sld [smem:$0x3FAF]  }
0x29: {  	s4 =	sld [smem:$0x3FB1]  }
0x2a: {  	p0 =	seq.s32 s5, $0x0;
	s5 =	sld [smem:$0x3FB2]  }
0x2b: {  	s6 =	sld [smem:$0x3FB3]  }
0x2c: {  	s7 =	sld [smem:$0x3FB4]  }
0x2d: {  	s3 =	simm.s32 $0x108;
	s8 =	sld [smem:$0x3FB5]  }
0x2e: {  	s3 =	simm.s32 @!p0 $0x1082;
	s9 =	sld [smem:$0x3FB6]  }
0x2f: {  	lr =	sadd.s32 s0, s3;
	s0 =	sld [smem:$0x3FAD]  }
0x30: {  	s3 =	sld [smem:$0x3FB0]  }
0x31: {  	[smem:$0x3FB9] =	sst s10  }
0x32: {  	s10 =	sld [smem:$0x3FB7];
	_ =	sdelay $0x3  }
0x33: {  	p0 =	seq.s32 s10, $0x1;
	s10 =	sld [smem:$0x3FB9];
	_ =	sdelay $0x3  }
0x34: {  	[smem:$0x3FB9] =	sst s10  }
0x35: {  	s10 =	sld [smem:$0x3FB8];
	_ =	sdelay $0x3  }
0x36: {  	p1 =	seq.s32 s10, $0x1;
	s10 =	sld [smem:$0x3FB9];
	_ =	sdelay $0x3  }
0x37: {  	[smem:$0x3FB9] =	sst s10  }
0x38: {  	s10 =	sld [smem:$0x3FBA]  }
0x39: {  	_ = 	snop;
	(pc) =	sbr.ind lr, $3  }
0x3a: {  	_ = 	snop  }
0x3b: {  	_ = 	snop  }
0x3c: {  	p2 =	seq.s32 s10, $0x1;
	s10 =	sld [smem:$0x3FB9]  }
0x3d: {  	_ =	shalt  }
0x3e: {  	_ =	shalt  }
0x3f: {  	_ =	shalt  }
0x40: {  	_ =	shalt  }
0x41: {  	_ =	shalt  }
0x42: {  	_ =	shalt  }
0x43: {  	_ =	shalt  }
0x44: {  	_ =	shalt  }
0x45: {  	_ =	shalt  }
0x46: {  	_ =	shalt  }
0x47: {  	_ =	shalt  }
0x48: {  	_ =	shalt  }
0x49: {  	_ =	shalt  }
0x4a: {  	_ =	shalt  }
0x4b: {  	_ =	shalt  }
0x4c: {  	_ =	shalt  }
0x4d: {  	_ =	shalt  }
0x4e: {  	_ =	shalt  }
0x4f: {  	_ =	shalt  }
0x50: {  	_ =	shalt  }
0x51: {  	_ =	shalt  }
0x52: {  	_ =	shalt  }
0x53: {  	_ =	shalt  }
0x54: {  	_ =	shalt  }
0x55: {  	_ =	shalt  }
0x56: {  	_ =	shalt  }
0x57: {  	_ =	shalt  }
0x58: {  	_ =	shalt  }
0x59: {  	_ =	shalt  }
0x5a: {  	_ =	shalt  }
0x5b: {  	_ =	shalt  }
0x5c: {  	_ =	shalt  }
0x5d: {  	_ =	shalt  }
0x5e: {  	_ =	shalt  }
0x5f: {  	_ =	shalt  }
0x60: {  	_ =	shalt  }
0x61: {  	_ =	shalt  }
0x62: {  	_ =	shalt  }
0x63: {  	_ =	shalt  }
0x64: {  	_ =	shalt  }
0x65: {  	_ =	shalt  }
0x66: {  	_ =	shalt  }
0x67: {  	_ =	shalt  }
0x68: {  	_ =	shalt  }
0x69: {  	_ =	shalt  }
0x6a: {  	_ =	shalt  }
0x6b: {  	_ =	shalt  }
0x6c: {  	_ =	shalt  }
0x6d: {  	_ =	shalt  }
0x6e: {  	_ =	shalt  }
0x6f: {  	_ =	shalt  }
0x70: {  	_ =	shalt  }
0x71: {  	_ =	shalt  }
0x72: {  	_ =	shalt  }
0x73: {  	_ =	shalt  }
0x74: {  	_ =	shalt  }
0x75: {  	_ =	shalt  }
0x76: {  	_ =	shalt  }
0x77: {  	_ =	shalt  }
0x78: {  	_ =	shalt  }
0x79: {  	_ =	shalt  }
0x7a: {  	_ =	shalt  }
0x7b: {  	_ =	shalt  }
0x7c: {  	_ =	shalt  }
0x7d: {  	_ =	shalt  }
0x7e: {  	_ =	shalt  }
0x7f: {  	_ =	shalt  }
0x80: {  	_ =	shalt  }
0x81: {  	_ =	shalt  }
0x82: {  	_ =	shalt  }
0x83: {  	_ =	shalt  }
0x84: {  	_ =	shalt  }
0x85: {  	_ =	shalt  }
0x86: {  	_ =	shalt  }
0x87: {  	_ =	shalt  }
.Lfunc_end0:
.L_simem_size_0:
called_computation_lowered:
.L_overlay_start_0:
0x88: {  	s2 =	sld [smem:$0x3FD9]  }
0x89: {  	s3 =	sld [smem:$0x3FFE];
	_ =	sdelay $0x1  }
0x8a: {  	s1 =	srdreg.scid  }
0x8b: {  	s0 =	sand.u32 $0x1, s1  }
0x8c: {  	s17 =	sshll.u32 s0, $0xA;
	s2 =	sadd.s32 s3, s2  }
0x8d: {  	s2 =	sadd.s32 s2, s17  }
0x8e: {  	[smem:$0x3FC5] =	sst s2  }
0x8f: {  	_ = 	snop  }
0x90: {  	s2 =	sld [smem:$0x3FC9]  }
0x91: {  	s18 =	sld [smem:$0x3FD0];
	(tm) =	ssettm $0x1  }
0x92: {  	s4 =	sld [smem:$0x3FFB];
	_ =	sdelay $0x3  }
0x93: {  	_ =	strace s4  }
0x94: {  	s4 =	sld [smem:$0x3FFC];
	_ =	sdelay $0x3  }
0x95: {  	_ =	strace s4  }
0x96: {  	s4 =	sld [smem:$0x3FFD];
	_ =	sdelay $0x3  }
0x97: {  	_ =	strace s4  }
0x98: {  	_ =	strace $0x8FFFFFFF  }
0x99: {  	s19 =	sld [smem:$0x3FDB];
	_ =	sdelay $0x1  }
0x9a: {  	s5 =	simm.s32 $_scs_section_size  }
0x9b: {  	s6 =	simm.s32 $_size__tile_overlayer_lowered;
	s7 =	simm.s32 $_tile_overlayer_lowered  }
0x9c: {  	s22 =	simm.s32 $0x1BFF;
	s21 =	sshll.u32 s7, $0x1;
	s4 =	sadd.s32 s5, s19  }
0x9d: {  	s8 =	simm.s32 $0x0;
	s20 =	sshll.u32 s6, $0x1;
	s6 =	sadd.s32 s21, s4  }
0x9e: {  	[timem:s8], [sflag:s22] =	dma.local [hbm:s6], s20  }
0x9f: {  	_ =	swait.ge [sflag:s22], s20  }
0xa0: {  	s5 =	ssub.s32 $0x0, s20;
	[sflag:s22] =	ssyncset.done $0x0  }
0xa1: {  	[sflag:s22] =	ssyncadd.s32 s5;
	_ =	sdelay $0x1  }
0xa2: {  	s23 =	simm.s32 $0x1B8B  }
0xa3: {  	_ =	swait.ge [sflag:s23], $0x1  }
0xa4: {  	[sflag:s23] =	ssyncset.done $0x0  }
0xa5: {  	s25 =	simm.s32 $0x1B8E;
	s24 =	sld [smem:$0x3FFE];
	[sflag:s23] =	ssyncadd.s32 $0xFFFFFFFF  }
0xa6: {  	s26 =	simm.s32 $execute0_lowered;
	[smem:$0x3FD2] =	sst s25  }
0xa7: {  	s6 =	sshll.u32 s26, $0x1;
	_ =	strace $0x80000046;
	[dreg:$0x1] =	wrdreg $0xFFFFFFFF  }
0xa8: {  	s28 =	simm.s32 $_size_execute0_lowered;
	s4 =	sadd.s32 s4, s6;
	[dreg:$0x0] =	wrdreg $0x0  }
0xa9: {  	s6 =	sshll.u32 s28, $0x1;
	[dreg:$0x2] =	wrdreg s4  }
0xaa: {  	[dreg:$0x3] =	wrdreg s6  }
0xab: {  	[dreg:$0x4] =	wrdreg $0xC0  }
0xac: {  	_ =	task [dreg:s8], $0x5FFFF  }
0xad: {  	[dreg:$0x1] =	wrdreg $0xFFFFFFFF  }
0xae: {  	[dreg:$0x0] =	wrdreg $0x60  }
0xaf: {  	[dreg:$0x2] =	wrdreg s2  }
0xb0: {  	[dreg:$0x3] =	wrdreg s24  }
0xb1: {  	[dreg:$0x4] =	wrdreg s18  }
0xb2: {  	[dreg:$0x5] =	wrdreg $0x9  }
0xb3: {  	_ =	task.clear_ibuf [dreg:s8], $0x6FFFF;
	_ =	strace $0x90000046  }
0xb4: {  	s29 =	simm.s32 $0x9;
	_ =	strace $0x80000048  }
0xb5: {  	_ =	swait.ge [sflag:s29], $0x1  }
0xb6: {  	[sflag:s29] =	ssyncadd.s32 $0xFFFFFFFF  }
0xb7: {  	_ =	strace $0x90000048  }
0xb8: {  	_ =	sfence  }
0xb9: {  	s30 =	sld [smem:$0x0];
	_ =	sdelay $0x2  }
0xba: {  	s31 =	sshll.u32 s1, $0xD;
	s1 =	sshrl.u32 s1, $0x2  }
0xbb: {  	s3 =	sand.u32 $0x4000, s31;
	s1 =	sadd.s32 s1, s30  }
0xbc: {  	s0 =	sor.u32 s3, s0;
	s1 =	sshll.u32 s1, $0x11  }
0xbd: {  	s0 =	sor.u32 s1, s0  }
0xbe: {  	s0 =	sadd.s32 $0x8F2B, s0  }
0xbf: {  	[sflag:s0] =	ssyncadd.remote.s32 $0x1  }
0xc0: {  	_ =	sfence.sel $0xFFFF  }
0xc1: {  	[dreg:$0x0] =	wrdreg $0xFFFFFFFF;
	(pc) =	sbr.abs _section_cstart, $3  }
0xc2: {  	[dreg:$0x1] =	wrdreg $0xFFFFFFFF  }
0xc3: {  	_ =	task.clear_ibuf [dreg:s8], $0x2FFFF;
	_ =	strace $0x9FFFFFFF  }
0xc4: {  	(tm) =	ssettm $0x7FFFFFFF  }
0xc5: {  	_ =	shalt  }
tec
execute0_lowered:
.L_overlay_start_1:
0x0: {  	(tag) =	ssettag $0x1  }
0x1: {  	s1 =	rddreg [dreg:$0x0]  }
0x2: {  	s0 =	rddreg [dreg:$0x1]  }
0x3: {  	s3 =	rddreg [dreg:$0x2];
	s2 =	simm.s32 $0x0  }
0x4: {  	s4 =	srdreg.scid;
	s6 =	stileid.u32;
	s10 =	simm.s32 $0x10000  }
0x5: {  	s11 =	simm.s32 $0x4;
	s12 =	simm.s32 $0x11C80;
	s16 =	simm.s32 $0x1  }
0x6: {  	s17 =	simm.s32 $0x11C00;
	s18 =	simm.s32 $0x2;
	s19 =	simm.s32 $0x3  }
0x7: {  	s21 =	simm.s32 $0x0;
	[smem:$0x7FF] =	sst s2;
	s4 =	sand.u32 $0x1, s4  }
0x8: {  	s5 =	sadd.s32 $0x600, s0;
	s7 =	sadd.s32 $0x3A00, s0;
	s0 =	sadd.s32 $0x3800, s0  }
0x9: {  	s9 =	sshll.u32 s6, $0x5;
	_ =	strace $0x80000047;
	[dreg:$0x4] =	wrdreg s5  }
0xa: {  	s29 =	sshll.u32 s4, $0x4;
	[dreg:$0x5] =	wrdreg s7;
	s30 =	ssub.s32 $0x2, s4  }
0xb: {  	[dreg:$0x6] =	wrdreg s0;
	s5 =	sor.u32 s6, s29;
	s31 =	sshrl.u32 s30, $0x1  }
0xc: {  	v2 =	vlaneseq.u32;
	v3 =	vimm.f32 $0.0e+00;
	v4 =	vimm.f32 $-Inf;
	s4 =	sshll.u32 s4, $0x9;
	s13 =	sshll.u32 s5, $0x5;
	s0 =	ssub.s32 s30, s31  }
0xd: {  	v5 =	vimm.s32 $0x1;
	v6 =	vimm.s32 $0x2;
	v7 =	vimm.s32 $0x3;
	s5 =	sshll.u32 s5, $0x9;
	s14 =	sor.u32 $0x10, s13;
	s15 =	sadd.s32 $0x20, s13  }
0xe: {  	s9 =	sor.u32 s9, s4;
	s7 =	sadd.s32 s3, s5;
	s8 =	smax.u32 s0, $0x1;
	v0 =	vor.u32 s13, v2;
	v1 =	vor.u32 s14, v2;
	v2 =	vor.u32 s15, v2  }
.LBB2_1:
0xf: {  	s0 =	rddreg [dreg:$0x5]  }
0x10: {  	[tilespmem:s10], [sflag:$0x4] =	stream.linear.gather [hbm4b:s0+s2], $0x380, $0x38;
	[tilespmem:$0x14D00] =	vst v63  }
0x11: {  	_ =	swait.ge [sflag:s11], $0x380  }
0x12: {  	[sflag:s11] =	ssyncset.done $0x0  }
0x13: {  	s31 =	rddreg [dreg:$0x6];
	[sflag:s11] =	ssyncadd.s32 $0xFFFFFC80  }
0x14: {  	[tilespmem:s12], [sflag:$0x4] =	stream.linear.gather [hbm4b:s31+s2], $0x80, $0x38;
	[tilespmem:$0x14D00] =	vst v63  }
0x15: {  	_ =	swait.ge [sflag:s11], $0x80  }
0x16: {  	[sflag:s11] =	ssyncset.done $0x0  }
0x17: {  	s0 =	simm.s32 $0x0;
	[sflag:s11] =	ssyncadd.s32 $0xFFFFFF80  }
.LBB2_2:
0x18: {  	p0 =	sne.s32 s0, $0x3FC0  }
.Ltmp0:
0x19: {  	_ = 	snop;
	(pc) =	sbr.rel @p0 .LBB2_2-.Ltmp0, $4  }
0x1a: {  	_ = 	snop  }
0x1b: {  	s3 =	sshra.s32 s0, $0x2  }
0x1c: {  	[tilespmem:s3+$0x11D00] =	vst v3  }
0x1d: {  	s0 =	sadd.s32 $0x40, s0;
	[tilespmem:s3+$0x12D00] =	vst v4  }
0x1e: {  	v9 =	vimm.s32 $0x0;
	v8 =	vimm.s32 $0x380  }
0x1f: {  	s0 =	simm.s32 $0x9;
	v10 =	vadd.s32 v9, v8  }
.LBB2_4:
0x20: {  	p0 =	sne.s32 s0, $0x1;
	v11 =	vshrl.u32 v10, $0x1F  }
0x21: {  	v10 =	vadd.s32 v11, v10  }
0x22: {  	v10 =	vshra.s32 v10, $0x1;
	_ =	sdelay $0x4  }
0x23: {  	v11 =	vld.idx.msk [tilespmem:v10+s10+$0x0], $0xffff;
	_ =	sdelay $0x3  }
.Ltmp1:
0x24: {  	(pc) =	sbr.rel @p0 .LBB2_4-.Ltmp1, $4  }
0x25: {  	_ = 	snop  }
0x26: {  	vm0 =	vlt.s32 v11, v0;
	v11 =	vadd.s32 $0x1, v10  }
0x27: {  	v9 =	vsel vm0, v11, v9;
	v8 =	vsel vm0, v8, v10  }
0x28: {  	s0 =	sadd.s32 $0xFFFFFFFF, s0;
	v10 =	vadd.s32 v9, v8  }
0x29: {  	v9 =	vshrl.u32 v10, $0x1F  }
0x2a: {  	v9 =	vadd.s32 v9, v10  }
0x2b: {  	v9 =	vshra.s32 v9, $0x1;
	_ =	sdelay $0x4  }
0x2c: {  	v10 =	vld.idx.msk [tilespmem:v9+s10+$0x0], $0xffff;
	_ =	sdelay $0x4  }
0x2d: {  	vm0 =	vlt.s32 v10, v0  }
0x2e: {  	v8 =	vsel vm0, v8, v9  }
0x2f: {  	v8 =	vadd.s32 $0xFFFFFFFF, v8  }
0x30: {  	vm15 =	vgt.s32 v8, $0x0  }
0x31: {  	v10 =	vnsel vm15, $0x0, v8  }
0x32: {  	v9 =	vimm.s32 $0x0;
	v8 =	vimm.s32 $0x380;
	[tilespmem:$0x10380] =	vst v10  }
0x33: {  	s0 =	simm.s32 $0x9;
	[tilespmem:$0x11C00] =	vst v10;
	v10 =	vadd.s32 v9, v8  }
.LBB2_6:
0x34: {  	p0 =	sne.s32 s0, $0x1;
	v11 =	vshrl.u32 v10, $0x1F  }
0x35: {  	v10 =	vadd.s32 v11, v10  }
0x36: {  	v10 =	vshra.s32 v10, $0x1;
	_ =	sdelay $0x4  }
0x37: {  	v11 =	vld.idx.msk [tilespmem:v10+s10+$0x0], $0xffff;
	_ =	sdelay $0x3  }
.Ltmp2:
0x38: {  	(pc) =	sbr.rel @p0 .LBB2_6-.Ltmp2, $4  }
0x39: {  	_ = 	snop  }
0x3a: {  	vm0 =	vlt.s32 v11, v1;
	v11 =	vadd.s32 $0x1, v10  }
0x3b: {  	v9 =	vsel vm0, v11, v9;
	v8 =	vsel vm0, v8, v10  }
0x3c: {  	s0 =	sadd.s32 $0xFFFFFFFF, s0;
	v10 =	vadd.s32 v9, v8  }
0x3d: {  	v9 =	vshrl.u32 v10, $0x1F  }
0x3e: {  	v9 =	vadd.s32 v9, v10  }
0x3f: {  	v9 =	vshra.s32 v9, $0x1;
	_ =	sdelay $0x4  }
0x40: {  	v10 =	vld.idx.msk [tilespmem:v9+s10+$0x0], $0xffff;
	_ =	sdelay $0x4  }
0x41: {  	vm0 =	vlt.s32 v10, v1  }
0x42: {  	v8 =	vsel vm0, v8, v9  }
0x43: {  	v8 =	vadd.s32 $0xFFFFFFFF, v8  }
0x44: {  	vm15 =	vgt.s32 v8, $0x0  }
0x45: {  	v10 =	vnsel vm15, $0x0, v8  }
0x46: {  	v9 =	vimm.s32 $0x0;
	v8 =	vimm.s32 $0x380;
	[tilespmem:$0x10390] =	vst v10  }
0x47: {  	s0 =	simm.s32 $0x9;
	[tilespmem:$0x11C10] =	vst v10;
	v10 =	vadd.s32 v9, v8  }
.LBB2_8:
0x48: {  	p0 =	sne.s32 s0, $0x1;
	v11 =	vshrl.u32 v10, $0x1F  }
0x49: {  	v10 =	vadd.s32 v11, v10  }
0x4a: {  	v10 =	vshra.s32 v10, $0x1;
	_ =	sdelay $0x4  }
0x4b: {  	v11 =	vld.idx.msk [tilespmem:v10+s10+$0x0], $0xffff;
	_ =	sdelay $0x3  }
.Ltmp3:
0x4c: {  	(pc) =	sbr.rel @p0 .LBB2_8-.Ltmp3, $4  }
0x4d: {  	_ = 	snop  }
0x4e: {  	vm0 =	vlt.s32 v11, v2;
	v11 =	vadd.s32 $0x1, v10  }
0x4f: {  	v9 =	vsel vm0, v11, v9;
	v8 =	vsel vm0, v8, v10  }
0x50: {  	s0 =	sadd.s32 $0xFFFFFFFF, s0;
	v10 =	vadd.s32 v9, v8  }
0x51: {  	v9 =	vshrl.u32 v10, $0x1F  }
0x52: {  	v9 =	vadd.s32 v9, v10  }
0x53: {  	v9 =	vshra.s32 v9, $0x1;
	_ =	sdelay $0x4  }
0x54: {  	v10 =	vld.idx.msk [tilespmem:v9+s10+$0x0], $0xffff;
	_ =	sdelay $0x4  }
0x55: {  	vm0 =	vlt.s32 v10, v2  }
0x56: {  	v8 =	vsel vm0, v8, v9  }
0x57: {  	v8 =	vadd.s32 $0xFFFFFFFF, v8  }
0x58: {  	vm0 =	vgt.s32 v8, $0x0  }
0x59: {  	v8 =	vnsel vm0, $0x0, v8  }
0x5a: {  	s0 =	rddreg [dreg:$0x4];
	[tilespmem:$0x103A0] =	vst v8  }
0x5b: {  	s3 =	simm.s32 $0x30;
	s4 =	simm.s32 $0x10380;
	s5 =	simm.s32 $0x10400;
	[tilespmem:$0x11C20] =	vst v8  }
0x5c: {  	[tilespmem:s5], [sflag:$0x1] =	stream.indirect.gather [hbm4b:s0+s3], $0x80, s4, s3, $0xb8;
	[tilespmem:$0x14D00] =	vst v63  }
0x5d: {  	_ =	swait.ge [sflag:s16], $0x1800  }
0x5e: {  	[sflag:s16] =	ssyncset.done $0x0  }
0x5f: {  	s13 =	simm.s32 $0x10440;
	[sflag:s16] =	ssyncadd.s32 $0xFFFFE800  }
0x60: {  	v8 =	vld [tilespmem:s13+$0xFFFFFFC0]  }
0x61: {  	v9 =	vld [tilespmem:s13+$0xFFFFFFD0]  }
0x62: {  	v10 =	vld [tilespmem:s13+$0xFFFFFFE0]  }
0x63: {  	s22 =	simm.s32 $0x0;
	v11 =	vld [tilespmem:s13+$0xFFFFFFF0]  }
0x64: {  	v12 =	vmov s22;
	v13 =	vld [tilespmem:s13+$0x0]  }
0x65: {  	s14 =	sadd.s32 $0x0, s9;
	v14 =	vld [tilespmem:s13+$0x10]  }
0x66: {  	vm0 =	vlt.s32 v8, s14;
	vm1 =	vlt.s32 v9, s14;
	v8 =	vld [tilespmem:s13+$0x20]  }
0x67: {  	v9 =	vmpcnt.ones.xlane vm0;
	v15 =	vmpcnt.ones.xlane vm1;
	vm0 =	vlt.s32 v10, s14;
	v10 =	vld [tilespmem:s13+$0x30]  }
0x68: {  	v16 =	vmpcnt.ones.xlane vm0;
	vm0 =	vlt.s32 v11, s14  }
0x69: {  	s15 =	simm.s32 $0x104C0;
	v11 =	vld.idx.msk [tilespmem:v12+s17+$0x0], $0xffff;
	v9 =	vadd.s32 v9, v15;
	v12 =	vmpcnt.ones.xlane vm0;
	vm0 =	vlt.s32 v13, s14  }
0x6a: {  	v13 =	vld [tilespmem:s15+$0xFFFFFFC0];
	v9 =	vadd.s32 v16, v9;
	v15 =	vmpcnt.ones.xlane vm0;
	vm0 =	vlt.s32 v14, s14  }
0x6b: {  	v14 =	vld [tilespmem:s15+$0xFFFFFFD0];
	v9 =	vadd.s32 v12, v9;
	v12 =	vmpcnt.ones.xlane vm0;
	vm0 =	vlt.s32 v8, s14  }
0x6c: {  	v8 =	vld [tilespmem:s15+$0xFFFFFFE0];
	v9 =	vadd.s32 v15, v9;
	v15 =	vmpcnt.ones.xlane vm0;
	vm0 =	vlt.s32 v10, s14  }
0x6d: {  	v10 =	vld [tilespmem:s15+$0xFFFFFFF0];
	v9 =	vadd.s32 v12, v9;
	v12 =	vmpcnt.ones.xlane vm0  }
0x6e: {  	s20 =	simm.s32 $0x1;
	v17 =	vld [tilespmem:s15+$0x0];
	v9 =	vadd.s32 v15, v9  }
0x6f: {  	s23 =	sadd.s32 $0x1, s9;
	v58 =	vmov s20;
	v11 =	vxor.u32 $0x80000000, v11;
	v15 =	vld [tilespmem:s15+$0x10];
	v9 =	vadd.s32 v12, v9  }
0x70: {  	vm0 =	vlt.s32 v13, s23;
	(xrf0) =	vmax.scan.msk.u32 $0xffff, v11;
	vm1 =	vlt.s32 v14, s23;
	v12 =	vld [tilespmem:s15+$0x20];
	v9 =	vxor.u32 $0x80000000, v9  }
0x71: {  	s25 =	simm.s32 $0x2;
	v11 =	vmpcnt.ones.xlane vm0;
	v13 =	vmpcnt.ones.xlane vm1;
	vm0 =	vlt.s32 v8, s23;
	v8 =	vld [tilespmem:s15+$0x30];
	(xrf0) =	vmax.scan.msk.u32 $0xffff, v9  }
0x72: {  	s24 =	simm.s32 $0x10540;
	v60 =	vmov s25;
	v9 =	vmpcnt.ones.xlane vm0;
	vm0 =	vlt.s32 v10, s23  }
0x73: {  	v14 =	vld [tilespmem:s24+$0xFFFFFFC0];
	v11 =	vadd.s32 v11, v13;
	v13 =	vmpcnt.ones.xlane vm0;
	vm0 =	vlt.s32 v17, s23  }
0x74: {  	v10 =	vld.idx.msk [tilespmem:v58+s17+$0x0], $0xffff;
	v9 =	vadd.s32 v9, v11;
	v11 =	vmpcnt.ones.xlane vm0;
	vm0 =	vlt.s32 v15, s23  }
0x75: {  	v15 =	vld [tilespmem:s24+$0xFFFFFFD0];
	v9 =	vadd.s32 v13, v9;
	v13 =	vmpcnt.ones.xlane vm0;
	vm0 =	vlt.s32 v12, s23  }
0x76: {  	v12 =	vld [tilespmem:s24+$0xFFFFFFE0];
	v9 =	vadd.s32 v11, v9;
	v11 =	vmpcnt.ones.xlane vm0;
	vm0 =	vlt.s32 v8, s23;
	v8, _, _ =	vpop (xrf0)  }
0x77: {  	v59 =	vld [tilespmem:s24+$0xFFFFFFF0];
	v9 =	vadd.s32 v13, v9;
	v13 =	vmpcnt.ones.xlane vm0;
	(v2sf) =	vpush v8, $0xF;
	v8, _, _ =	vpop (xrf0)  }
0x78: {  	v18 =	vld [tilespmem:s24+$0x0];
	v9 =	vadd.s32 v11, v9;
	(v2sf) =	vpush v8, $0xF  }
0x79: {  	s26 =	sadd.s32 $0x2, s9;
	v10 =	vxor.u32 $0x80000000, v10;
	v8 =	vld [tilespmem:s24+$0x10];
	v9 =	vadd.s32 v13, v9  }
0x7a: {  	vm0 =	vlt.s32 v14, s26;
	v11 =	vld [tilespmem:s24+$0x20];
	(xrf0) =	vmax.scan.msk.u32 $0xffff, v10;
	vm1 =	vlt.s32 v15, s26;
	v9 =	vxor.u32 $0x80000000, v9  }
0x7b: {  	s29 =	simm.s32 $0x3;
	v10 =	vmpcnt.ones.xlane vm0;
	v13 =	vmpcnt.ones.xlane vm1;
	vm0 =	vlt.s32 v12, s26;
	v12 =	vld [tilespmem:s24+$0x30];
	(xrf0) =	vmax.scan.msk.u32 $0xffff, v9  }
0x7c: {  	s28 =	simm.s32 $0x105C0;
	v62 =	vmov s29;
	v14 =	vld.idx.msk [tilespmem:v60+s17+$0x0], $0xffff;
	v9 =	vmpcnt.ones.xlane vm0;
	vm0 =	vlt.s32 v59, s26  }
0x7d: {  	v15 =	vld [tilespmem:s28+$0xFFFFFFC0];
	v10 =	vadd.s32 v10, v13;
	v13 =	vmpcnt.ones.xlane vm0;
	vm0 =	vlt.s32 v18, s26  }
0x7e: {  	v9 =	vadd.s32 v9, v10;
	v10 =	vmpcnt.ones.xlane vm0;
	vm0 =	vlt.s32 v8, s26;
	v8 =	vld [tilespmem:s28+$0xFFFFFFD0]  }
0x7f: {  	v9 =	vadd.s32 v13, v9;
	v13 =	vmpcnt.ones.xlane vm0;
	vm0 =	vlt.s32 v11, s26;
	v11 =	vld [tilespmem:s28+$0xFFFFFFE0]  }
0x80: {  	v9 =	vadd.s32 v10, v9;
	v10 =	vmpcnt.ones.xlane vm0;
	vm0 =	vlt.s32 v12, s26;
	v12, _, _ =	vpop (xrf0)  }
0x81: {  	s0 =	sadd.s32 $0x3, s9;
	v61 =	vld [tilespmem:s28+$0xFFFFFFF0];
	v9 =	vadd.s32 v13, v9;
	v13 =	vmpcnt.ones.xlane vm0;
	(v2sf) =	vpush v12, $0xF;
	v12, _, _ =	vpop (xrf0)  }
0x82: {  	v63 =	vld [tilespmem:s28+$0x0];
	vm0 =	vlt.s32 v15, s0;
	v9 =	vadd.s32 v10, v9;
	(v2sf) =	vpush v12, $0xF  }
0x83: {  	v19 =	vld [tilespmem:s28+$0x10];
	v10 =	vxor.u32 $0x80000000, v14;
	v12 =	vmpcnt.ones.xlane vm0;
	v9 =	vadd.s32 v13, v9  }
0x84: {  	v15 =	vld [tilespmem:s28+$0x20];
	vm1 =	vlt.s32 v8, s0;
	(xrf0) =	vmax.scan.msk.u32 $0xffff, v10;
	vm0 =	vlt.s32 v11, s0;
	v11 =	vxor.u32 $0x80000000, v9  }
0x85: {  	v13 =	vmpcnt.ones.xlane vm1;
	v9 =	vld [tilespmem:s28+$0x30];
	(xrf0) =	vmax.scan.msk.u32 $0xffff, v11  }
0x86: {  	v14 =	vmpcnt.ones.xlane vm0;
	vm0 =	vlt.s32 v61, s0;
	s30 =	spop (v2sf)  }
0x87: {  	s3 =	simm.s32 $0x10640;
	v8 =	vld.idx.msk [tilespmem:v62+s17+$0x0], $0xffff;
	v12 =	vadd.s32 v12, v13;
	v13 =	vmpcnt.ones.xlane vm0;
	vm0 =	vlt.s32 v63, s0;
	s4 =	sshll.u32 s30, $0x7;
	s31 =	spop (v2sf)  }
0x88: {  	v10 =	vld [tilespmem:s3+$0xFFFFFFC0];
	v14 =	vadd.s32 v14, v12;
	v12 =	vmpcnt.ones.xlane vm0;
	vm0 =	vlt.s32 v19, s0;
	s4 =	sadd.s32 s31, s4  }
0x89: {  	s13 =	simm.s32 $0x4;
	s15 =	simm.s32 $0x5;
	v11 =	vld [tilespmem:s3+$0xFFFFFFD0];
	v14 =	vadd.s32 v13, v14;
	v13 =	vmpcnt.ones.xlane vm0;
	vm0 =	vlt.s32 v15, s0;
	s14 =	sadd.s32 $0x80000000, s4  }
.LBB2_10:
0x8a: {  	p0 =	sne.s32 s15, $0x20;
	v15 =	vld [tilespmem:s3+$0xFFFFFFE0];
	v12 =	vadd.s32 v12, v14;
	v14 =	vmpcnt.ones.xlane vm0;
	vm0 =	vlt.s32 v9, s0;
	v9, _, _ =	vpop (xrf0);
	[smem:s22] =	sst s14  }
0x8b: {  	v16 =	vld [tilespmem:s3+$0xFFFFFFF0];
	v12 =	vadd.s32 v13, v12;
	v13 =	vmpcnt.ones.xlane vm0;
	(v2sf) =	vpush v9, $0xF;
	v9, _, _ =	vpop (xrf0)  }
0x8c: {  	v17 =	vmov s13;
	v18 =	vld [tilespmem:s3+$0x0];
	v12 =	vadd.s32 v14, v12;
	(v2sf) =	vpush v9, $0xF  }
0x8d: {  	s0 =	sadd.s32 s13, s9;
	s13 =	smov.u32 s15;
	v8 =	vxor.u32 $0x80000000, v8;
	v14 =	vld [tilespmem:s3+$0x10];
	v9 =	vadd.s32 v13, v12  }
0x8e: {  	vm0 =	vlt.s32 v10, s0;
	vm1 =	vlt.s32 v11, s0;
	v19 =	vld [tilespmem:s3+$0x20];
	v10 =	vxor.u32 $0x80000000, v9;
	(xrf0) =	vmax.scan.msk.u32 $0xffff, v8  }
.Ltmp4:
0x8f: {  	v11 =	vmpcnt.ones.xlane vm0;
	v12 =	vmpcnt.ones.xlane vm1;
	vm0 =	vlt.s32 v15, s0;
	v9 =	vld [tilespmem:s3+$0x30];
	(xrf0) =	vmax.scan.msk.u32 $0xffff, v10;
	(pc) =	sbr.rel @p0 .LBB2_10-.Ltmp4, $4  }
0x90: {  	v13 =	vmpcnt.ones.xlane vm0;
	vm0 =	vlt.s32 v16, s0;
	s4 =	spop (v2sf)  }
0x91: {  	s3 =	sadd.s32 $0x80, s3;
	v8 =	vld.idx.msk [tilespmem:v17+s17+$0x0], $0xffff;
	v11 =	vadd.s32 v11, v12;
	v15 =	vmpcnt.ones.xlane vm0;
	vm0 =	vlt.s32 v18, s0;
	s4 =	sshll.u32 s4, $0x7;
	s5 =	spop (v2sf)  }
0x92: {  	v10 =	vld [tilespmem:s3+$0xFFFFFFC0];
	v13 =	vadd.s32 v13, v11;
	v12 =	vmpcnt.ones.xlane vm0;
	vm0 =	vlt.s32 v14, s0;
	s4 =	sadd.s32 s5, s4  }
0x93: {  	s15 =	sadd.s32 $0x1, s15;
	s22 =	sadd.s32 $0x1, s22;
	v11 =	vld [tilespmem:s3+$0xFFFFFFD0];
	v14 =	vadd.s32 v15, v13;
	v13 =	vmpcnt.ones.xlane vm0;
	vm0 =	vlt.s32 v19, s0;
	s14 =	sadd.s32 $0x80000000, s4  }
0x94: {  	v15 =	vld [tilespmem:s3+$0xFFFFFFE0]  }
0x95: {  	v16 =	vld [tilespmem:s3+$0xFFFFFFF0]  }
0x96: {  	v12 =	vadd.s32 v12, v14;
	v50 =	vmpcnt.ones.xlane vm0;
	v51 =	vld [tilespmem:s3+$0x0];
	vm9 =	vlt.s32 v9, s0  }
0x97: {  	s4 =	sadd.s32 s13, s9;
	v52 =	vmov s13;
	v53 =	vld [tilespmem:s3+$0x10];
	v12 =	vadd.s32 v13, v12;
	v57 =	vmpcnt.ones.xlane vm9  }
0x98: {  	v54 =	vld [tilespmem:s3+$0x20];
	v12 =	vadd.s32 v50, v12;
	vm8 =	vlt.s32 v10, s4;
	vm1 =	vlt.s32 v11, s4  }
0x99: {  	v56 =	vld [tilespmem:s3+$0x30];
	v17 =	vmpcnt.ones.xlane vm8;
	v18 =	vmpcnt.ones.xlane vm1;
	vm10 =	vlt.s32 v15, s4  }
0x9a: {  	v8 =	vxor.u32 $0x80000000, v8;
	vm11 =	vlt.s32 v16, s4;
	v58 =	vmpcnt.ones.xlane vm10  }
0x9b: {  	vm12 =	vlt.s32 v51, s4;
	v16 =	vmpcnt.ones.xlane vm11;
	v55 =	vadd.s32 v17, v18  }
0x9c: {  	v10 =	vld.idx.msk [tilespmem:v52+s17+$0x0], $0xffff;
	vm13 =	vlt.s32 v53, s4;
	v13 =	vmpcnt.ones.xlane vm12;
	v9 =	vadd.s32 v58, v55  }
0x9d: {  	vm14 =	vlt.s32 v54, s4;
	v11 =	vmpcnt.ones.xlane vm13;
	v9 =	vadd.s32 v16, v9  }
0x9e: {  	vm15 =	vlt.s32 v56, s4;
	v59 =	vmpcnt.ones.xlane vm14;
	v9 =	vadd.s32 v13, v9  }
0x9f: {  	v12 =	vadd.s32 v57, v12;
	v60 =	vmpcnt.ones.xlane vm15;
	v9 =	vadd.s32 v11, v9  }
0xa0: {  	(xrf0) =	vmax.scan.msk.u32 $0xffff, v8;
	v12 =	vxor.u32 $0x80000000, v12;
	v8 =	vadd.s32 v59, v9  }
0xa1: {  	(xrf0) =	vmax.scan.msk.u32 $0xffff, v12;
	v61 =	vxor.u32 $0x80000000, v10;
	v8 =	vadd.s32 v60, v8  }
0xa2: {  	(xrf0) =	vmax.scan.msk.u32 $0xffff, v61;
	v8 =	vxor.u32 $0x80000000, v8  }
0xa3: {  	v62, _, _ =	vpop (xrf0);
	(xrf0) =	vmax.scan.msk.u32 $0xffff, v8;
	_ =	sdelay $0x1  }
0xa4: {  	(v2sf) =	vpush v62, $0xF;
	v8, _, _ =	vpop (xrf0)  }
0xa5: {  	(v2sf) =	vpush v8, $0xF;
	v8, _, _ =	vpop (xrf0)  }
0xa6: {  	v63, _, _ =	vpop (xrf0);
	(v2sf) =	vpush v8, $0xF  }
0xa7: {  	(v2sf) =	vpush v63, $0xF;
	v8, _, _ =	vpop (xrf0)  }
0xa8: {  	(v2sf) =	vpush v8, $0xF;
	v8, _, _ =	vpop (xrf0)  }
0xa9: {  	(v2sf) =	vpush v8, $0xF;
	_ =	sdelay $0x7  }
0xaa: {  	s29 =	spop (v2sf)  }
0xab: {  	[smem:s22] =	sst s14;
	s6 =	sadd.s32 $0x1, s22;
	s30 =	spop (v2sf)  }
0xac: {  	s3 =	sadd.s32 $0x1, s6;
	s0 =	sshll.u32 s29, $0x7;
	s31 =	spop (v2sf)  }
0xad: {  	s0 =	sadd.s32 s30, s0;
	s4 =	sshll.u32 s31, $0x7;
	s5 =	spop (v2sf)  }
0xae: {  	s0 =	sadd.s32 $0x80000000, s0;
	s13 =	sadd.s32 s5, s4;
	s14 =	spop (v2sf)  }
0xaf: {  	[smem:s6] =	sst s0;
	s0 =	sadd.s32 $0x80000000, s13;
	s15 =	spop (v2sf)  }
0xb0: {  	s20 =	sshll.u32 s14, $0x7;
	[smem:s3] =	sst s0;
	s22 =	spop (v2sf)  }
0xb1: {  	s0 =	sadd.s32 s15, s20;
	s4 =	sshll.u32 s22, $0x7;
	s23 =	spop (v2sf)  }
0xb2: {  	s3 =	sadd.s32 $0x1, s3;
	s0 =	sadd.s32 $0x80000000, s0;
	s4 =	sadd.s32 s23, s4  }
0xb3: {  	[smem:s3] =	sst s0;
	s3 =	sadd.s32 $0x1, s3;
	s24 =	sadd.s32 $0x80000000, s4  }
0xb4: {  	[smem:s3] =	sst s24  }
0xb5: {  	s6 =	sld [smem:$0x0]  }
0xb6: {  	s3 =	sld [smem:$0x20];
	_ =	sdelay $0x2  }
0xb7: {  	s25 =	ssub.s32 s3, s6  }
0xb8: {  	s0 =	sadd.s32 $0xFF, s25  }
0xb9: {  	s26 =	sand.u32 $0xFF, s0  }
0xba: {  	s28 =	sshra.s32 s0, $0x1F;
	p0 =	slt.s32 s0, $0x1;
	p1 =	sne.s32 s26, $0x0  }
0xbb: {  	s29 =	sshrl.u32 s28, $0x18;
	p0 =	por !p0, !p1  }
0xbc: {  	s4 =	simm.s32 $0x1;
	s0 =	sadd.s32 s29, s0;
	p0 =	por !p0, !p0  }
0xbd: {  	s0 =	sshra.s32 s0, $0x8;
	s4 =	simm.s32 @!p0 $0x0  }
0xbe: {  	s0 =	ssub.s32 s0, s4  }
0xbf: {  	s5 =	smov.u32 s6;
	p0 =	slt.s32 s0, $0x1  }
0xc0: {  	s4 =	sadd.s32 $0x1, s0;
	p6 =	slt.s32 s0, $0x0;
	p2 =	slt.s32 @!p0 s6, $0x185A0  }
0xc1: {  	s30 =	sand.u32 $0x1, s4;
	s13 =	sadd.s32 @!p0 $0x100, s6;
	p2 =	por !p2, p0  }
0xc2: {  	s31 =	sshrl.u32 s4, $0x1F;
	p3 =	seq.s32 s30, $0x1;
	s5 =	simm.s32 @p2 $0x185A0  }
0xc3: {  	s4 =	sadd.s32 s31, s4;
	p2 =	slt.s32 @!p0 s13, $0x185A0;
	s0 =	sshll.u32 @!p0 s5, $0x4  }
0xc4: {  	p1 =	por !p6, !p3;
	p2 =	por !p2, p0;
	s0 =	sand.u32 @!p0 $0x1FFFFFF0, s0  }
0xc5: {  	s5 =	simm.s32 @!p0 $0x0;
	s13 =	simm.s32 @p2 $0x185A0;
	s0 =	sadd.s32 @!p0 s1, s0  }
0xc6: {  	[tilespmem:s5], [sflag:$0x2] =	stream.linear.gather @!p0 [hbm4b:s0+s5], $0x8000, $0x38;
	[tilespmem:$0x14D00] =	vst v63  }
0xc7: {  	p1 =	por !p1, !p1;
	s13 =	sshll.u32 @!p0 s13, $0x4;
	s0 =	simm.s32 $0x1  }
0xc8: {  	s4 =	sshra.s32 s4, $0x1;
	s13 =	sand.u32 @!p0 $0x1FFFFFF0, s13;
	s0 =	simm.s32 @!p1 $0x0  }
0xc9: {  	s24 =	ssub.s32 s4, s0;
	s0 =	sadd.s32 @!p0 s1, s13;
	s4 =	simm.s32 @!p0 $0x8000  }
0xca: {  	[tilespmem:s4], [sflag:$0x3] =	stream.linear.gather @!p0 [hbm4b:s0+s5], $0x8000, $0x38;
	[tilespmem:$0x14D00] =	vst v63  }
0xcb: {  	p0 =	slt.s32 s24, $0x1  }
.Ltmp5:
0xcc: {  	_ = 	snop;
	(pc) =	sbr.rel @p0 .LBB2_32-.Ltmp5, $1  }
0xcd: {  	_ =	sdelay $0x3  }
.Ltmp6:
0xce: {  	(pc) =	sbr.rel .LBB2_13-.Ltmp6, $3  }
0xcf: {  	_ =	sdelay $0x1  }
0xd0: {  	s25 =	sshll.u32 s24, $0x1;
	s26 =	sadd.s32 $0x100, s6  }
0xd1: {  	s30 =	simm.s32 $0x0;
	s22 =	smov.u32 s6;
	s29 =	simm.s32 $0x0  }
.LBB2_30:
0xd2: {  	s5 =	smov.u32 @p0 s5  }
0xd3: {  	s0 =	smov.u32 s5  }
.LBB2_31:
0xd4: {  	s4 =	sadd.s32 $0x3, s31  }
0xd5: {  	p0 =	sge.s32 s4, s25  }
0xd6: {  	s4 =	sshll.u32 @!p0 s4, $0x8  }
0xd7: {  	s4 =	sadd.s32 @!p0 s6, s4  }
0xd8: {  	p1 =	slt.s32 @!p0 s4, $0x185A0  }
0xd9: {  	p1 =	por !p1, p0  }
0xda: {  	s4 =	simm.s32 @p1 $0x185A0  }
0xdb: {  	s4 =	sshll.u32 @!p0 s4, $0x4  }
0xdc: {  	s29 =	sadd.s32 $0x1, s29;
	s4 =	sand.u32 @!p0 $0x1FFFFFF0, s4  }
0xdd: {  	s5 =	simm.s32 @!p0 $0x0;
	s13 =	simm.s32 @!p0 $0x8000;
	s4 =	sadd.s32 @!p0 s1, s4  }
0xde: {  	[tilespmem:s13], [sflag:$0x3] =	stream.linear.gather @!p0 [hbm4b:s4+s5], $0x8000, $0x38;
	[tilespmem:$0x14D00] =	vst v63  }
0xdf: {  	p0 =	sne.s32 s29, s24  }
.Ltmp7:
0xe0: {  	_ = 	snop;
	(pc) =	sbr.rel @!p0 .LBB2_32-.Ltmp7, $3  }
0xe1: {  	_ =	sdelay $0x1  }
0xe2: {  	s0 =	smax.u32 s0, $0x1  }
0xe3: {  	s22 =	sadd.s32 $0x200, s22;
	s26 =	sadd.s32 $0x200, s26;
	s30 =	sadd.s32 $0xFFFFFFFF, s0  }
.LBB2_13:
0xe4: {  	_ =	swait.ge [sflag:s18], $0x8000  }
0xe5: {  	s0 =	sshll.u32 s29, $0x9;
	[sflag:s18] =	ssyncset.done $0x0  }
0xe6: {  	s20 =	sadd.s32 s6, s0;
	[sflag:s18] =	ssyncadd.s32 $0xFFFF8000  }
0xe7: {  	s5 =	sadd.s32 $0x100, s20;
	s4 =	sld [smem:s30+$0x0]  }
0xe8: {  	s23 =	smov.u32 s3;
	p0 =	slt.s32 s5, s3  }
0xe9: {  	s23 =	smov.u32 @p0 s5;
	p0 =	sgt.u32 s30, $0x1F  }
0xea: {  	p1 =	sge.s32 @!p0 s4, s23  }
0xeb: {  	p1 =	por p0, p1  }
.Ltmp8:
0xec: {  	_ = 	snop;
	(pc) =	sbr.rel @p1 .LBB2_14-.Ltmp8, $1  }
0xed: {  	_ =	sdelay $0x3  }
0xee: {  	p0 =	slt.s32 s22, $0x185A0;
	s5 =	smov.u32 s22  }
.Ltmp9:
0xef: {  	s5 =	simm.s32 @!p0 $0x185A0;
	(pc) =	sbr.rel .LBB2_16-.Ltmp9, $4  }
0xf0: {  	s5 =	sshll.u32 s5, $0x9  }
0xf1: {  	s5 =	ssub.s32 $0x0, s5  }
0xf2: {  	s5 =	sshra.s32 s5, $0x2  }
0xf3: {  	s13 =	sadd.s32 $0x40, s5  }
.LBB2_19:
0xf4: {  	v12 =	vadd.f32 v24, v12  }
0xf5: {  	v18 =	vmax.f32 v18, v24;
	v11 =	vadd.f32 v25, v11;
	v19 =	vmax.f32 v19, v25  }
0xf6: {  	v10 =	vadd.f32 v26, v10;
	v20 =	vmax.f32 v20, v26;
	v9 =	vadd.f32 v27, v9  }
0xf7: {  	v16 =	vmax.f32 v16, v27;
	v17 =	vadd.f32 v28, v17;
	v23 =	vmax.f32 v23, v28  }
.LBB2_20:
0xf8: {  	[tilespmem:s14+$0x12D00] =	vst v23  }
0xf9: {  	s4 =	sor.u32 $0x10, s14;
	[tilespmem:s14+$0x11D00] =	vst v17  }
0xfa: {  	[tilespmem:s4+$0x11D00] =	vst v15  }
0xfb: {  	s5 =	sor.u32 $0x20, s14;
	[tilespmem:s4+$0x12D00] =	vst v22  }
0xfc: {  	[tilespmem:s5+$0x11D00] =	vst v13  }
0xfd: {  	s31 =	sor.u32 $0x30, s14;
	[tilespmem:s5+$0x12D00] =	vst v21  }
0xfe: {  	[tilespmem:s31+$0x11D00] =	vst v12  }
0xff: {  	s28 =	sor.u32 $0x40, s14;
	[tilespmem:s31+$0x12D00] =	vst v18  }
0x100: {  	p0 =	sgt.u32 s30, $0x1E;
	[tilespmem:s28+$0x11D00] =	vst v11  }
0x101: {  	p1 =	slt.s32 @!p0 s15, s23;
	s31 =	sor.u32 $0x50, s14;
	[tilespmem:s28+$0x12D00] =	vst v19  }
0x102: {  	p1 =	por p0, !p1;
	[tilespmem:s31+$0x11D00] =	vst v10  }
.Ltmp10:
0x103: {  	s28 =	sor.u32 $0x60, s14;
	[tilespmem:s31+$0x12D00] =	vst v20;
	(pc) =	sbr.rel @p1 .LBB2_21-.Ltmp10, $4  }
0x104: {  	[tilespmem:s28+$0x11D00] =	vst v9  }
0x105: {  	s31 =	sor.u32 $0x70, s14;
	[tilespmem:s28+$0x12D00] =	vst v16  }
0x106: {  	s5 =	sadd.s32 $0x1, s30;
	[tilespmem:s31+$0x11D00] =	vst v8  }
0x107: {  	s4 =	smov.u32 s15;
	s30 =	smov.u32 s5;
	[tilespmem:s31+$0x12D00] =	vst v14  }
.LBB2_16:
0x108: {  	s14 =	sshll.u32 s30, $0x7  }
0x109: {  	v17 =	vld [tilespmem:s14+$0x11D00]  }
0x10a: {  	v15 =	vld [tilespmem:s14+$0x11D10]  }
0x10b: {  	v13 =	vld [tilespmem:s14+$0x11D20]  }
0x10c: {  	v12 =	vld [tilespmem:s14+$0x11D30]  }
0x10d: {  	v11 =	vld [tilespmem:s14+$0x11D40]  }
0x10e: {  	s15 =	sld [smem:s30+$0x1];
	v10 =	vld [tilespmem:s14+$0x11D50]  }
0x10f: {  	v9 =	vld [tilespmem:s14+$0x11D60]  }
0x110: {  	p0 =	sgt.s32 s4, s20;
	v8 =	vld [tilespmem:s14+$0x11D70]  }
0x111: {  	s31 =	smov.u32 s20;
	s5 =	smov.u32 s23;
	v23 =	vld [tilespmem:s14+$0x12D00];
	p1 =	slt.s32 s15, s23  }
0x112: {  	v22 =	vld [tilespmem:s14+$0x12D10];
	s31 =	smov.u32 @p0 s4;
	s5 =	smov.u32 @p1 s15  }
0x113: {  	v21 =	vld [tilespmem:s14+$0x12D20];
	p0 =	sle.s32 s5, s31  }
.Ltmp11:
0x114: {  	v18 =	vld [tilespmem:s14+$0x12D30];
	(pc) =	sbr.rel @p0 .LBB2_20-.Ltmp11, $4  }
0x115: {  	v19 =	vld [tilespmem:s14+$0x12D40]  }
0x116: {  	v20 =	vld [tilespmem:s14+$0x12D50]  }
0x117: {  	v16 =	vld [tilespmem:s14+$0x12D60]  }
0x118: {  	v14 =	vld [tilespmem:s14+$0x12D70]  }
0x119: {  	p0 =	sgt.s32 s4, s22;
	s28 =	smov.u32 s22  }
0x11a: {  	s28 =	smov.u32 @p0 s4  }
0x11b: {  	s4 =	sshll.u32 s28, $0x9  }
0x11c: {  	s4 =	sshra.s32 s4, $0x2  }
0x11d: {  	s28 =	sadd.s32 s4, s13  }
0x11e: {  	v27 =	vld [tilespmem:s28+$0x30]  }
0x11f: {  	p0 =	sgt.s32 s5, s31;
	v28 =	vld [tilespmem:s28+$0xFFFFFFD0]  }
0x120: {  	s4 =	sadd.s32 $0x1, s31;
	s31 =	smov.u32 @p0 s5;
	v29 =	vld [tilespmem:s28+$0xFFFFFFE0]  }
0x121: {  	v24 =	vld [tilespmem:s28+$0xFFFFFFF0];
	p0 =	slt.s32 s4, s31  }
.Ltmp12:
0x122: {  	v25 =	vld [tilespmem:s28+$0x0];
	(pc) =	sbr.rel @!p0 .LBB2_19-.Ltmp12, $4  }
0x123: {  	v26 =	vld [tilespmem:s28+$0x10]  }
0x124: {  	v8 =	vadd.f32 v27, v8;
	v14 =	vmax.f32 v14, v27;
	v27 =	vld [tilespmem:s28+$0x20]  }
0x125: {  	v15 =	vadd.f32 v28, v15;
	v22 =	vmax.f32 v22, v28;
	v28 =	vld [tilespmem:s28+$0xFFFFFFC0]  }
0x126: {  	s5 =	sadd.s32 $0x80, s28;
	v13 =	vadd.f32 v29, v13;
	v21 =	vmax.f32 v21, v29  }
.LBB2_18:
0x127: {  	v29 =	vld [tilespmem:s5+$0x30];
	s4 =	sadd.s32 $0x1, s4;
	v12 =	vadd.f32 v24, v12;
	v18 =	vmax.f32 v18, v24  }
0x128: {  	v11 =	vadd.f32 v25, v11;
	v19 =	vmax.f32 v19, v25;
	v30 =	vld [tilespmem:s5+$0xFFFFFFD0];
	p0 =	slt.s32 s4, s31  }
0x129: {  	v10 =	vadd.f32 v26, v10;
	v20 =	vmax.f32 v20, v26;
	v31 =	vld [tilespmem:s5+$0xFFFFFFE0]  }
.Ltmp13:
0x12a: {  	v9 =	vadd.f32 v27, v9;
	v16 =	vmax.f32 v16, v27;
	v24 =	vld [tilespmem:s5+$0xFFFFFFF0];
	(pc) =	sbr.rel @p0 .LBB2_18-.Ltmp13, $4  }
0x12b: {  	v17 =	vadd.f32 v28, v17;
	v23 =	vmax.f32 v23, v28;
	v25 =	vld [tilespmem:s5+$0x0]  }
0x12c: {  	v26 =	vld [tilespmem:s5+$0x10];
	v8 =	vadd.f32 v29, v8;
	v14 =	vmax.f32 v14, v29  }
0x12d: {  	v27 =	vld [tilespmem:s5+$0x20];
	v15 =	vadd.f32 v30, v15;
	v22 =	vmax.f32 v22, v30  }
0x12e: {  	v28 =	vld [tilespmem:s5+$0xFFFFFFC0];
	v13 =	vadd.f32 v31, v13;
	v21 =	vmax.f32 v21, v31;
	s5 =	sadd.s32 $0x80, s5  }
.Ltmp14:
0x12f: {  	_ = 	snop;
	(pc) =	sbr.rel .LBB2_19-.Ltmp14, $1  }
0x130: {  	_ =	sdelay $0x3  }
.LBB2_21:
.Ltmp15:
0x131: {  	(pc) =	sbr.rel .LBB2_22-.Ltmp15, $3  }
0x132: {  	_ =	sdelay $0x1  }
0x133: {  	s5 =	smov.u32 @p0 s5  }
0x134: {  	s30 =	smov.u32 s5  }
.LBB2_14:
0x135: {  	s30 =	smov.u32 @p0 s30  }
.LBB2_22:
0x136: {  	s31 =	sshll.u32 s29, $0x1  }
0x137: {  	s4 =	sadd.s32 $0x2, s31  }
0x138: {  	p0 =	sge.s32 s4, s25  }
0x139: {  	s4 =	sshll.u32 @!p0 s4, $0x8  }
0x13a: {  	s4 =	sadd.s32 @!p0 s6, s4  }
0x13b: {  	p1 =	slt.s32 @!p0 s4, $0x185A0  }
0x13c: {  	p1 =	por !p1, p0  }
0x13d: {  	s4 =	simm.s32 @p1 $0x185A0  }
0x13e: {  	s4 =	sshll.u32 @!p0 s4, $0x4  }
0x13f: {  	s4 =	sand.u32 @!p0 $0x1FFFFFF0, s4  }
0x140: {  	s5 =	simm.s32 @!p0 $0x0;
	s4 =	sadd.s32 @!p0 s1, s4  }
0x141: {  	[tilespmem:s5], [sflag:$0x2] =	stream.linear.gather @!p0 [hbm4b:s4+s5], $0x8000, $0x38;
	[tilespmem:$0x14D00] =	vst v63  }
0x142: {  	_ =	swait.ge [sflag:s19], $0x8000  }
0x143: {  	s13 =	smov.u32 s30;
	p0 =	sgt.s32 s30, $0x1;
	[sflag:s19] =	ssyncset.done $0x0  }
0x144: {  	s5 =	sadd.s32 s0, s6;
	s13 =	simm.s32 @!p0 $0x1;
	[sflag:s19] =	ssyncadd.s32 $0xFFFF8000  }
0x145: {  	s0 =	sadd.s32 $0x200, s5;
	s4 =	sld [smem:s13+$0xFFFFFFFF]  }
0x146: {  	s23 =	smov.u32 s3;
	p0 =	slt.s32 s0, s3  }
0x147: {  	s23 =	smov.u32 @p0 s0;
	p0 =	sgt.s32 s30, $0x20  }
0x148: {  	p1 =	sge.s32 @!p0 s4, s23  }
0x149: {  	p1 =	por p0, p1  }
.Ltmp16:
0x14a: {  	_ = 	snop;
	(pc) =	sbr.rel @p1 .LBB2_23-.Ltmp16, $2  }
0x14b: {  	_ =	sdelay $0x2  }
0x14c: {  	s0 =	sadd.s32 $0xFFFFFFFF, s13  }
0x14d: {  	p0 =	slt.s32 s26, $0x185A0;
	s13 =	smov.u32 s26  }
.Ltmp17:
0x14e: {  	s13 =	simm.s32 @!p0 $0x185A0;
	(pc) =	sbr.rel .LBB2_25-.Ltmp17, $4  }
0x14f: {  	s13 =	sshll.u32 s13, $0x9  }
0x150: {  	s13 =	ssub.s32 $0x0, s13  }
0x151: {  	s13 =	sshra.s32 s13, $0x2  }
0x152: {  	s30 =	sadd.s32 $0x100, s5;
	s13 =	sadd.s32 $0x8040, s13  }
.LBB2_28:
0x153: {  	v12 =	vadd.f32 v24, v12  }
0x154: {  	v18 =	vmax.f32 v18, v24;
	v11 =	vadd.f32 v25, v11;
	v19 =	vmax.f32 v19, v25  }
0x155: {  	v10 =	vadd.f32 v26, v10;
	v20 =	vmax.f32 v20, v26;
	v9 =	vadd.f32 v27, v9  }
0x156: {  	v16 =	vmax.f32 v16, v27;
	v17 =	vadd.f32 v28, v17;
	v23 =	vmax.f32 v23, v28  }
.LBB2_29:
0x157: {  	[tilespmem:s14+$0x12D00] =	vst v23  }
0x158: {  	s4 =	sor.u32 $0x10, s14;
	[tilespmem:s14+$0x11D00] =	vst v17  }
0x159: {  	[tilespmem:s4+$0x11D00] =	vst v15  }
0x15a: {  	s5 =	sor.u32 $0x20, s14;
	[tilespmem:s4+$0x12D00] =	vst v22  }
0x15b: {  	[tilespmem:s5+$0x11D00] =	vst v13  }
0x15c: {  	s28 =	sor.u32 $0x30, s14;
	[tilespmem:s5+$0x12D00] =	vst v21  }
0x15d: {  	[tilespmem:s28+$0x11D00] =	vst v12  }
0x15e: {  	s20 =	sor.u32 $0x40, s14;
	[tilespmem:s28+$0x12D00] =	vst v18  }
0x15f: {  	p0 =	sgt.u32 s0, $0x1E;
	[tilespmem:s20+$0x11D00] =	vst v11  }
0x160: {  	p1 =	slt.s32 @!p0 s15, s23;
	s28 =	sor.u32 $0x50, s14;
	[tilespmem:s20+$0x12D00] =	vst v19  }
0x161: {  	p1 =	por p0, !p1;
	[tilespmem:s28+$0x11D00] =	vst v10  }
.Ltmp18:
0x162: {  	s20 =	sor.u32 $0x60, s14;
	[tilespmem:s28+$0x12D00] =	vst v20;
	(pc) =	sbr.rel @p1 .LBB2_30-.Ltmp18, $4  }
0x163: {  	[tilespmem:s20+$0x11D00] =	vst v9  }
0x164: {  	s28 =	sor.u32 $0x70, s14;
	[tilespmem:s20+$0x12D00] =	vst v16  }
0x165: {  	s5 =	sadd.s32 $0x1, s0;
	[tilespmem:s28+$0x11D00] =	vst v8  }
0x166: {  	s4 =	smov.u32 s15;
	s0 =	smov.u32 s5;
	[tilespmem:s28+$0x12D00] =	vst v14  }
.LBB2_25:
0x167: {  	s14 =	sshll.u32 s0, $0x7  }
0x168: {  	v17 =	vld [tilespmem:s14+$0x11D00]  }
0x169: {  	v15 =	vld [tilespmem:s14+$0x11D10]  }
0x16a: {  	v13 =	vld [tilespmem:s14+$0x11D20]  }
0x16b: {  	v12 =	vld [tilespmem:s14+$0x11D30]  }
0x16c: {  	v11 =	vld [tilespmem:s14+$0x11D40]  }
0x16d: {  	s15 =	sld [smem:s0+$0x1];
	v10 =	vld [tilespmem:s14+$0x11D50]  }
0x16e: {  	v9 =	vld [tilespmem:s14+$0x11D60]  }
0x16f: {  	p0 =	sgt.s32 s4, s30;
	v8 =	vld [tilespmem:s14+$0x11D70]  }
0x170: {  	s20 =	smov.u32 s30;
	s5 =	smov.u32 s23;
	v23 =	vld [tilespmem:s14+$0x12D00];
	p1 =	slt.s32 s15, s23  }
0x171: {  	v22 =	vld [tilespmem:s14+$0x12D10];
	s20 =	smov.u32 @p0 s4;
	s5 =	smov.u32 @p1 s15  }
0x172: {  	v21 =	vld [tilespmem:s14+$0x12D20];
	p0 =	sle.s32 s5, s20  }
.Ltmp19:
0x173: {  	v18 =	vld [tilespmem:s14+$0x12D30];
	(pc) =	sbr.rel @p0 .LBB2_29-.Ltmp19, $4  }
0x174: {  	v19 =	vld [tilespmem:s14+$0x12D40]  }
0x175: {  	v20 =	vld [tilespmem:s14+$0x12D50]  }
0x176: {  	v16 =	vld [tilespmem:s14+$0x12D60]  }
0x177: {  	v14 =	vld [tilespmem:s14+$0x12D70]  }
0x178: {  	p0 =	sgt.s32 s4, s26;
	s28 =	smov.u32 s26  }
0x179: {  	s28 =	smov.u32 @p0 s4  }
0x17a: {  	s4 =	sshll.u32 s28, $0x9  }
0x17b: {  	s4 =	sshra.s32 s4, $0x2  }
0x17c: {  	s28 =	sadd.s32 s4, s13  }
0x17d: {  	v27 =	vld [tilespmem:s28+$0x30]  }
0x17e: {  	p0 =	sgt.s32 s5, s20;
	v28 =	vld [tilespmem:s28+$0xFFFFFFD0]  }
0x17f: {  	s4 =	sadd.s32 $0x1, s20;
	s20 =	smov.u32 @p0 s5;
	v29 =	vld [tilespmem:s28+$0xFFFFFFE0]  }
0x180: {  	v24 =	vld [tilespmem:s28+$0xFFFFFFF0];
	p0 =	slt.s32 s4, s20  }
.Ltmp20:
0x181: {  	v25 =	vld [tilespmem:s28+$0x0];
	(pc) =	sbr.rel @!p0 .LBB2_28-.Ltmp20, $4  }
0x182: {  	v26 =	vld [tilespmem:s28+$0x10]  }
0x183: {  	v8 =	vadd.f32 v27, v8;
	v14 =	vmax.f32 v14, v27;
	v27 =	vld [tilespmem:s28+$0x20]  }
0x184: {  	v15 =	vadd.f32 v28, v15;
	v22 =	vmax.f32 v22, v28;
	v28 =	vld [tilespmem:s28+$0xFFFFFFC0]  }
0x185: {  	s5 =	sadd.s32 $0x80, s28;
	v13 =	vadd.f32 v29, v13;
	v21 =	vmax.f32 v21, v29  }
.LBB2_27:
0x186: {  	v29 =	vld [tilespmem:s5+$0x30];
	s4 =	sadd.s32 $0x1, s4;
	v12 =	vadd.f32 v24, v12;
	v18 =	vmax.f32 v18, v24  }
0x187: {  	v11 =	vadd.f32 v25, v11;
	v19 =	vmax.f32 v19, v25;
	v30 =	vld [tilespmem:s5+$0xFFFFFFD0];
	p0 =	slt.s32 s4, s20  }
0x188: {  	v10 =	vadd.f32 v26, v10;
	v20 =	vmax.f32 v20, v26;
	v31 =	vld [tilespmem:s5+$0xFFFFFFE0]  }
.Ltmp21:
0x189: {  	v9 =	vadd.f32 v27, v9;
	v16 =	vmax.f32 v16, v27;
	v24 =	vld [tilespmem:s5+$0xFFFFFFF0];
	(pc) =	sbr.rel @p0 .LBB2_27-.Ltmp21, $4  }
0x18a: {  	v17 =	vadd.f32 v28, v17;
	v23 =	vmax.f32 v23, v28;
	v25 =	vld [tilespmem:s5+$0x0]  }
0x18b: {  	v26 =	vld [tilespmem:s5+$0x10];
	v8 =	vadd.f32 v29, v8;
	v14 =	vmax.f32 v14, v29  }
0x18c: {  	v27 =	vld [tilespmem:s5+$0x20];
	v15 =	vadd.f32 v30, v15;
	v22 =	vmax.f32 v22, v30  }
0x18d: {  	v28 =	vld [tilespmem:s5+$0xFFFFFFC0];
	v13 =	vadd.f32 v31, v13;
	v21 =	vmax.f32 v21, v31;
	s5 =	sadd.s32 $0x80, s5  }
.Ltmp22:
0x18e: {  	_ = 	snop;
	(pc) =	sbr.rel .LBB2_28-.Ltmp22, $1  }
0x18f: {  	_ =	sdelay $0x3  }
.LBB2_23:
.Ltmp23:
0x190: {  	(pc) =	sbr.rel .LBB2_31-.Ltmp23, $2  }
0x191: {  	_ =	sdelay $0x2  }
0x192: {  	s0 =	smov.u32 @p0 s0  }
.LBB2_32:
0x193: {  	_ =	sdelay $0x3  }
0x194: {  	v10 =	vld.idx.msk [tilespmem:v5+s12+$0x0], $0xffff  }
0x195: {  	v9 =	vld.idx.msk [tilespmem:v6+s12+$0x0], $0xffff  }
0x196: {  	v8 =	vld.idx.msk [tilespmem:v7+s12+$0x0], $0xffff;
	s0 =	sld [smem:$0x1]  }
0x197: {  	s3 =	sld [smem:$0x0];
	_ =	sdelay $0x2  }
0x198: {  	s0 =	ssub.s32 s0, s3  }
0x199: {  	s0 =	scvt.s32.f32 s0;
	_ =	sdelay $0x1  }
0x19a: {  	v11 =	vmov s0  }
0x19b: {  	v12 =	vmax.f32 v11, $1.000000000e+00  }
0x19c: {  	(erf) = vrcp.f32 v12;
	_ =	sdelay $0x4  }
0x19d: {  	s23 =	simm.s32 $0x0  }
0x19e: {  	v13 =	vld [tilespmem:s23+$0x11D70]  }
0x19f: {  	v14 =	vld [tilespmem:s23+$0x12D00]  }
0x1a0: {  	v12 =	vld [tilespmem:s23+$0x12D70]  }
0x1a1: {  	s30 =	sld [smem:$0x2];
	v15 =	vld [tilespmem:s23+$0x12D10];
	v16 =	vpop (erf)  }
0x1a2: {  	s31 =	sld [smem:$0x1];
	v17 =	vld [tilespmem:s23+$0x12D20]  }
0x1a3: {  	vm0 =	vgt.f32 v11, $0.0e+00;
	v11 =	vmul.f32 v16, v10;
	v16 =	vld [tilespmem:s23+$0x12D30]  }
0x1a4: {  	v25 =	vld [tilespmem:s23+$0x11D30]  }
0x1a5: {  	v12 =	vnsel vm0, $0x0, v12;
	v33 =	vld [tilespmem:s23+$0x11D60]  }
0x1a6: {  	v14 =	vnsel vm0, $0x0, v14;
	v12 =	vmul.f32 v12, v9;
	v18 =	vld [tilespmem:s23+$0x12D40];
	v19 =	vmul.f32 v13, v11;
	s0 =	ssub.s32 s30, s31  }
0x1a7: {  	v14 =	vmul.f32 v14, v9;
	v15 =	vnsel vm0, $0x0, v15;
	v20 =	vld [tilespmem:s23+$0x12D50];
	s0 =	scvt.s32.f32 s0  }
0x1a8: {  	v15 =	vmul.f32 v15, v9;
	v21 =	vld [tilespmem:s23+$0x12D60];
	v13 =	vmul.f32 v13, v8;
	v12 =	vadd.f32 v12, v19  }
0x1a9: {  	v19 =	vld [tilespmem:s23+$0x11D00];
	v17 =	vnsel vm0, $0x0, v17;
	v27 =	vmul.f32 v25, v11;
	v30 =	vmov s0  }
0x1aa: {  	v23 =	vld [tilespmem:s23+$0x11D20];
	v34 =	vmul.f32 v33, v11;
	v12 =	vadd.f32 v12, v13;
	v13 =	vmax.f32 v30, $1.000000000e+00  }
0x1ab: {  	v22 =	vld [tilespmem:s23+$0x11D10];
	v16 =	vnsel vm0, $0x0, v16;
	v24 =	vmul.f32 v17, v9;
	(erf) = vrcp.f32 v13  }
0x1ac: {  	v16 =	vmul.f32 v16, v9;
	v17 =	vnsel vm0, $0x0, v20;
	v13 =	vnsel vm0, $0x0, v18;
	[tilespmem:s23+$0x13D70] =	vst v12;
	v12 =	vld [tilespmem:s23+$0x11D40]  }
0x1ad: {  	v29 =	vld [tilespmem:s23+$0x11D50];
	v28 =	vmul.f32 v17, v9;
	v18 =	vmul.f32 v13, v9  }
0x1ae: {  	v27 =	vadd.f32 v16, v27;
	v17 =	vmul.f32 v11, v19;
	v32 =	vmul.f32 v19, v8  }
0x1af: {  	v13 =	vnsel vm0, $0x0, v21;
	v19 =	vmul.f32 v23, v11;
	v21 =	vmul.f32 v23, v8  }
0x1b0: {  	s22 =	simm.s32 $0x80;
	v31 =	vmul.f32 v13, v9;
	v13 =	vmul.f32 v11, v22;
	v14 =	vadd.f32 v17, v14  }
0x1b1: {  	v20 =	vld [tilespmem:s22+$0x12D70];
	v17 =	vmul.f32 v22, v8;
	v26 =	vadd.f32 v24, v19;
	v24 =	vmul.f32 v12, v11  }
0x1b2: {  	v22 =	vadd.f32 v13, v15;
	v13 =	vld [tilespmem:s22+$0x11D70];
	v19 =	vmul.f32 v12, v8;
	v12 =	vmul.f32 v29, v11  }
0x1b3: {  	v23 =	vmul.f32 v25, v8;
	vm0 =	vgt.f32 v30, $0.0e+00;
	v15 =	vld [tilespmem:s22+$0x12D00];
	v25 =	vadd.f32 v18, v24  }
0x1b4: {  	s13 =	simm.s32 $0x600;
	s14 =	sld [smem:$0x3];
	v16 =	vld [tilespmem:s22+$0x12D10];
	v24 =	vmul.f32 v29, v8;
	v29 =	vadd.f32 v14, v32;
	v28 =	vadd.f32 v28, v12;
	v11 =	vpop (erf)  }
0x1b5: {  	s3 =	simm.s32 $0x3;
	s0 =	simm.s32 $0x400;
	v12 =	vmul.f32 v33, v8;
	v14 =	vadd.f32 v31, v34;
	s15 =	sld [smem:$0x2];
	v11 =	vmul.f32 v11, v10;
	v18 =	vld [tilespmem:s22+$0x12D20]  }
.LBB2_33:
0x1b6: {  	p0 =	sne.s32 s13, $0x3E00;
	v30 =	vld [tilespmem:s22+$0x12D30];
	v20 =	vnsel vm0, $0x0, v20;
	[tilespmem:s23+$0x13D00] =	vst v29;
	v17 =	vadd.f32 v22, v17;
	v21 =	vadd.f32 v26, v21  }
0x1b7: {  	v23 =	vadd.f32 v27, v23;
	v22 =	vld [tilespmem:s22+$0x12D40];
	v26 =	vmul.f32 v13, v11;
	v20 =	vmul.f32 v20, v9  }
0x1b8: {  	s4 =	ssub.s32 s14, s15;
	v15 =	vnsel vm0, $0x0, v15;
	v27 =	vld [tilespmem:s22+$0x12D50];
	[tilespmem:s23+$0x13D10] =	vst v17;
	v17 =	vadd.f32 v25, v19;
	v19 =	vadd.f32 v28, v24  }
0x1b9: {  	v13 =	vmul.f32 v13, v8;
	s4 =	scvt.s32.f32 s4;
	v16 =	vnsel vm0, $0x0, v16;
	v24 =	vld [tilespmem:s22+$0x12D60];
	v20 =	vadd.f32 v20, v26;
	[tilespmem:s23+$0x13D20] =	vst v21  }
0x1ba: {  	v15 =	vmul.f32 v15, v9;
	v21 =	vld [tilespmem:s22+$0x11D00];
	v16 =	vmul.f32 v16, v9;
	v18 =	vnsel vm0, $0x0, v18;
	[tilespmem:s23+$0x13D30] =	vst v23  }
0x1bb: {  	v31 =	vmov s4;
	v23 =	vld [tilespmem:s22+$0x11D10];
	v25 =	vnsel vm0, $0x0, v30;
	v13 =	vadd.f32 v20, v13;
	[tilespmem:s23+$0x13D40] =	vst v17  }
0x1bc: {  	v18 =	vmul.f32 v18, v9;
	v17 =	vmax.f32 v31, $1.000000000e+00;
	v20 =	vld [tilespmem:s22+$0x11D20];
	v22 =	vnsel vm0, $0x0, v22;
	[tilespmem:s23+$0x13D50] =	vst v19  }
0x1bd: {  	v25 =	vmul.f32 v25, v9;
	(erf) = vrcp.f32 v17;
	v19 =	vld [tilespmem:s22+$0x11D30];
	v17 =	vnsel vm0, $0x0, v27;
	[tilespmem:s22+$0x13D70] =	vst v13  }
0x1be: {  	v29 =	vmul.f32 v22, v9;
	v28 =	vld [tilespmem:s22+$0x11D40];
	v30 =	vmul.f32 v17, v9;
	v13 =	vnsel vm0, $0x0, v24  }
0x1bf: {  	v12 =	vadd.f32 v14, v12;
	v17 =	vmul.f32 v11, v21;
	v24 =	vld [tilespmem:s22+$0x11D50];
	v32 =	vmul.f32 v13, v9  }
0x1c0: {  	v14 =	vmul.f32 v21, v8;
	v13 =	vmul.f32 v11, v23;
	v33 =	vld [tilespmem:s22+$0x11D60]  }
0x1c1: {  	v34 =	vadd.f32 v17, v15;
	v17 =	vmul.f32 v23, v8;
	v15 =	vmul.f32 v20, v11;
	[tilespmem:s23+$0x13D60] =	vst v12;
	s23 =	smov.u32 s22  }
0x1c2: {  	s22 =	sshra.s32 s0, $0x2;
	v21 =	vmul.f32 v20, v8;
	s0 =	smov.u32 s13;
	v22 =	vadd.f32 v13, v16;
	v12 =	vmul.f32 v19, v11  }
.Ltmp24:
0x1c3: {  	v23 =	vmul.f32 v19, v8;
	v20 =	vld [tilespmem:s22+$0x12D70];
	v26 =	vadd.f32 v18, v15;
	v16 =	vmul.f32 v28, v11;
	(pc) =	sbr.rel @p0 .LBB2_33-.Ltmp24, $4  }
0x1c4: {  	v19 =	vmul.f32 v28, v8;
	v13 =	vld [tilespmem:s22+$0x11D70];
	v27 =	vadd.f32 v25, v12;
	v12 =	vmul.f32 v24, v11  }
0x1c5: {  	s3 =	sadd.s32 $0x1, s3;
	v24 =	vmul.f32 v24, v8;
	v15 =	vld [tilespmem:s22+$0x12D00];
	v25 =	vadd.f32 v29, v16;
	v35 =	vmul.f32 v33, v11  }
0x1c6: {  	v29 =	vadd.f32 v34, v14;
	s14 =	sld [smem:s3+$0x0];
	v16 =	vld [tilespmem:s22+$0x12D10];
	v11 =	vpop (erf);
	v28 =	vadd.f32 v30, v12;
	v12 =	vmul.f32 v33, v8  }
0x1c7: {  	vm0 =	vgt.f32 v31, $0.0e+00;
	s13 =	sadd.s32 $0x200, s13;
	s15 =	sld [smem:s3+$0xFFFFFFFF];
	v11 =	vmul.f32 v11, v10;
	v18 =	vld [tilespmem:s22+$0x12D20];
	v14 =	vadd.f32 v32, v35  }
0x1c8: {  	v30 =	vld [tilespmem:s22+$0x12D30];
	[tilespmem:s23+$0x13D00] =	vst v29;
	v17 =	vadd.f32 v22, v17;
	v21 =	vadd.f32 v26, v21;
	v20 =	vnsel vm0, $0x0, v20  }
0x1c9: {  	v23 =	vadd.f32 v27, v23;
	v36 =	vld [tilespmem:s22+$0x12D40];
	v37 =	vmul.f32 v13, v11;
	v20 =	vmul.f32 v20, v9  }
0x1ca: {  	v19 =	vadd.f32 v25, v19;
	v24 =	vadd.f32 v28, v24;
	v29 =	vld [tilespmem:s22+$0x12D50];
	[tilespmem:s23+$0x13D10] =	vst v17  }
0x1cb: {  	v38 =	vmul.f32 v13, v8;
	s3 =	ssub.s32 s14, s15;
	v41 =	vnsel vm0, $0x0, v15;
	v17 =	vld [tilespmem:s22+$0x12D60];
	[tilespmem:s23+$0x13D20] =	vst v21;
	v20 =	vadd.f32 v20, v37  }
0x1cc: {  	v12 =	vadd.f32 v14, v12;
	s3 =	scvt.s32.f32 s3;
	v16 =	vnsel vm0, $0x0, v16;
	v14 =	vmul.f32 v41, v9;
	v21 =	vld [tilespmem:s22+$0x11D00];
	[tilespmem:s23+$0x13D30] =	vst v23  }
0x1cd: {  	v43 =	vmul.f32 v16, v9;
	v18 =	vnsel vm0, $0x0, v18;
	v23 =	vld [tilespmem:s22+$0x11D10];
	[tilespmem:s23+$0x13D40] =	vst v19;
	v13 =	vadd.f32 v20, v38  }
0x1ce: {  	v44 =	vmov s3;
	v18 =	vmul.f32 v18, v9;
	v30 =	vnsel vm0, $0x0, v30;
	v19 =	vld [tilespmem:s22+$0x11D20];
	[tilespmem:s23+$0x13D50] =	vst v24  }
0x1cf: {  	v47 =	vmax.f32 v44, $1.000000000e+00;
	v22 =	vnsel vm0, $0x0, v36;
	v30 =	vmul.f32 v30, v9;
	v39 =	vld [tilespmem:s22+$0x11D30]  }
0x1d0: {  	v29 =	vnsel vm0, $0x0, v29;
	v40 =	vld [tilespmem:s22+$0x11D40];
	(erf) = vrcp.f32 v47;
	v22 =	vmul.f32 v22, v9  }
0x1d1: {  	[tilespmem:s22+$0x13D70] =	vst v13;
	v24 =	vld [tilespmem:s22+$0x11D50];
	v29 =	vmul.f32 v29, v9;
	v17 =	vnsel vm0, $0x0, v17;
	v45 =	vmul.f32 v11, v21  }
0x1d2: {  	s0 =	sshra.s32 s0, $0x2;
	v42 =	vld [tilespmem:s22+$0x11D60];
	[tilespmem:s23+$0x13D60] =	vst v12;
	v21 =	vmul.f32 v21, v8;
	v17 =	vmul.f32 v17, v9  }
0x1d3: {  	v46 =	vld [tilespmem:s0+$0x12D70];
	v48 =	vmul.f32 v11, v23;
	v23 =	vmul.f32 v23, v8  }
0x1d4: {  	vm15 =	vgt.f32 v44, $0.0e+00;
	v31 =	vld [tilespmem:s0+$0x11D70];
	v50 =	vmul.f32 v19, v11;
	v19 =	vmul.f32 v19, v8  }
0x1d5: {  	v49 =	vld [tilespmem:s0+$0x12D00];
	v14 =	vadd.f32 v45, v14;
	v54 =	vmul.f32 v39, v11;
	v32 =	vmul.f32 v40, v11  }
0x1d6: {  	v51 =	vld [tilespmem:s0+$0x12D10];
	v12 =	vadd.f32 v48, v43;
	v20 =	vmul.f32 v39, v8;
	v57 =	vmul.f32 v40, v8  }
0x1d7: {  	v52 =	vld [tilespmem:s0+$0x12D20];
	v58 =	vmul.f32 v24, v11;
	v24 =	vmul.f32 v24, v8;
	v14 =	vadd.f32 v14, v21  }
0x1d8: {  	v61 =	vmul.f32 v42, v11;
	v18 =	vadd.f32 v18, v50;
	v12 =	vadd.f32 v12, v23  }
0x1d9: {  	v53 =	vld [tilespmem:s0+$0x12D30];
	v15 =	vmul.f32 v42, v8;
	v59 =	vadd.f32 v22, v32;
	[tilespmem:s22+$0x13D00] =	vst v14;
	v14 =	vadd.f32 v30, v54  }
0x1da: {  	v13 =	vadd.f32 v29, v58;
	v32 =	vnsel vm15, $0x0, v46;
	v18 =	vadd.f32 v18, v19;
	v55 =	vld [tilespmem:s0+$0x12D40]  }
0x1db: {  	v36 =	vnsel vm15, $0x0, v49;
	v37 =	vnsel vm15, $0x0, v51;
	v56 =	vld [tilespmem:s0+$0x12D50];
	[tilespmem:s22+$0x13D10] =	vst v12;
	v14 =	vadd.f32 v14, v20  }
0x1dc: {  	v39 =	vmul.f32 v31, v8;
	v21 =	vnsel vm15, $0x0, v52;
	v12 =	vadd.f32 v59, v57;
	v60 =	vld [tilespmem:s0+$0x12D60];
	[tilespmem:s22+$0x13D20] =	vst v18  }
0x1dd: {  	v34 =	vmul.f32 v32, v9;
	v40 =	vmul.f32 v36, v9;
	v62 =	vpop (erf);
	v13 =	vadd.f32 v13, v24;
	v63 =	vld [tilespmem:s0+$0x11D00];
	[tilespmem:s22+$0x13D30] =	vst v14  }
0x1de: {  	v42 =	vnsel vm15, $0x0, v53;
	v43 =	vmul.f32 v21, v9;
	v10 =	vmul.f32 v62, v10;
	v35 =	vld [tilespmem:s0+$0x11D10];
	[tilespmem:s22+$0x13D40] =	vst v12  }
0x1df: {  	v11 =	vadd.f32 v17, v61;
	v46 =	vmul.f32 v42, v9;
	v20 =	vmul.f32 v37, v9;
	v41 =	vld [tilespmem:s0+$0x11D20];
	[tilespmem:s22+$0x13D50] =	vst v13  }
0x1e0: {  	v33 =	vmul.f32 v31, v10;
	v44 =	vnsel vm15, $0x0, v55;
	v47 =	vnsel vm15, $0x0, v56;
	v45 =	vld [tilespmem:s0+$0x11D30]  }
0x1e1: {  	v14 =	vmul.f32 v44, v9;
	v48 =	vld [tilespmem:s0+$0x11D40];
	v24 =	vmul.f32 v47, v9;
	v22 =	vnsel vm15, $0x0, v60  }
0x1e2: {  	v38 =	vadd.f32 v34, v33;
	v49 =	vmul.f32 v10, v63;
	v51 =	vmul.f32 v22, v9  }
0x1e3: {  	v11 =	vadd.f32 v11, v15;
	v50 =	vld [tilespmem:s0+$0x11D50];
	v16 =	vmul.f32 v63, v8;
	v52 =	vmul.f32 v10, v35  }
0x1e4: {  	v53 =	vld [tilespmem:s0+$0x11D60];
	v12 =	vadd.f32 v38, v39;
	v18 =	vmul.f32 v35, v8;
	v54 =	vmul.f32 v41, v10  }
0x1e5: {  	v17 =	vadd.f32 v49, v40;
	v19 =	vmul.f32 v41, v8;
	v55 =	vmul.f32 v45, v10  }
0x1e6: {  	v15 =	vadd.f32 v52, v20;
	v21 =	vmul.f32 v45, v8;
	v56 =	vmul.f32 v48, v10  }
0x1e7: {  	[tilespmem:s0+$0x13D70] =	vst v12;
	v16 =	vadd.f32 v17, v16;
	v57 =	vmul.f32 v48, v8;
	v13 =	vadd.f32 v43, v54  }
0x1e8: {  	[tilespmem:s22+$0x13D60] =	vst v11;
	v58 =	vmul.f32 v50, v10;
	v20 =	vadd.f32 v46, v55;
	v15 =	vadd.f32 v15, v18  }
0x1e9: {  	v10 =	vmul.f32 v53, v10;
	v12 =	vadd.f32 v14, v56;
	[tilespmem:s0+$0x13D00] =	vst v16;
	v13 =	vadd.f32 v13, v19  }
0x1ea: {  	v59 =	vmul.f32 v50, v8;
	v60 =	vadd.f32 v24, v58;
	v61 =	vadd.f32 v20, v21;
	[tilespmem:s0+$0x13D10] =	vst v15  }
0x1eb: {  	v8 =	vmul.f32 v53, v8;
	v9 =	vadd.f32 v51, v10;
	v62 =	vadd.f32 v12, v57;
	[tilespmem:s0+$0x13D20] =	vst v13  }
0x1ec: {  	v63 =	vadd.f32 v60, v59;
	[tilespmem:s0+$0x13D30] =	vst v61  }
0x1ed: {  	s21 =	sadd.s32 $0x1, s21;
	v8 =	vadd.f32 v9, v8;
	[tilespmem:s0+$0x13D40] =	vst v62  }
0x1ee: {  	p0 =	sne.s32 s21, s8;
	[tilespmem:s0+$0x13D50] =	vst v63  }
.Ltmp25:
0x1ef: {  	s31 =	simm.s32 $0x13D00;
	[tilespmem:s0+$0x13D60] =	vst v8;
	(pc) =	sbr.rel @p0 .LBB2_1-.Ltmp25, $4  }
0x1f0: {  	[hbm4b:s7+s2] =	stream.linear.scatter [tilespmem:s31], [sflag:$0x4], $0x1000, $0x38;
	[tilespmem:$0x14D00] =	vst v63  }
0x1f1: {  	_ =	swait.ge [sflag:s11], $0x1000  }
0x1f2: {  	[sflag:s11] =	ssyncset.done $0x0  }
0x1f3: {  	[sflag:s11] =	ssyncadd.s32 $0xFFFFF000  }
0x1f4: {  	_ =	sfence.sel $0x180000  }
0x1f5: {  	[bflag:$0x0] =	sbarrier.arrive $0xFFFF  }
0x1f6: {  	_ =	strace $0x90000047  }
0x1f7: {  	s0 =	stileid.u32;
	[bflag:$0x2] =	sbarrier.arrive $0xFFFF  }
0x1f8: {  	p0 =	sne.s32 s0, $0x0;
	s0 =	rddreg [dreg:$0x3]  }
0x1f9: {  	s0 =	sadd.s32 @!p0 $0x100000, s0  }
0x1fa: {  	[sflag:s0] =	ssyncadd.tile.s32 @!p0 $0x1;
	_ =	shalt  }
.Lfunc_end2:
_tile_overlayer_lowered:
.L_overlay_start_2:
0x1fb: {  	(tag) =	ssettag $0x2  }
0x1fc: {  	s0 =	rddreg [dreg:$0x0];
	s2 =	stileid.u32  }
0x1fd: {  	s1 =	rddreg [dreg:$0x1];
	p0 =	sne.s32 s2, $0x0  }
0x1fe: {  	s3 =	rddreg [dreg:$0x2];
	[bflag:$0x3] =	sbarrier.arrive $0xFFFF;
	s2 =	simm.s32 @!p0 $0x1C04  }
0x1ff: {  	[timem:s3], [sflag:s2] =	dma.local @!p0 [hbm:s0], s1  }
0x200: {  	s0 =	simm.s32 @!p0 $0x4  }
0x201: {  	_ =	swait.ge @!p0 [sflag:s0], s1  }
0x202: {  	s1 =	ssub.s32 @!p0 $0x0, s1;
	[sflag:s0] =	ssyncset.done @!p0 $0x0  }
0x203: {  	[sflag:s0] =	ssyncadd.s32 @!p0 s1  }
0x204: {  	[bflag:$0x3] =	sbarrier.arrive $0xFFFF  }
0x205: {  	_ =	shalt  }

</sc_bundles>
